<compile_context>
chip_gen: v7x
topology: tpu7x:2x2x1
jax: 0.10.2.dev20260603
libtpu: 0.0.44.dev20260713+nightly
codegen_flags: <defaults>
</compile_context>

<pallas_src>
import jax
import jax.numpy as jnp
from jax import lax
from jax.experimental import pallas as pl
from jax.experimental.pallas import tpu as pltpu
from jax.experimental.pallas import tpu_sc as plsc

_BS, _N, _D = 16, 16384, 128

_NB_TC = 14
_NB_SC = _BS - _NB_TC

_NSUB = 32
_SPB = _NSUB // _NB_SC
_LH = _N // _SPB
_W = 128
_NWIN = _LH // _W

_BLK = 16384
_NB = _N // _BLK


def _sc_body(pred_hbm, target_hbm, mask_hbm, out_hbm,
             mask_v, idx_v, rows_p0, rows_t0, rows_p1, rows_t1, acc_v,
             sem_p0, sem_t0, sem_p1, sem_t1):
    c = lax.axis_index("c")
    s = lax.axis_index("s")
    wid = s * 2 + c
    b = _NB_TC + wid // _SPB
    h = wid % _SPB
    start = b * _N + h * _LH

    pltpu.sync_copy(mask_hbm.at[pl.ds(start, _LH)], mask_v)

    safe = jnp.full((16,), start, jnp.int32)

    def prefill(i, carry):
        idx_v[pl.ds(i * 16, 16)] = safe
        return carry

    lax.fori_loop(0, _LH // 16, prefill, 0)

    def compact(i, off):
        mi = mask_v[pl.ds(i * 16, 16)]
        keep = mi != 0
        one = keep.astype(jnp.int32)
        csum = plsc.cumsum(one)
        pos = csum + (off - 1)
        rowids = lax.iota(jnp.int32, 16) + (start + i * 16)
        plsc.store_scatter(idx_v, [pos], rowids, mask=keep)
        return off + jnp.sum(one)

    count = lax.fori_loop(0, _LH // 16, compact, jnp.int32(0))

    nwin = (count + _W - 1) // _W

    zero = jnp.zeros((16,), jnp.float32)
    acc_v[pl.ds(0, 16)] = zero
    acc_v[pl.ds(16, 16)] = zero
    acc_v[pl.ds(32, 16)] = zero

    slots = ((rows_p0, rows_t0, sem_p0, sem_t0),
             (rows_p1, rows_t1, sem_p1, sem_t1))

    def issue(w, slot):
        rp, rt, sp, st = slot
        idx_slice = idx_v.at[pl.ds(w * _W, _W)]
        pltpu.async_copy(pred_hbm.at[idx_slice], rp, sp)
        pltpu.async_copy(target_hbm.at[idx_slice], rt, st)

    @pl.when(nwin > 0)
    def _():
        issue(0, slots[0])

    for w in range(_NWIN):
        rp, rt, sp, st = slots[w % 2]

        if w + 1 < _NWIN:
            @pl.when(w + 1 < nwin)
            def _(w=w):
                issue(w + 1, slots[(w + 1) % 2])

        @pl.when(w < nwin)
        def _(w=w, rp=rp, rt=rt, sp=sp, st=st):
            idx_slice = idx_v.at[pl.ds(w * _W, _W)]
            pltpu.make_async_copy(pred_hbm.at[idx_slice], rp, sp).wait()
            pltpu.make_async_copy(target_hbm.at[idx_slice], rt, st).wait()
            nrows = jnp.minimum(count - w * _W, _W)

            def row(r, a):
                a1, a2, a3 = a
                for ch in range(_D // 16):
                    pch = rp[r, pl.ds(ch * 16, 16)]
                    tch = rt[r, pl.ds(ch * 16, 16)]
                    a1 = a1 + pch * tch
                    a2 = a2 + pch * pch
                    a3 = a3 + tch * tch
                return (a1, a2, a3)

            a0 = (acc_v[pl.ds(0, 16)], acc_v[pl.ds(16, 16)], acc_v[pl.ds(32, 16)])
            a1, a2, a3 = lax.fori_loop(0, nrows, row, a0)
            acc_v[pl.ds(0, 16)] = a1
            acc_v[pl.ds(16, 16)] = a2
            acc_v[pl.ds(32, 16)] = a3

    acc_v[pl.ds(48, 16)] = jnp.full((16,), 1.0, jnp.float32) * count.astype(jnp.float32)
    pltpu.sync_copy(acc_v, out_hbm.at[wid])


def _sc_call(pred_flat, target_flat, mask_flat):
    mesh = plsc.VectorSubcoreMesh(core_axis_name="c", subcore_axis_name="s")
    kern = pl.kernel(
        _sc_body,
        out_type=jax.ShapeDtypeStruct((_NSUB, 64), jnp.float32),
        mesh=mesh,
        scratch_types=[
            pltpu.VMEM((_LH,), jnp.int32),
            pltpu.VMEM((_LH,), jnp.int32),
            pltpu.VMEM((_W, _D), jnp.float32),
            pltpu.VMEM((_W, _D), jnp.float32),
            pltpu.VMEM((_W, _D), jnp.float32),
            pltpu.VMEM((_W, _D), jnp.float32),
            pltpu.VMEM((64,), jnp.float32),
            pltpu.SemaphoreType.DMA,
            pltpu.SemaphoreType.DMA,
            pltpu.SemaphoreType.DMA,
            pltpu.SemaphoreType.DMA,
        ],
        compiler_params=pltpu.CompilerParams(needs_layout_passes=False),
    )
    return kern(pred_flat, target_flat, mask_flat)


def _tc_body(mask_ref, pred_ref, target_ref, out_ref, acc_ref, cnt_ref):
    b = pl.program_id(0)
    i = pl.program_id(1)

    @pl.when(jnp.logical_and(b == 0, i == 0))
    def _():
        out_ref[0, 0] = 0.0

    @pl.when(i == 0)
    def _():
        acc_ref[...] = jnp.zeros_like(acc_ref)
        cnt_ref[0] = 0.0

    m = (mask_ref[0, 0, :] != 0).astype(jnp.float32)
    mf = m[:, None]
    p = pred_ref[0]
    t = target_ref[0]
    mp = (p * mf).reshape(_BLK // 8, 8, _D)
    mt = (t * mf).reshape(_BLK // 8, 8, _D)
    pr = p.reshape(_BLK // 8, 8, _D)
    tr = t.reshape(_BLK // 8, 8, _D)
    acc_ref[0] += jnp.sum(mp * tr, axis=0)
    acc_ref[1] += jnp.sum(mp * pr, axis=0)
    acc_ref[2] += jnp.sum(mt * tr, axis=0)
    cnt_ref[0] += jnp.sum(m)

    @pl.when(i == _NB - 1)
    def _():
        dot = jnp.sum(acc_ref[0])
        pp = jnp.sum(acc_ref[1])
        tt = jnp.sum(acc_ref[2])
        cnt = cnt_ref[0]
        denom = jnp.sqrt(pp) * jnp.sqrt(tt)
        safe = jnp.where(denom > 0.0, denom, 1.0)
        loss = jnp.where(cnt > 0.0, -dot / safe, 0.0)
        out_ref[0, 0] += loss / _BS


def _tc_call(mask3, pred, target, b0, nb):
    return pl.pallas_call(
        _tc_body,
        grid=(nb, _NB),
        in_specs=[
            pl.BlockSpec((1, 1, _BLK), lambda b, i: ((b0 + b) * _NB + i, 0, 0)),
            pl.BlockSpec((1, _BLK, _D), lambda b, i: (b0 + b, i, 0)),
            pl.BlockSpec((1, _BLK, _D), lambda b, i: (b0 + b, i, 0)),
        ],
        out_specs=pl.BlockSpec(memory_space=pltpu.SMEM),
        out_shape=jax.ShapeDtypeStruct((1, 1), jnp.float32),
        scratch_shapes=[pltpu.VMEM((3, 8, _D), jnp.float32),
                        pltpu.SMEM((1,), jnp.float32)],
    )(mask3, pred, target)


def kernel(pred, target, mask):
    pred_flat = pred.reshape(_BS * _N, _D)
    target_flat = target.reshape(_BS * _N, _D)
    mask_flat = mask.reshape(_BS * _N)
    mask3 = mask.reshape(_BS * _NB, 1, _BLK)

    tc = _tc_call(mask3, pred, target, 0, _NB_TC)
    sc = _sc_call(pred_flat, target_flat, mask_flat)

    scr = sc.reshape(_NB_SC, _SPB, 4, 16)
    dot = jnp.sum(scr[:, :, 0, :], axis=(1, 2))
    pp = jnp.sum(scr[:, :, 1, :], axis=(1, 2))
    tt = jnp.sum(scr[:, :, 2, :], axis=(1, 2))
    cnt = jnp.sum(scr[:, :, 3, 0], axis=1)

    denom = jnp.sqrt(pp) * jnp.sqrt(tt)
    safe = jnp.where(denom > 0.0, denom, 1.0)
    losses = jnp.where(cnt > 0.0, -dot / safe, 0.0)
    return tc[0, 0] + jnp.sum(losses) / _BS

# --- scband reference (transcript-rebuilt; emitter-appended) ---
"""Pipeline reference for scband-loss-kernel-matching-mask-batch-14499809591887 (READ-ONLY COPY).

The authoritative reference and input builder live on the scoring server;
editing this copy changes nothing except your own understanding.
"""

import jax, jax.numpy as jnp
import numpy as np

BS, N, D = 16, 16384, 128

def setup_inputs(seed: int = 0) -> dict:
    key = jax.random.key(seed)
    k1, k2, k3 = jax.random.split(key, 3)
    pred = jax.random.normal(k1, (BS, N, D), dtype=jnp.float32)
    target = jax.random.normal(k2, (BS, N, D), dtype=jnp.float32)
    mask = jax.random.randint(k3, (BS, N, 1), 0, 2, dtype=jnp.int32)
    return {"pred": pred, "target": target, "mask": mask}

def reference(pred, target, mask):
    # Faithful vectorization of the per-sample loop:
    # for each l: idSet = nonzero(mask[l].view(-1));
    #   loss[l] = -(pred[l,idSet,:]*target[l,idSet,:]).sum() / (||target[l,idSet,:]||_2 * ||pred[l,idSet,:]||_2)
    # or 0 when idSet is empty. Selecting rows by idSet and reducing over all d
    # is exactly a mask-weighted reduction over (N, D).
    m = (mask.reshape(BS, N).astype(jnp.float32) != 0).astype(jnp.float32)[:, :, None]
    tgt = target.astype(jnp.float32)
    no_pr = jnp.sqrt(jnp.sum(m * pred * pred, axis=(1, 2)))
    no_gt = jnp.sqrt(jnp.sum(m * tgt * tgt, axis=(1, 2)))
    dot = jnp.sum(m * pred * tgt, axis=(1, 2))
    count = jnp.sum(m, axis=(1, 2))
    denom = no_gt * no_pr
    safe_denom = jnp.where(denom > 0, denom, 1.0)
    losses = jnp.where(count > 0, -dot / safe_denom, 0.0)
    return jnp.sum(losses) / BS

if __name__ == "__main__":
    import jax
    _d = setup_inputs()
    print(jax.jit(kernel)(*tuple(_d.values())))

</pallas_src>

<mosaic_0001>
#map = affine_map<(d0, d1) -> (0, 0)>
#map1 = affine_map<(d0, d1) -> (0)>
module attributes {stable_mosaic.version = 14 : i64} {
  func.func @_sc_body(%arg0: i32, %arg1: i32, %arg2: memref<262144x128xf32, #tpu.memory_space<hbm>>, %arg3: memref<262144x128xf32, #tpu.memory_space<hbm>>, %arg4: memref<262144xi32, #tpu.memory_space<hbm>>, %arg5: memref<32x64xf32, #tpu.memory_space<hbm>>, %arg6: memref<1024xi32, #tpu.memory_space<vmem>>, %arg7: memref<1024xi32, #tpu.memory_space<vmem>>, %arg8: memref<128x128xf32, #tpu.memory_space<vmem>>, %arg9: memref<128x128xf32, #tpu.memory_space<vmem>>, %arg10: memref<128x128xf32, #tpu.memory_space<vmem>>, %arg11: memref<128x128xf32, #tpu.memory_space<vmem>>, %arg12: memref<64xf32, #tpu.memory_space<vmem>>, %arg13: memref<!tpu.dma_semaphore, #tpu.memory_space<semaphore_mem>>, %arg14: memref<!tpu.dma_semaphore, #tpu.memory_space<semaphore_mem>>, %arg15: memref<!tpu.dma_semaphore, #tpu.memory_space<semaphore_mem>>, %arg16: memref<!tpu.dma_semaphore, #tpu.memory_space<semaphore_mem>>) attributes {dimension_semantics = [#tpu.dimension_semantics<core_parallel>, #tpu.dimension_semantics<subcore_parallel>], iteration_bounds = array<i64: 2, 16>, scalar_prefetch = 0 : i64, scratch_operands = 11 : i64, tpu.core_type = #tpu.core_type<sc_vector_subcore>, window_params = [{transform_indices = #map}, {transform_indices = #map}, {transform_indices = #map1}, {transform_indices = #map}]} {
    %mul3A = arith.constant 2 : i32
    %mul3A_0 = arith.muli %arg1, %mul3A : i32
    %add3A = arith.addi %mul3A_0, %arg0 : i32
    %jit3A = arith.constant 16 : i32
    %div3A = arith.divsi %add3A, %jit3A : i32
    %sign3A = arith.constant 0 : i32
    %sign3A_1 = arith.cmpi sgt, %add3A, %sign3A : i32
    %sign3A_2 = arith.extui %sign3A_1 : i1 to i32
    %sign3A_3 = arith.constant 0 : i32
    %sign3A_4 = arith.cmpi slt, %add3A, %sign3A_3 : i32
    %sign3A_5 = arith.extui %sign3A_4 : i1 to i32
    %sign3A_6 = arith.subi %sign3A_2, %sign3A_5 : i32
    %sign3A_7 = arith.constant 0 : i32
    %sign3A_8 = arith.cmpi sgt, %jit3A, %sign3A_7 : i32
    %sign3A_9 = arith.extui %sign3A_8 : i1 to i32
    %sign3A_10 = arith.constant 0 : i32
    %sign3A_11 = arith.cmpi slt, %jit3A, %sign3A_10 : i32
    %sign3A_12 = arith.extui %sign3A_11 : i1 to i32
    %sign3A_13 = arith.subi %sign3A_9, %sign3A_12 : i32
    %ne3A = arith.cmpi ne, %sign3A_6, %sign3A_13 : i32
    %rem3A = arith.remsi %add3A, %jit3A : i32
    %ne3A_14 = arith.constant 0 : i32
    %ne3A_15 = arith.cmpi ne, %rem3A, %ne3A_14 : i32
    %and3A = arith.andi %ne3A, %ne3A_15 : i1
    %sub3A = arith.constant 1 : i32
    %sub3A_16 = arith.subi %div3A, %sub3A : i32
    %select_n3A = arith.select %and3A, %sub3A_16, %div3A : i32
    %add3A_17 = arith.constant 14 : i32
    %add3A_18 = arith.addi %add3A_17, %select_n3A : i32
    %jit3A_19 = arith.constant 16 : i32
    %eq3A = arith.constant 0 : i32
    %eq3A_20 = arith.cmpi eq, %jit3A_19, %eq3A : i32
    %jit3A_21 = arith.constant 1 : i32
    %select_n3A_22 = arith.select %eq3A_20, %jit3A_21, %jit3A_19 : i32
    %rem3A_23 = arith.remsi %add3A, %select_n3A_22 : i32
    %ne3A_24 = arith.constant 0 : i32
    %ne3A_25 = arith.cmpi ne, %rem3A_23, %ne3A_24 : i32
    %lt3A = arith.constant 0 : i32
    %lt3A_26 = arith.cmpi slt, %rem3A_23, %lt3A : i32
    %lt3A_27 = arith.constant 0 : i32
    %lt3A_28 = arith.cmpi slt, %select_n3A_22, %lt3A_27 : i32
    %ne3A_29 = arith.xori %lt3A_26, %lt3A_28 : i1
    %and3A_30 = arith.andi %ne3A_29, %ne3A_25 : i1
    %add3A_31 = arith.addi %rem3A_23, %select_n3A_22 : i32
    %select_n3A_32 = arith.select %and3A_30, %add3A_31, %rem3A_23 : i32
    %mul3A_33 = arith.constant 16384 : i32
    %mul3A_34 = arith.muli %add3A_18, %mul3A_33 : i32
    %mul3A_35 = arith.constant 1024 : i32
    %mul3A_36 = arith.muli %select_n3A_32, %mul3A_35 : i32
    %add3A_37 = arith.addi %mul3A_34, %mul3A_36 : i32
    "tpu.region"() ({
      %run_scoped3A = tpu.sem_alloc : memref<!tpu.dma_semaphore, #tpu.memory_space<semaphore_mem>>
      %dma_start3A = tpu.memref_slice %arg4[%add3A_37] : memref<262144xi32, #tpu.memory_space<hbm>> -> memref<1024xi32, #tpu.memory_space<hbm>>
      %dma_start3A_169 = tpu.memref_slice %arg4[%add3A_37] : memref<262144xi32, #tpu.memory_space<hbm>> -> memref<1024xi32, #tpu.memory_space<hbm>>
      tpu.enqueue_dma source(%dma_start3A_169 : memref<1024xi32, #tpu.memory_space<hbm>>) target(%arg6 : memref<1024xi32, #tpu.memory_space<vmem>>) target_semaphore(%run_scoped3A : memref<!tpu.dma_semaphore, #tpu.memory_space<semaphore_mem>>)
      %dma_wait3A = tpu.memref_slice %arg4[%add3A_37] : memref<262144xi32, #tpu.memory_space<hbm>> -> memref<1024xi32, #tpu.memory_space<hbm>>
      %dma_wait3A_170 = tpu.memref_slice %arg4[%add3A_37] : memref<262144xi32, #tpu.memory_space<hbm>> -> memref<1024xi32, #tpu.memory_space<hbm>>
      tpu.wait_dma2 semaphore(%run_scoped3A : memref<!tpu.dma_semaphore, #tpu.memory_space<semaphore_mem>>) src(%dma_wait3A_170 : memref<1024xi32, #tpu.memory_space<hbm>>) dst(%arg6 : memref<1024xi32, #tpu.memory_space<vmem>>)
      tpu.yield
    }) : () -> ()
    %broadcast_in_dim3A = vector.broadcast %add3A_37 : i32 to vector<16xi32>
    %scan3A = arith.constant 0 : i32
    %scan3A_38 = arith.constant 0 : i32
    %scan3A_39 = arith.constant 64 : i32
    %scan3A_40 = arith.addi %scan3A_38, %scan3A_39 : i32
    %scan3A_41 = arith.constant 1 : i32
    scf.for %scan3A_169 = %scan3A_38 to %scan3A_40 step %scan3A_41  : i32 {
      %mul3A_170 = arith.constant 16 : i32
      %mul3A_171 = arith.muli %scan3A_169, %mul3A_170 : i32
      %swap3A_172 = arith.index_cast %mul3A_171 : i32 to index
      %swap3A_173 = tpu.vector_load %arg7[%swap3A_172] {strides = array<i32>} : memref<1024xi32, #tpu.memory_space<vmem>>, vector<16xi32>,
      tpu.vector_store %arg7[%swap3A_172], %broadcast_in_dim3A {strides = array<i32>} : memref<1024xi32, #tpu.memory_space<vmem>>, vector<16xi32>,
    }
    %scan3A_42 = arith.constant 64 : i32
    %scan3A_43 = arith.constant 0 : i32
    %scan3A_44 = arith.constant 0 : i32
    %scan3A_45 = arith.constant 64 : i32
    %scan3A_46 = arith.addi %scan3A_44, %scan3A_45 : i32
    %scan3A_47 = arith.constant 1 : i32
    %scan3A_48 = scf.for %scan3A_169 = %scan3A_44 to %scan3A_46 step %scan3A_47 iter_args(%scan3A_170 = %scan3A_43) -> (i32)  : i32 {
      %mul3A_171 = arith.constant 16 : i32
      %mul3A_172 = arith.muli %scan3A_169, %mul3A_171 : i32
      %get3A = arith.index_cast %mul3A_172 : i32 to index
      %get3A_173 = tpu.vector_load %arg6[%get3A] {strides = array<i32>} : memref<1024xi32, #tpu.memory_space<vmem>>, vector<16xi32>,
      %ne3A_174 = arith.constant 0 : i32
      %ne3A_175 = vector.broadcast %ne3A_174 : i32 to vector<16xi32>
      %ne3A_176 = arith.cmpi ne, %get3A_173, %ne3A_175 : vector<16xi32>
      %convert_element_type3A_177 = arith.extui %ne3A_176 : vector<16xi1> to vector<16xi32>
      %broadcast_in_dim3A_178 = arith.constant true
      %broadcast_in_dim3A_179 = vector.broadcast %broadcast_in_dim3A_178 : i1 to vector<16xi1>
      %masked_cumsum3A = tpu.scan <sum>, %convert_element_type3A_177 masked %broadcast_in_dim3A_179 : vector<16xi32>, vector<16xi1> -> vector<16xi32>
      %sub3A_180 = arith.constant 1 : i32
      %sub3A_181 = arith.subi %scan3A_170, %sub3A_180 : i32
      %add3A_182 = vector.broadcast %sub3A_181 : i32 to vector<16xi32>
      %add3A_183 = arith.addi %masked_cumsum3A, %add3A_182 : vector<16xi32>
      %iota3A = tpu.iota {dimensions = array<i32: 0>} : vector<16xi32>
      %mul3A_184 = arith.constant 16 : i32
      %mul3A_185 = arith.muli %scan3A_169, %mul3A_184 : i32
      %add3A_186 = arith.addi %add3A_37, %mul3A_185 : i32
      %add3A_187 = vector.broadcast %add3A_186 : i32 to vector<16xi32>
      %add3A_188 = arith.addi %iota3A, %add3A_187 : vector<16xi32>
      tpu.vector_store_idx %arg7[%add3A_183], %add3A_188 masked %ne3A_176 : memref<1024xi32, #tpu.memory_space<vmem>>[vector<16xi32>], vector<16xi32>, vector<16xi1>
      %reduce_sum3A = arith.constant true
      %reduce_sum3A_189 = vector.broadcast %reduce_sum3A : i1 to vector<16xi1>
      %reduce_sum3A_190 = tpu.scan <sum>, %convert_element_type3A_177 masked %reduce_sum3A_189 : vector<16xi32>, vector<16xi1> -> vector<16xi32>
      %reduce_sum3A_191 = vector.extract %reduce_sum3A_190[15] : i32 from vector<16xi32>
      %add3A_192 = arith.addi %scan3A_170, %reduce_sum3A_191 : i32
      scf.yield %add3A_192 : i32
    }
    %scan3A_49 = arith.constant 64 : i32
    %add3A_50 = arith.constant 128 : i32
    %add3A_51 = arith.addi %scan3A_48, %add3A_50 : i32
    %sub3A_52 = arith.constant 1 : i32
    %sub3A_53 = arith.subi %add3A_51, %sub3A_52 : i32
    %jit3A_54 = arith.constant 128 : i32
    %div3A_55 = arith.divsi %sub3A_53, %jit3A_54 : i32
    %sign3A_56 = arith.constant 0 : i32
    %sign3A_57 = arith.cmpi sgt, %sub3A_53, %sign3A_56 : i32
    %sign3A_58 = arith.extui %sign3A_57 : i1 to i32
    %sign3A_59 = arith.constant 0 : i32
    %sign3A_60 = arith.cmpi slt, %sub3A_53, %sign3A_59 : i32
    %sign3A_61 = arith.extui %sign3A_60 : i1 to i32
    %sign3A_62 = arith.subi %sign3A_58, %sign3A_61 : i32
    %sign3A_63 = arith.constant 0 : i32
    %sign3A_64 = arith.cmpi sgt, %jit3A_54, %sign3A_63 : i32
    %sign3A_65 = arith.extui %sign3A_64 : i1 to i32
    %sign3A_66 = arith.constant 0 : i32
    %sign3A_67 = arith.cmpi slt, %jit3A_54, %sign3A_66 : i32
    %sign3A_68 = arith.extui %sign3A_67 : i1 to i32
    %sign3A_69 = arith.subi %sign3A_65, %sign3A_68 : i32
    %ne3A_70 = arith.cmpi ne, %sign3A_62, %sign3A_69 : i32
    %rem3A_71 = arith.remsi %sub3A_53, %jit3A_54 : i32
    %ne3A_72 = arith.constant 0 : i32
    %ne3A_73 = arith.cmpi ne, %rem3A_71, %ne3A_72 : i32
    %and3A_74 = arith.andi %ne3A_70, %ne3A_73 : i1
    %sub3A_75 = arith.constant 1 : i32
    %sub3A_76 = arith.subi %div3A_55, %sub3A_75 : i32
    %select_n3A_77 = arith.select %and3A_74, %sub3A_76, %div3A_55 : i32
    %broadcast_in_dim3A_78 = arith.constant 0.000000e+00 : f32
    %broadcast_in_dim3A_79 = vector.broadcast %broadcast_in_dim3A_78 : f32 to vector<16xf32>
    %swap3A = arith.constant 0 : index
    %swap3A_80 = tpu.vector_load %arg12[%swap3A] {strides = array<i32>} : memref<64xf32, #tpu.memory_space<vmem>>, vector<16xf32>,
    tpu.vector_store %arg12[%swap3A], %broadcast_in_dim3A_79 {strides = array<i32>} : memref<64xf32, #tpu.memory_space<vmem>>, vector<16xf32>,
    %swap3A_81 = arith.constant 16 : index
    %swap3A_82 = tpu.vector_load %arg12[%swap3A_81] {strides = array<i32>} : memref<64xf32, #tpu.memory_space<vmem>>, vector<16xf32>,
    tpu.vector_store %arg12[%swap3A_81], %broadcast_in_dim3A_79 {strides = array<i32>} : memref<64xf32, #tpu.memory_space<vmem>>, vector<16xf32>,
    %swap3A_83 = arith.constant 32 : index
    %swap3A_84 = tpu.vector_load %arg12[%swap3A_83] {strides = array<i32>} : memref<64xf32, #tpu.memory_space<vmem>>, vector<16xf32>,
    tpu.vector_store %arg12[%swap3A_83], %broadcast_in_dim3A_79 {strides = array<i32>} : memref<64xf32, #tpu.memory_space<vmem>>, vector<16xf32>,
    %gt3A = arith.constant 0 : i32
    %gt3A_85 = arith.cmpi sgt, %select_n3A_77, %gt3A : i32
    %convert_element_type3A = arith.extui %gt3A_85 : i1 to i32
    %cond3A = arith.constant 0 : i32
    %cond3A_86 = arith.cmpi ne, %convert_element_type3A, %cond3A : i32
    scf.if %cond3A_86 {
      %dma_start3A = arith.constant 0 : i32
      %dma_start3A_169 = tpu.memref_slice %arg7[%dma_start3A] : memref<1024xi32, #tpu.memory_space<vmem>> -> memref<128xi32, #tpu.memory_space<vmem>>
      %dma_start3A_170 = arith.constant 0 : i32
      %dma_start3A_171 = arith.constant 0 : i32
      %dma_start3A_172 = tpu.memref_slice %arg2[%dma_start3A_170, %dma_start3A_171] : memref<262144x128xf32, #tpu.memory_space<hbm>> -> memref<262144x128xf32, #tpu.memory_space<hbm>>
      tpu.enqueue_indirect_dma source(%dma_start3A_172 : memref<262144x128xf32, #tpu.memory_space<hbm>>) target(%arg8 : memref<128x128xf32, #tpu.memory_space<vmem>>) offsets(%dma_start3A_169 : memref<128xi32, #tpu.memory_space<vmem>>) semaphore(%arg13 : memref<!tpu.dma_semaphore, #tpu.memory_space<semaphore_mem>>)
      %dma_start3A_173 = arith.constant 0 : i32
      %dma_start3A_174 = tpu.memref_slice %arg7[%dma_start3A_173] : memref<1024xi32, #tpu.memory_space<vmem>> -> memref<128xi32, #tpu.memory_space<vmem>>
      %dma_start3A_175 = arith.constant 0 : i32
      %dma_start3A_176 = arith.constant 0 : i32
      %dma_start3A_177 = tpu.memref_slice %arg3[%dma_start3A_175, %dma_start3A_176] : memref<262144x128xf32, #tpu.memory_space<hbm>> -> memref<262144x128xf32, #tpu.memory_space<hbm>>
      tpu.enqueue_indirect_dma source(%dma_start3A_177 : memref<262144x128xf32, #tpu.memory_space<hbm>>) target(%arg9 : memref<128x128xf32, #tpu.memory_space<vmem>>) offsets(%dma_start3A_174 : memref<128xi32, #tpu.memory_space<vmem>>) semaphore(%arg14 : memref<!tpu.dma_semaphore, #tpu.memory_space<semaphore_mem>>)
    } else {
    }
    %gt3A_87 = arith.constant 1 : i32
    %gt3A_88 = arith.cmpi sgt, %select_n3A_77, %gt3A_87 : i32
    %convert_element_type3A_89 = arith.extui %gt3A_88 : i1 to i32
    %cond3A_90 = arith.constant 0 : i32
    %cond3A_91 = arith.cmpi ne, %convert_element_type3A_89, %cond3A_90 : i32
    scf.if %cond3A_91 {
      %dma_start3A = arith.constant 128 : i32
      %dma_start3A_169 = tpu.memref_slice %arg7[%dma_start3A] : memref<1024xi32, #tpu.memory_space<vmem>> -> memref<128xi32, #tpu.memory_space<vmem>>
      %dma_start3A_170 = arith.constant 0 : i32
      %dma_start3A_171 = arith.constant 0 : i32
      %dma_start3A_172 = tpu.memref_slice %arg2[%dma_start3A_170, %dma_start3A_171] : memref<262144x128xf32, #tpu.memory_space<hbm>> -> memref<262144x128xf32, #tpu.memory_space<hbm>>
      tpu.enqueue_indirect_dma source(%dma_start3A_172 : memref<262144x128xf32, #tpu.memory_space<hbm>>) target(%arg10 : memref<128x128xf32, #tpu.memory_space<vmem>>) offsets(%dma_start3A_169 : memref<128xi32, #tpu.memory_space<vmem>>) semaphore(%arg15 : memref<!tpu.dma_semaphore, #tpu.memory_space<semaphore_mem>>)
      %dma_start3A_173 = arith.constant 128 : i32
      %dma_start3A_174 = tpu.memref_slice %arg7[%dma_start3A_173] : memref<1024xi32, #tpu.memory_space<vmem>> -> memref<128xi32, #tpu.memory_space<vmem>>
      %dma_start3A_175 = arith.constant 0 : i32
      %dma_start3A_176 = arith.constant 0 : i32
      %dma_start3A_177 = tpu.memref_slice %arg3[%dma_start3A_175, %dma_start3A_176] : memref<262144x128xf32, #tpu.memory_space<hbm>> -> memref<262144x128xf32, #tpu.memory_space<hbm>>
      tpu.enqueue_indirect_dma source(%dma_start3A_177 : memref<262144x128xf32, #tpu.memory_space<hbm>>) target(%arg11 : memref<128x128xf32, #tpu.memory_space<vmem>>) offsets(%dma_start3A_174 : memref<128xi32, #tpu.memory_space<vmem>>) semaphore(%arg16 : memref<!tpu.dma_semaphore, #tpu.memory_space<semaphore_mem>>)
    } else {
    }
    %gt3A_92 = arith.constant 0 : i32
    %gt3A_93 = arith.cmpi sgt, %select_n3A_77, %gt3A_92 : i32
    %convert_element_type3A_94 = arith.extui %gt3A_93 : i1 to i32
    %cond3A_95 = arith.constant 0 : i32
    %cond3A_96 = arith.cmpi ne, %convert_element_type3A_94, %cond3A_95 : i32
    scf.if %cond3A_96 {
      %dma_wait3A = arith.constant 0 : i32
      %dma_wait3A_169 = tpu.memref_slice %arg7[%dma_wait3A] : memref<1024xi32, #tpu.memory_space<vmem>> -> memref<128xi32, #tpu.memory_space<vmem>>
      %dma_wait3A_170 = arith.constant 0 : i32
      %dma_wait3A_171 = arith.constant 0 : i32
      %dma_wait3A_172 = tpu.memref_slice %arg2[%dma_wait3A_170, %dma_wait3A_171] : memref<262144x128xf32, #tpu.memory_space<hbm>> -> memref<262144x128xf32, #tpu.memory_space<hbm>>
      tpu.wait_indirect_dma semaphore(%arg13 : memref<!tpu.dma_semaphore, #tpu.memory_space<semaphore_mem>>) src(%dma_wait3A_172 : memref<262144x128xf32, #tpu.memory_space<hbm>>) dst(%arg8 : memref<128x128xf32, #tpu.memory_space<vmem>>)
      %dma_wait3A_173 = arith.constant 0 : i32
      %dma_wait3A_174 = tpu.memref_slice %arg7[%dma_wait3A_173] : memref<1024xi32, #tpu.memory_space<vmem>> -> memref<128xi32, #tpu.memory_space<vmem>>
      %dma_wait3A_175 = arith.constant 0 : i32
      %dma_wait3A_176 = arith.constant 0 : i32
      %dma_wait3A_177 = tpu.memref_slice %arg3[%dma_wait3A_175, %dma_wait3A_176] : memref<262144x128xf32, #tpu.memory_space<hbm>> -> memref<262144x128xf32, #tpu.memory_space<hbm>>
      tpu.wait_indirect_dma semaphore(%arg14 : memref<!tpu.dma_semaphore, #tpu.memory_space<semaphore_mem>>) src(%dma_wait3A_177 : memref<262144x128xf32, #tpu.memory_space<hbm>>) dst(%arg9 : memref<128x128xf32, #tpu.memory_space<vmem>>)
      %sub3A_178 = arith.constant 0 : i32
      %sub3A_179 = arith.subi %scan3A_48, %sub3A_178 : i32
      %min3A = arith.constant 128 : i32
      %min3A_180 = arith.minsi %sub3A_179, %min3A : i32
      %get3A = arith.constant 0 : index
      %get3A_181 = tpu.vector_load %arg12[%get3A] {strides = array<i32>} : memref<64xf32, #tpu.memory_space<vmem>>, vector<16xf32>,
      %get3A_182 = arith.constant 16 : index
      %get3A_183 = tpu.vector_load %arg12[%get3A_182] {strides = array<i32>} : memref<64xf32, #tpu.memory_space<vmem>>, vector<16xf32>,
      %get3A_184 = arith.constant 32 : index
      %get3A_185 = tpu.vector_load %arg12[%get3A_184] {strides = array<i32>} : memref<64xf32, #tpu.memory_space<vmem>>, vector<16xf32>,
      %while3A = arith.constant 0 : i32
      %while3A_186 = arith.subi %min3A_180, %while3A : i32
      %while3A_187 = arith.addi %while3A, %while3A_186 : i32
      %while3A_188 = arith.constant 1 : i32
      %while3A_189 = arith.divsi %while3A_186, %while3A_188 : i32
      %while3A_190 = arith.muli %while3A_189, %while3A_188 : i32
      %while3A_191 = arith.addi %while3A, %while3A_190 : i32
      %while3A_192 = arith.constant 1 : i32
      %while3A_193:3 = scf.for %while3A_202 = %while3A to %while3A_191 step %while3A_192 iter_args(%while3A_203 = %get3A_181, %while3A_204 = %get3A_183, %while3A_205 = %get3A_185) -> (vector<16xf32>, vector<16xf32>, vector<16xf32>)  : i32 {
        %get3A_206 = arith.index_cast %while3A_202 : i32 to index
        %get3A_207 = arith.constant 0 : index
        %get3A_208 = tpu.vector_load %arg8[%get3A_206, %get3A_207] {strides = array<i32>} : memref<128x128xf32, #tpu.memory_space<vmem>>, vector<16xf32>,
        %get3A_209 = arith.index_cast %while3A_202 : i32 to index
        %get3A_210 = arith.constant 0 : index
        %get3A_211 = tpu.vector_load %arg9[%get3A_209, %get3A_210] {strides = array<i32>} : memref<128x128xf32, #tpu.memory_space<vmem>>, vector<16xf32>,
        %mul3A_212 = arith.mulf %get3A_208, %get3A_211 : vector<16xf32>
        %add3A_213 = arith.addf %while3A_203, %mul3A_212 : vector<16xf32>
        %mul3A_214 = arith.mulf %get3A_208, %get3A_208 : vector<16xf32>
        %add3A_215 = arith.addf %while3A_204, %mul3A_214 : vector<16xf32>
        %mul3A_216 = arith.mulf %get3A_211, %get3A_211 : vector<16xf32>
        %add3A_217 = arith.addf %while3A_205, %mul3A_216 : vector<16xf32>
        %get3A_218 = arith.index_cast %while3A_202 : i32 to index
        %get3A_219 = arith.constant 16 : index
        %get3A_220 = tpu.vector_load %arg8[%get3A_218, %get3A_219] {strides = array<i32>} : memref<128x128xf32, #tpu.memory_space<vmem>>, vector<16xf32>,
        %get3A_221 = arith.index_cast %while3A_202 : i32 to index
        %get3A_222 = arith.constant 16 : index
        %get3A_223 = tpu.vector_load %arg9[%get3A_221, %get3A_222] {strides = array<i32>} : memref<128x128xf32, #tpu.memory_space<vmem>>, vector<16xf32>,
        %mul3A_224 = arith.mulf %get3A_220, %get3A_223 : vector<16xf32>
        %add3A_225 = arith.addf %add3A_213, %mul3A_224 : vector<16xf32>
        %mul3A_226 = arith.mulf %get3A_220, %get3A_220 : vector<16xf32>
        %add3A_227 = arith.addf %add3A_215, %mul3A_226 : vector<16xf32>
        %mul3A_228 = arith.mulf %get3A_223, %get3A_223 : vector<16xf32>
        %add3A_229 = arith.addf %add3A_217, %mul3A_228 : vector<16xf32>
        %get3A_230 = arith.index_cast %while3A_202 : i32 to index
        %get3A_231 = arith.constant 32 : index
        %get3A_232 = tpu.vector_load %arg8[%get3A_230, %get3A_231] {strides = array<i32>} : memref<128x128xf32, #tpu.memory_space<vmem>>, vector<16xf32>,
        %get3A_233 = arith.index_cast %while3A_202 : i32 to index
        %get3A_234 = arith.constant 32 : index
        %get3A_235 = tpu.vector_load %arg9[%get3A_233, %get3A_234] {strides = array<i32>} : memref<128x128xf32, #tpu.memory_space<vmem>>, vector<16xf32>,
        %mul3A_236 = arith.mulf %get3A_232, %get3A_235 : vector<16xf32>
        %add3A_237 = arith.addf %add3A_225, %mul3A_236 : vector<16xf32>
        %mul3A_238 = arith.mulf %get3A_232, %get3A_232 : vector<16xf32>
        %add3A_239 = arith.addf %add3A_227, %mul3A_238 : vector<16xf32>
        %mul3A_240 = arith.mulf %get3A_235, %get3A_235 : vector<16xf32>
        %add3A_241 = arith.addf %add3A_229, %mul3A_240 : vector<16xf32>
        %get3A_242 = arith.index_cast %while3A_202 : i32 to index
        %get3A_243 = arith.constant 48 : index
        %get3A_244 = tpu.vector_load %arg8[%get3A_242, %get3A_243] {strides = array<i32>} : memref<128x128xf32, #tpu.memory_space<vmem>>, vector<16xf32>,
        %get3A_245 = arith.index_cast %while3A_202 : i32 to index
        %get3A_246 = arith.constant 48 : index
        %get3A_247 = tpu.vector_load %arg9[%get3A_245, %get3A_246] {strides = array<i32>} : memref<128x128xf32, #tpu.memory_space<vmem>>, vector<16xf32>,
        %mul3A_248 = arith.mulf %get3A_244, %get3A_247 : vector<16xf32>
        %add3A_249 = arith.addf %add3A_237, %mul3A_248 : vector<16xf32>
        %mul3A_250 = arith.mulf %get3A_244, %get3A_244 : vector<16xf32>
        %add3A_251 = arith.addf %add3A_239, %mul3A_250 : vector<16xf32>
        %mul3A_252 = arith.mulf %get3A_247, %get3A_247 : vector<16xf32>
        %add3A_253 = arith.addf %add3A_241, %mul3A_252 : vector<16xf32>
        %get3A_254 = arith.index_cast %while3A_202 : i32 to index
        %get3A_255 = arith.constant 64 : index
        %get3A_256 = tpu.vector_load %arg8[%get3A_254, %get3A_255] {strides = array<i32>} : memref<128x128xf32, #tpu.memory_space<vmem>>, vector<16xf32>,
        %get3A_257 = arith.index_cast %while3A_202 : i32 to index
        %get3A_258 = arith.constant 64 : index
        %get3A_259 = tpu.vector_load %arg9[%get3A_257, %get3A_258] {strides = array<i32>} : memref<128x128xf32, #tpu.memory_space<vmem>>, vector<16xf32>,
        %mul3A_260 = arith.mulf %get3A_256, %get3A_259 : vector<16xf32>
        %add3A_261 = arith.addf %add3A_249, %mul3A_260 : vector<16xf32>
        %mul3A_262 = arith.mulf %get3A_256, %get3A_256 : vector<16xf32>
        %add3A_263 = arith.addf %add3A_251, %mul3A_262 : vector<16xf32>
        %mul3A_264 = arith.mulf %get3A_259, %get3A_259 : vector<16xf32>
        %add3A_265 = arith.addf %add3A_253, %mul3A_264 : vector<16xf32>
        %get3A_266 = arith.index_cast %while3A_202 : i32 to index
        %get3A_267 = arith.constant 80 : index
        %get3A_268 = tpu.vector_load %arg8[%get3A_266, %get3A_267] {strides = array<i32>} : memref<128x128xf32, #tpu.memory_space<vmem>>, vector<16xf32>,
        %get3A_269 = arith.index_cast %while3A_202 : i32 to index
        %get3A_270 = arith.constant 80 : index
        %get3A_271 = tpu.vector_load %arg9[%get3A_269, %get3A_270] {strides = array<i32>} : memref<128x128xf32, #tpu.memory_space<vmem>>, vector<16xf32>,
        %mul3A_272 = arith.mulf %get3A_268, %get3A_271 : vector<16xf32>
        %add3A_273 = arith.addf %add3A_261, %mul3A_272 : vector<16xf32>
        %mul3A_274 = arith.mulf %get3A_268, %get3A_268 : vector<16xf32>
        %add3A_275 = arith.addf %add3A_263, %mul3A_274 : vector<16xf32>
        %mul3A_276 = arith.mulf %get3A_271, %get3A_271 : vector<16xf32>
        %add3A_277 = arith.addf %add3A_265, %mul3A_276 : vector<16xf32>
        %get3A_278 = arith.index_cast %while3A_202 : i32 to index
        %get3A_279 = arith.constant 96 : index
        %get3A_280 = tpu.vector_load %arg8[%get3A_278, %get3A_279] {strides = array<i32>} : memref<128x128xf32, #tpu.memory_space<vmem>>, vector<16xf32>,
        %get3A_281 = arith.index_cast %while3A_202 : i32 to index
        %get3A_282 = arith.constant 96 : index
        %get3A_283 = tpu.vector_load %arg9[%get3A_281, %get3A_282] {strides = array<i32>} : memref<128x128xf32, #tpu.memory_space<vmem>>, vector<16xf32>,
        %mul3A_284 = arith.mulf %get3A_280, %get3A_283 : vector<16xf32>
        %add3A_285 = arith.addf %add3A_273, %mul3A_284 : vector<16xf32>
        %mul3A_286 = arith.mulf %get3A_280, %get3A_280 : vector<16xf32>
        %add3A_287 = arith.addf %add3A_275, %mul3A_286 : vector<16xf32>
        %mul3A_288 = arith.mulf %get3A_283, %get3A_283 : vector<16xf32>
        %add3A_289 = arith.addf %add3A_277, %mul3A_288 : vector<16xf32>
        %get3A_290 = arith.index_cast %while3A_202 : i32 to index
        %get3A_291 = arith.constant 112 : index
        %get3A_292 = tpu.vector_load %arg8[%get3A_290, %get3A_291] {strides = array<i32>} : memref<128x128xf32, #tpu.memory_space<vmem>>, vector<16xf32>,
        %get3A_293 = arith.index_cast %while3A_202 : i32 to index
        %get3A_294 = arith.constant 112 : index
        %get3A_295 = tpu.vector_load %arg9[%get3A_293, %get3A_294] {strides = array<i32>} : memref<128x128xf32, #tpu.memory_space<vmem>>, vector<16xf32>,
        %mul3A_296 = arith.mulf %get3A_292, %get3A_295 : vector<16xf32>
        %add3A_297 = arith.addf %add3A_285, %mul3A_296 : vector<16xf32>
        %mul3A_298 = arith.mulf %get3A_292, %get3A_292 : vector<16xf32>
        %add3A_299 = arith.addf %add3A_287, %mul3A_298 : vector<16xf32>
        %mul3A_300 = arith.mulf %get3A_295, %get3A_295 : vector<16xf32>
        %add3A_301 = arith.addf %add3A_289, %mul3A_300 : vector<16xf32>
        scf.yield %add3A_297, %add3A_299, %add3A_301 : vector<16xf32>, vector<16xf32>, vector<16xf32>
      }
      %while3A_194 = arith.constant 1 : i32
      %while3A_195:3 = scf.for %while3A_202 = %while3A_191 to %while3A_187 step %while3A_194 iter_args(%while3A_203 = %while3A_193#0, %while3A_204 = %while3A_193#1, %while3A_205 = %while3A_193#2) -> (vector<16xf32>, vector<16xf32>, vector<16xf32>)  : i32 {
        %get3A_206 = arith.index_cast %while3A_202 : i32 to index
        %get3A_207 = arith.constant 0 : index
        %get3A_208 = tpu.vector_load %arg8[%get3A_206, %get3A_207] {strides = array<i32>} : memref<128x128xf32, #tpu.memory_space<vmem>>, vector<16xf32>,
        %get3A_209 = arith.index_cast %while3A_202 : i32 to index
        %get3A_210 = arith.constant 0 : index
        %get3A_211 = tpu.vector_load %arg9[%get3A_209, %get3A_210] {strides = array<i32>} : memref<128x128xf32, #tpu.memory_space<vmem>>, vector<16xf32>,
        %mul3A_212 = arith.mulf %get3A_208, %get3A_211 : vector<16xf32>
        %add3A_213 = arith.addf %while3A_203, %mul3A_212 : vector<16xf32>
        %mul3A_214 = arith.mulf %get3A_208, %get3A_208 : vector<16xf32>
        %add3A_215 = arith.addf %while3A_204, %mul3A_214 : vector<16xf32>
        %mul3A_216 = arith.mulf %get3A_211, %get3A_211 : vector<16xf32>
        %add3A_217 = arith.addf %while3A_205, %mul3A_216 : vector<16xf32>
        %get3A_218 = arith.index_cast %while3A_202 : i32 to index
        %get3A_219 = arith.constant 16 : index
        %get3A_220 = tpu.vector_load %arg8[%get3A_218, %get3A_219] {strides = array<i32>} : memref<128x128xf32, #tpu.memory_space<vmem>>, vector<16xf32>,
        %get3A_221 = arith.index_cast %while3A_202 : i32 to index
        %get3A_222 = arith.constant 16 : index
        %get3A_223 = tpu.vector_load %arg9[%get3A_221, %get3A_222] {strides = array<i32>} : memref<128x128xf32, #tpu.memory_space<vmem>>, vector<16xf32>,
        %mul3A_224 = arith.mulf %get3A_220, %get3A_223 : vector<16xf32>
        %add3A_225 = arith.addf %add3A_213, %mul3A_224 : vector<16xf32>
        %mul3A_226 = arith.mulf %get3A_220, %get3A_220 : vector<16xf32>
        %add3A_227 = arith.addf %add3A_215, %mul3A_226 : vector<16xf32>
        %mul3A_228 = arith.mulf %get3A_223, %get3A_223 : vector<16xf32>
        %add3A_229 = arith.addf %add3A_217, %mul3A_228 : vector<16xf32>
        %get3A_230 = arith.index_cast %while3A_202 : i32 to index
        %get3A_231 = arith.constant 32 : index
        %get3A_232 = tpu.vector_load %arg8[%get3A_230, %get3A_231] {strides = array<i32>} : memref<128x128xf32, #tpu.memory_space<vmem>>, vector<16xf32>,
        %get3A_233 = arith.index_cast %while3A_202 : i32 to index
        %get3A_234 = arith.constant 32 : index
        %get3A_235 = tpu.vector_load %arg9[%get3A_233, %get3A_234] {strides = array<i32>} : memref<128x128xf32, #tpu.memory_space<vmem>>, vector<16xf32>,
        %mul3A_236 = arith.mulf %get3A_232, %get3A_235 : vector<16xf32>
        %add3A_237 = arith.addf %add3A_225, %mul3A_236 : vector<16xf32>
        %mul3A_238 = arith.mulf %get3A_232, %get3A_232 : vector<16xf32>
        %add3A_239 = arith.addf %add3A_227, %mul3A_238 : vector<16xf32>
        %mul3A_240 = arith.mulf %get3A_235, %get3A_235 : vector<16xf32>
        %add3A_241 = arith.addf %add3A_229, %mul3A_240 : vector<16xf32>
        %get3A_242 = arith.index_cast %while3A_202 : i32 to index
        %get3A_243 = arith.constant 48 : index
        %get3A_244 = tpu.vector_load %arg8[%get3A_242, %get3A_243] {strides = array<i32>} : memref<128x128xf32, #tpu.memory_space<vmem>>, vector<16xf32>,
        %get3A_245 = arith.index_cast %while3A_202 : i32 to index
        %get3A_246 = arith.constant 48 : index
        %get3A_247 = tpu.vector_load %arg9[%get3A_245, %get3A_246] {strides = array<i32>} : memref<128x128xf32, #tpu.memory_space<vmem>>, vector<16xf32>,
        %mul3A_248 = arith.mulf %get3A_244, %get3A_247 : vector<16xf32>
        %add3A_249 = arith.addf %add3A_237, %mul3A_248 : vector<16xf32>
        %mul3A_250 = arith.mulf %get3A_244, %get3A_244 : vector<16xf32>
        %add3A_251 = arith.addf %add3A_239, %mul3A_250 : vector<16xf32>
        %mul3A_252 = arith.mulf %get3A_247, %get3A_247 : vector<16xf32>
        %add3A_253 = arith.addf %add3A_241, %mul3A_252 : vector<16xf32>
        %get3A_254 = arith.index_cast %while3A_202 : i32 to index
        %get3A_255 = arith.constant 64 : index
        %get3A_256 = tpu.vector_load %arg8[%get3A_254, %get3A_255] {strides = array<i32>} : memref<128x128xf32, #tpu.memory_space<vmem>>, vector<16xf32>,
        %get3A_257 = arith.index_cast %while3A_202 : i32 to index
        %get3A_258 = arith.constant 64 : index
        %get3A_259 = tpu.vector_load %arg9[%get3A_257, %get3A_258] {strides = array<i32>} : memref<128x128xf32, #tpu.memory_space<vmem>>, vector<16xf32>,
        %mul3A_260 = arith.mulf %get3A_256, %get3A_259 : vector<16xf32>
        %add3A_261 = arith.addf %add3A_249, %mul3A_260 : vector<16xf32>
        %mul3A_262 = arith.mulf %get3A_256, %get3A_256 : vector<16xf32>
        %add3A_263 = arith.addf %add3A_251, %mul3A_262 : vector<16xf32>
        %mul3A_264 = arith.mulf %get3A_259, %get3A_259 : vector<16xf32>
        %add3A_265 = arith.addf %add3A_253, %mul3A_264 : vector<16xf32>
        %get3A_266 = arith.index_cast %while3A_202 : i32 to index
        %get3A_267 = arith.constant 80 : index
        %get3A_268 = tpu.vector_load %arg8[%get3A_266, %get3A_267] {strides = array<i32>} : memref<128x128xf32, #tpu.memory_space<vmem>>, vector<16xf32>,
        %get3A_269 = arith.index_cast %while3A_202 : i32 to index
        %get3A_270 = arith.constant 80 : index
        %get3A_271 = tpu.vector_load %arg9[%get3A_269, %get3A_270] {strides = array<i32>} : memref<128x128xf32, #tpu.memory_space<vmem>>, vector<16xf32>,
        %mul3A_272 = arith.mulf %get3A_268, %get3A_271 : vector<16xf32>
        %add3A_273 = arith.addf %add3A_261, %mul3A_272 : vector<16xf32>
        %mul3A_274 = arith.mulf %get3A_268, %get3A_268 : vector<16xf32>
        %add3A_275 = arith.addf %add3A_263, %mul3A_274 : vector<16xf32>
        %mul3A_276 = arith.mulf %get3A_271, %get3A_271 : vector<16xf32>
        %add3A_277 = arith.addf %add3A_265, %mul3A_276 : vector<16xf32>
        %get3A_278 = arith.index_cast %while3A_202 : i32 to index
        %get3A_279 = arith.constant 96 : index
        %get3A_280 = tpu.vector_load %arg8[%get3A_278, %get3A_279] {strides = array<i32>} : memref<128x128xf32, #tpu.memory_space<vmem>>, vector<16xf32>,
        %get3A_281 = arith.index_cast %while3A_202 : i32 to index
        %get3A_282 = arith.constant 96 : index
        %get3A_283 = tpu.vector_load %arg9[%get3A_281, %get3A_282] {strides = array<i32>} : memref<128x128xf32, #tpu.memory_space<vmem>>, vector<16xf32>,
        %mul3A_284 = arith.mulf %get3A_280, %get3A_283 : vector<16xf32>
        %add3A_285 = arith.addf %add3A_273, %mul3A_284 : vector<16xf32>
        %mul3A_286 = arith.mulf %get3A_280, %get3A_280 : vector<16xf32>
        %add3A_287 = arith.addf %add3A_275, %mul3A_286 : vector<16xf32>
        %mul3A_288 = arith.mulf %get3A_283, %get3A_283 : vector<16xf32>
        %add3A_289 = arith.addf %add3A_277, %mul3A_288 : vector<16xf32>
        %get3A_290 = arith.index_cast %while3A_202 : i32 to index
        %get3A_291 = arith.constant 112 : index
        %get3A_292 = tpu.vector_load %arg8[%get3A_290, %get3A_291] {strides = array<i32>} : memref<128x128xf32, #tpu.memory_space<vmem>>, vector<16xf32>,
        %get3A_293 = arith.index_cast %while3A_202 : i32 to index
        %get3A_294 = arith.constant 112 : index
        %get3A_295 = tpu.vector_load %arg9[%get3A_293, %get3A_294] {strides = array<i32>} : memref<128x128xf32, #tpu.memory_space<vmem>>, vector<16xf32>,
        %mul3A_296 = arith.mulf %get3A_292, %get3A_295 : vector<16xf32>
        %add3A_297 = arith.addf %add3A_285, %mul3A_296 : vector<16xf32>
        %mul3A_298 = arith.mulf %get3A_292, %get3A_292 : vector<16xf32>
        %add3A_299 = arith.addf %add3A_287, %mul3A_298 : vector<16xf32>
        %mul3A_300 = arith.mulf %get3A_295, %get3A_295 : vector<16xf32>
        %add3A_301 = arith.addf %add3A_289, %mul3A_300 : vector<16xf32>
        scf.yield %add3A_297, %add3A_299, %add3A_301 : vector<16xf32>, vector<16xf32>, vector<16xf32>
      }
      %swap3A_196 = arith.constant 0 : index
      %swap3A_197 = tpu.vector_load %arg12[%swap3A_196] {strides = array<i32>} : memref<64xf32, #tpu.memory_space<vmem>>, vector<16xf32>,
      tpu.vector_store %arg12[%swap3A_196], %while3A_195#0 {strides = array<i32>} : memref<64xf32, #tpu.memory_space<vmem>>, vector<16xf32>,
      %swap3A_198 = arith.constant 16 : index
      %swap3A_199 = tpu.vector_load %arg12[%swap3A_198] {strides = array<i32>} : memref<64xf32, #tpu.memory_space<vmem>>, vector<16xf32>,
      tpu.vector_store %arg12[%swap3A_198], %while3A_195#1 {strides = array<i32>} : memref<64xf32, #tpu.memory_space<vmem>>, vector<16xf32>,
      %swap3A_200 = arith.constant 32 : index
      %swap3A_201 = tpu.vector_load %arg12[%swap3A_200] {strides = array<i32>} : memref<64xf32, #tpu.memory_space<vmem>>, vector<16xf32>,
      tpu.vector_store %arg12[%swap3A_200], %while3A_195#2 {strides = array<i32>} : memref<64xf32, #tpu.memory_space<vmem>>, vector<16xf32>,
    } else {
    }
    %gt3A_97 = arith.constant 2 : i32
    %gt3A_98 = arith.cmpi sgt, %select_n3A_77, %gt3A_97 : i32
    %convert_element_type3A_99 = arith.extui %gt3A_98 : i1 to i32
    %cond3A_100 = arith.constant 0 : i32
    %cond3A_101 = arith.cmpi ne, %convert_element_type3A_99, %cond3A_100 : i32
    scf.if %cond3A_101 {
      %dma_start3A = arith.constant 256 : i32
      %dma_start3A_169 = tpu.memref_slice %arg7[%dma_start3A] : memref<1024xi32, #tpu.memory_space<vmem>> -> memref<128xi32, #tpu.memory_space<vmem>>
      %dma_start3A_170 = arith.constant 0 : i32
      %dma_start3A_171 = arith.constant 0 : i32
      %dma_start3A_172 = tpu.memref_slice %arg2[%dma_start3A_170, %dma_start3A_171] : memref<262144x128xf32, #tpu.memory_space<hbm>> -> memref<262144x128xf32, #tpu.memory_space<hbm>>
      tpu.enqueue_indirect_dma source(%dma_start3A_172 : memref<262144x128xf32, #tpu.memory_space<hbm>>) target(%arg8 : memref<128x128xf32, #tpu.memory_space<vmem>>) offsets(%dma_start3A_169 : memref<128xi32, #tpu.memory_space<vmem>>) semaphore(%arg13 : memref<!tpu.dma_semaphore, #tpu.memory_space<semaphore_mem>>)
      %dma_start3A_173 = arith.constant 256 : i32
      %dma_start3A_174 = tpu.memref_slice %arg7[%dma_start3A_173] : memref<1024xi32, #tpu.memory_space<vmem>> -> memref<128xi32, #tpu.memory_space<vmem>>
      %dma_start3A_175 = arith.constant 0 : i32
      %dma_start3A_176 = arith.constant 0 : i32
      %dma_start3A_177 = tpu.memref_slice %arg3[%dma_start3A_175, %dma_start3A_176] : memref<262144x128xf32, #tpu.memory_space<hbm>> -> memref<262144x128xf32, #tpu.memory_space<hbm>>
      tpu.enqueue_indirect_dma source(%dma_start3A_177 : memref<262144x128xf32, #tpu.memory_space<hbm>>) target(%arg9 : memref<128x128xf32, #tpu.memory_space<vmem>>) offsets(%dma_start3A_174 : memref<128xi32, #tpu.memory_space<vmem>>) semaphore(%arg14 : memref<!tpu.dma_semaphore, #tpu.memory_space<semaphore_mem>>)
    } else {
    }
    %gt3A_102 = arith.constant 1 : i32
    %gt3A_103 = arith.cmpi sgt, %select_n3A_77, %gt3A_102 : i32
    %convert_element_type3A_104 = arith.extui %gt3A_103 : i1 to i32
    %cond3A_105 = arith.constant 0 : i32
    %cond3A_106 = arith.cmpi ne, %convert_element_type3A_104, %cond3A_105 : i32
    scf.if %cond3A_106 {
      %dma_wait3A = arith.constant 128 : i32
      %dma_wait3A_169 = tpu.memref_slice %arg7[%dma_wait3A] : memref<1024xi32, #tpu.memory_space<vmem>> -> memref<128xi32, #tpu.memory_space<vmem>>
      %dma_wait3A_170 = arith.constant 0 : i32
      %dma_wait3A_171 = arith.constant 0 : i32
      %dma_wait3A_172 = tpu.memref_slice %arg2[%dma_wait3A_170, %dma_wait3A_171] : memref<262144x128xf32, #tpu.memory_space<hbm>> -> memref<262144x128xf32, #tpu.memory_space<hbm>>
      tpu.wait_indirect_dma semaphore(%arg15 : memref<!tpu.dma_semaphore, #tpu.memory_space<semaphore_mem>>) src(%dma_wait3A_172 : memref<262144x128xf32, #tpu.memory_space<hbm>>) dst(%arg10 : memref<128x128xf32, #tpu.memory_space<vmem>>)
      %dma_wait3A_173 = arith.constant 128 : i32
      %dma_wait3A_174 = tpu.memref_slice %arg7[%dma_wait3A_173] : memref<1024xi32, #tpu.memory_space<vmem>> -> memref<128xi32, #tpu.memory_space<vmem>>
      %dma_wait3A_175 = arith.constant 0 : i32
      %dma_wait3A_176 = arith.constant 0 : i32
      %dma_wait3A_177 = tpu.memref_slice %arg3[%dma_wait3A_175, %dma_wait3A_176] : memref<262144x128xf32, #tpu.memory_space<hbm>> -> memref<262144x128xf32, #tpu.memory_space<hbm>>
      tpu.wait_indirect_dma semaphore(%arg16 : memref<!tpu.dma_semaphore, #tpu.memory_space<semaphore_mem>>) src(%dma_wait3A_177 : memref<262144x128xf32, #tpu.memory_space<hbm>>) dst(%arg11 : memref<128x128xf32, #tpu.memory_space<vmem>>)
      %sub3A_178 = arith.constant 128 : i32
      %sub3A_179 = arith.subi %scan3A_48, %sub3A_178 : i32
      %min3A = arith.constant 128 : i32
      %min3A_180 = arith.minsi %sub3A_179, %min3A : i32
      %get3A = arith.constant 0 : index
      %get3A_181 = tpu.vector_load %arg12[%get3A] {strides = array<i32>} : memref<64xf32, #tpu.memory_space<vmem>>, vector<16xf32>,
      %get3A_182 = arith.constant 16 : index
      %get3A_183 = tpu.vector_load %arg12[%get3A_182] {strides = array<i32>} : memref<64xf32, #tpu.memory_space<vmem>>, vector<16xf32>,
      %get3A_184 = arith.constant 32 : index
      %get3A_185 = tpu.vector_load %arg12[%get3A_184] {strides = array<i32>} : memref<64xf32, #tpu.memory_space<vmem>>, vector<16xf32>,
      %while3A = arith.constant 0 : i32
      %while3A_186 = arith.subi %min3A_180, %while3A : i32
      %while3A_187 = arith.addi %while3A, %while3A_186 : i32
      %while3A_188 = arith.constant 1 : i32
      %while3A_189 = arith.divsi %while3A_186, %while3A_188 : i32
      %while3A_190 = arith.muli %while3A_189, %while3A_188 : i32
      %while3A_191 = arith.addi %while3A, %while3A_190 : i32
      %while3A_192 = arith.constant 1 : i32
      %while3A_193:3 = scf.for %while3A_202 = %while3A to %while3A_191 step %while3A_192 iter_args(%while3A_203 = %get3A_181, %while3A_204 = %get3A_183, %while3A_205 = %get3A_185) -> (vector<16xf32>, vector<16xf32>, vector<16xf32>)  : i32 {
        %get3A_206 = arith.index_cast %while3A_202 : i32 to index
        %get3A_207 = arith.constant 0 : index
        %get3A_208 = tpu.vector_load %arg10[%get3A_206, %get3A_207] {strides = array<i32>} : memref<128x128xf32, #tpu.memory_space<vmem>>, vector<16xf32>,
        %get3A_209 = arith.index_cast %while3A_202 : i32 to index
        %get3A_210 = arith.constant 0 : index
        %get3A_211 = tpu.vector_load %arg11[%get3A_209, %get3A_210] {strides = array<i32>} : memref<128x128xf32, #tpu.memory_space<vmem>>, vector<16xf32>,
        %mul3A_212 = arith.mulf %get3A_208, %get3A_211 : vector<16xf32>
        %add3A_213 = arith.addf %while3A_203, %mul3A_212 : vector<16xf32>
        %mul3A_214 = arith.mulf %get3A_208, %get3A_208 : vector<16xf32>
        %add3A_215 = arith.addf %while3A_204, %mul3A_214 : vector<16xf32>
        %mul3A_216 = arith.mulf %get3A_211, %get3A_211 : vector<16xf32>
        %add3A_217 = arith.addf %while3A_205, %mul3A_216 : vector<16xf32>
        %get3A_218 = arith.index_cast %while3A_202 : i32 to index
        %get3A_219 = arith.constant 16 : index
        %get3A_220 = tpu.vector_load %arg10[%get3A_218, %get3A_219] {strides = array<i32>} : memref<128x128xf32, #tpu.memory_space<vmem>>, vector<16xf32>,
        %get3A_221 = arith.index_cast %while3A_202 : i32 to index
        %get3A_222 = arith.constant 16 : index
        %get3A_223 = tpu.vector_load %arg11[%get3A_221, %get3A_222] {strides = array<i32>} : memref<128x128xf32, #tpu.memory_space<vmem>>, vector<16xf32>,
        %mul3A_224 = arith.mulf %get3A_220, %get3A_223 : vector<16xf32>
        %add3A_225 = arith.addf %add3A_213, %mul3A_224 : vector<16xf32>
        %mul3A_226 = arith.mulf %get3A_220, %get3A_220 : vector<16xf32>
        %add3A_227 = arith.addf %add3A_215, %mul3A_226 : vector<16xf32>
        %mul3A_228 = arith.mulf %get3A_223, %get3A_223 : vector<16xf32>
        %add3A_229 = arith.addf %add3A_217, %mul3A_228 : vector<16xf32>
        %get3A_230 = arith.index_cast %while3A_202 : i32 to index
        %get3A_231 = arith.constant 32 : index
        %get3A_232 = tpu.vector_load %arg10[%get3A_230, %get3A_231] {strides = array<i32>} : memref<128x128xf32, #tpu.memory_space<vmem>>, vector<16xf32>,
        %get3A_233 = arith.index_cast %while3A_202 : i32 to index
        %get3A_234 = arith.constant 32 : index
        %get3A_235 = tpu.vector_load %arg11[%get3A_233, %get3A_234] {strides = array<i32>} : memref<128x128xf32, #tpu.memory_space<vmem>>, vector<16xf32>,
        %mul3A_236 = arith.mulf %get3A_232, %get3A_235 : vector<16xf32>
        %add3A_237 = arith.addf %add3A_225, %mul3A_236 : vector<16xf32>
        %mul3A_238 = arith.mulf %get3A_232, %get3A_232 : vector<16xf32>
        %add3A_239 = arith.addf %add3A_227, %mul3A_238 : vector<16xf32>
        %mul3A_240 = arith.mulf %get3A_235, %get3A_235 : vector<16xf32>
        %add3A_241 = arith.addf %add3A_229, %mul3A_240 : vector<16xf32>
        %get3A_242 = arith.index_cast %while3A_202 : i32 to index
        %get3A_243 = arith.constant 48 : index
        %get3A_244 = tpu.vector_load %arg10[%get3A_242, %get3A_243] {strides = array<i32>} : memref<128x128xf32, #tpu.memory_space<vmem>>, vector<16xf32>,
        %get3A_245 = arith.index_cast %while3A_202 : i32 to index
        %get3A_246 = arith.constant 48 : index
        %get3A_247 = tpu.vector_load %arg11[%get3A_245, %get3A_246] {strides = array<i32>} : memref<128x128xf32, #tpu.memory_space<vmem>>, vector<16xf32>,
        %mul3A_248 = arith.mulf %get3A_244, %get3A_247 : vector<16xf32>
        %add3A_249 = arith.addf %add3A_237, %mul3A_248 : vector<16xf32>
        %mul3A_250 = arith.mulf %get3A_244, %get3A_244 : vector<16xf32>
        %add3A_251 = arith.addf %add3A_239, %mul3A_250 : vector<16xf32>
        %mul3A_252 = arith.mulf %get3A_247, %get3A_247 : vector<16xf32>
        %add3A_253 = arith.addf %add3A_241, %mul3A_252 : vector<16xf32>
        %get3A_254 = arith.index_cast %while3A_202 : i32 to index
        %get3A_255 = arith.constant 64 : index
        %get3A_256 = tpu.vector_load %arg10[%get3A_254, %get3A_255] {strides = array<i32>} : memref<128x128xf32, #tpu.memory_space<vmem>>, vector<16xf32>,
        %get3A_257 = arith.index_cast %while3A_202 : i32 to index
        %get3A_258 = arith.constant 64 : index
        %get3A_259 = tpu.vector_load %arg11[%get3A_257, %get3A_258] {strides = array<i32>} : memref<128x128xf32, #tpu.memory_space<vmem>>, vector<16xf32>,
        %mul3A_260 = arith.mulf %get3A_256, %get3A_259 : vector<16xf32>
        %add3A_261 = arith.addf %add3A_249, %mul3A_260 : vector<16xf32>
        %mul3A_262 = arith.mulf %get3A_256, %get3A_256 : vector<16xf32>
        %add3A_263 = arith.addf %add3A_251, %mul3A_262 : vector<16xf32>
        %mul3A_264 = arith.mulf %get3A_259, %get3A_259 : vector<16xf32>
        %add3A_265 = arith.addf %add3A_253, %mul3A_264 : vector<16xf32>
        %get3A_266 = arith.index_cast %while3A_202 : i32 to index
        %get3A_267 = arith.constant 80 : index
        %get3A_268 = tpu.vector_load %arg10[%get3A_266, %get3A_267] {strides = array<i32>} : memref<128x128xf32, #tpu.memory_space<vmem>>, vector<16xf32>,
        %get3A_269 = arith.index_cast %while3A_202 : i32 to index
        %get3A_270 = arith.constant 80 : index
        %get3A_271 = tpu.vector_load %arg11[%get3A_269, %get3A_270] {strides = array<i32>} : memref<128x128xf32, #tpu.memory_space<vmem>>, vector<16xf32>,
        %mul3A_272 = arith.mulf %get3A_268, %get3A_271 : vector<16xf32>
        %add3A_273 = arith.addf %add3A_261, %mul3A_272 : vector<16xf32>
        %mul3A_274 = arith.mulf %get3A_268, %get3A_268 : vector<16xf32>
        %add3A_275 = arith.addf %add3A_263, %mul3A_274 : vector<16xf32>
        %mul3A_276 = arith.mulf %get3A_271, %get3A_271 : vector<16xf32>
        %add3A_277 = arith.addf %add3A_265, %mul3A_276 : vector<16xf32>
        %get3A_278 = arith.index_cast %while3A_202 : i32 to index
        %get3A_279 = arith.constant 96 : index
        %get3A_280 = tpu.vector_load %arg10[%get3A_278, %get3A_279] {strides = array<i32>} : memref<128x128xf32, #tpu.memory_space<vmem>>, vector<16xf32>,
        %get3A_281 = arith.index_cast %while3A_202 : i32 to index
        %get3A_282 = arith.constant 96 : index
        %get3A_283 = tpu.vector_load %arg11[%get3A_281, %get3A_282] {strides = array<i32>} : memref<128x128xf32, #tpu.memory_space<vmem>>, vector<16xf32>,
        %mul3A_284 = arith.mulf %get3A_280, %get3A_283 : vector<16xf32>
        %add3A_285 = arith.addf %add3A_273, %mul3A_284 : vector<16xf32>
        %mul3A_286 = arith.mulf %get3A_280, %get3A_280 : vector<16xf32>
        %add3A_287 = arith.addf %add3A_275, %mul3A_286 : vector<16xf32>
        %mul3A_288 = arith.mulf %get3A_283, %get3A_283 : vector<16xf32>
        %add3A_289 = arith.addf %add3A_277, %mul3A_288 : vector<16xf32>
        %get3A_290 = arith.index_cast %while3A_202 : i32 to index
        %get3A_291 = arith.constant 112 : index
        %get3A_292 = tpu.vector_load %arg10[%get3A_290, %get3A_291] {strides = array<i32>} : memref<128x128xf32, #tpu.memory_space<vmem>>, vector<16xf32>,
        %get3A_293 = arith.index_cast %while3A_202 : i32 to index
        %get3A_294 = arith.constant 112 : index
        %get3A_295 = tpu.vector_load %arg11[%get3A_293, %get3A_294] {strides = array<i32>} : memref<128x128xf32, #tpu.memory_space<vmem>>, vector<16xf32>,
        %mul3A_296 = arith.mulf %get3A_292, %get3A_295 : vector<16xf32>
        %add3A_297 = arith.addf %add3A_285, %mul3A_296 : vector<16xf32>
        %mul3A_298 = arith.mulf %get3A_292, %get3A_292 : vector<16xf32>
        %add3A_299 = arith.addf %add3A_287, %mul3A_298 : vector<16xf32>
        %mul3A_300 = arith.mulf %get3A_295, %get3A_295 : vector<16xf32>
        %add3A_301 = arith.addf %add3A_289, %mul3A_300 : vector<16xf32>
        scf.yield %add3A_297, %add3A_299, %add3A_301 : vector<16xf32>, vector<16xf32>, vector<16xf32>
      }
      %while3A_194 = arith.constant 1 : i32
      %while3A_195:3 = scf.for %while3A_202 = %while3A_191 to %while3A_187 step %while3A_194 iter_args(%while3A_203 = %while3A_193#0, %while3A_204 = %while3A_193#1, %while3A_205 = %while3A_193#2) -> (vector<16xf32>, vector<16xf32>, vector<16xf32>)  : i32 {
        %get3A_206 = arith.index_cast %while3A_202 : i32 to index
        %get3A_207 = arith.constant 0 : index
        %get3A_208 = tpu.vector_load %arg10[%get3A_206, %get3A_207] {strides = array<i32>} : memref<128x128xf32, #tpu.memory_space<vmem>>, vector<16xf32>,
        %get3A_209 = arith.index_cast %while3A_202 : i32 to index
        %get3A_210 = arith.constant 0 : index
        %get3A_211 = tpu.vector_load %arg11[%get3A_209, %get3A_210] {strides = array<i32>} : memref<128x128xf32, #tpu.memory_space<vmem>>, vector<16xf32>,
        %mul3A_212 = arith.mulf %get3A_208, %get3A_211 : vector<16xf32>
        %add3A_213 = arith.addf %while3A_203, %mul3A_212 : vector<16xf32>
        %mul3A_214 = arith.mulf %get3A_208, %get3A_208 : vector<16xf32>
        %add3A_215 = arith.addf %while3A_204, %mul3A_214 : vector<16xf32>
        %mul3A_216 = arith.mulf %get3A_211, %get3A_211 : vector<16xf32>
        %add3A_217 = arith.addf %while3A_205, %mul3A_216 : vector<16xf32>
        %get3A_218 = arith.index_cast %while3A_202 : i32 to index
        %get3A_219 = arith.constant 16 : index
        %get3A_220 = tpu.vector_load %arg10[%get3A_218, %get3A_219] {strides = array<i32>} : memref<128x128xf32, #tpu.memory_space<vmem>>, vector<16xf32>,
        %get3A_221 = arith.index_cast %while3A_202 : i32 to index
        %get3A_222 = arith.constant 16 : index
        %get3A_223 = tpu.vector_load %arg11[%get3A_221, %get3A_222] {strides = array<i32>} : memref<128x128xf32, #tpu.memory_space<vmem>>, vector<16xf32>,
        %mul3A_224 = arith.mulf %get3A_220, %get3A_223 : vector<16xf32>
        %add3A_225 = arith.addf %add3A_213, %mul3A_224 : vector<16xf32>
        %mul3A_226 = arith.mulf %get3A_220, %get3A_220 : vector<16xf32>
        %add3A_227 = arith.addf %add3A_215, %mul3A_226 : vector<16xf32>
        %mul3A_228 = arith.mulf %get3A_223, %get3A_223 : vector<16xf32>
        %add3A_229 = arith.addf %add3A_217, %mul3A_228 : vector<16xf32>
        %get3A_230 = arith.index_cast %while3A_202 : i32 to index
        %get3A_231 = arith.constant 32 : index
        %get3A_232 = tpu.vector_load %arg10[%get3A_230, %get3A_231] {strides = array<i32>} : memref<128x128xf32, #tpu.memory_space<vmem>>, vector<16xf32>,
        %get3A_233 = arith.index_cast %while3A_202 : i32 to index
        %get3A_234 = arith.constant 32 : index
        %get3A_235 = tpu.vector_load %arg11[%get3A_233, %get3A_234] {strides = array<i32>} : memref<128x128xf32, #tpu.memory_space<vmem>>, vector<16xf32>,
        %mul3A_236 = arith.mulf %get3A_232, %get3A_235 : vector<16xf32>
        %add3A_237 = arith.addf %add3A_225, %mul3A_236 : vector<16xf32>
        %mul3A_238 = arith.mulf %get3A_232, %get3A_232 : vector<16xf32>
        %add3A_239 = arith.addf %add3A_227, %mul3A_238 : vector<16xf32>
        %mul3A_240 = arith.mulf %get3A_235, %get3A_235 : vector<16xf32>
        %add3A_241 = arith.addf %add3A_229, %mul3A_240 : vector<16xf32>
        %get3A_242 = arith.index_cast %while3A_202 : i32 to index
        %get3A_243 = arith.constant 48 : index
        %get3A_244 = tpu.vector_load %arg10[%get3A_242, %get3A_243] {strides = array<i32>} : memref<128x128xf32, #tpu.memory_space<vmem>>, vector<16xf32>,
        %get3A_245 = arith.index_cast %while3A_202 : i32 to index
        %get3A_246 = arith.constant 48 : index
        %get3A_247 = tpu.vector_load %arg11[%get3A_245, %get3A_246] {strides = array<i32>} : memref<128x128xf32, #tpu.memory_space<vmem>>, vector<16xf32>,
        %mul3A_248 = arith.mulf %get3A_244, %get3A_247 : vector<16xf32>
        %add3A_249 = arith.addf %add3A_237, %mul3A_248 : vector<16xf32>
        %mul3A_250 = arith.mulf %get3A_244, %get3A_244 : vector<16xf32>
        %add3A_251 = arith.addf %add3A_239, %mul3A_250 : vector<16xf32>
        %mul3A_252 = arith.mulf %get3A_247, %get3A_247 : vector<16xf32>
        %add3A_253 = arith.addf %add3A_241, %mul3A_252 : vector<16xf32>
        %get3A_254 = arith.index_cast %while3A_202 : i32 to index
        %get3A_255 = arith.constant 64 : index
        %get3A_256 = tpu.vector_load %arg10[%get3A_254, %get3A_255] {strides = array<i32>} : memref<128x128xf32, #tpu.memory_space<vmem>>, vector<16xf32>,
        %get3A_257 = arith.index_cast %while3A_202 : i32 to index
        %get3A_258 = arith.constant 64 : index
        %get3A_259 = tpu.vector_load %arg11[%get3A_257, %get3A_258] {strides = array<i32>} : memref<128x128xf32, #tpu.memory_space<vmem>>, vector<16xf32>,
        %mul3A_260 = arith.mulf %get3A_256, %get3A_259 : vector<16xf32>
        %add3A_261 = arith.addf %add3A_249, %mul3A_260 : vector<16xf32>
        %mul3A_262 = arith.mulf %get3A_256, %get3A_256 : vector<16xf32>
        %add3A_263 = arith.addf %add3A_251, %mul3A_262 : vector<16xf32>
        %mul3A_264 = arith.mulf %get3A_259, %get3A_259 : vector<16xf32>
        %add3A_265 = arith.addf %add3A_253, %mul3A_264 : vector<16xf32>
        %get3A_266 = arith.index_cast %while3A_202 : i32 to index
        %get3A_267 = arith.constant 80 : index
        %get3A_268 = tpu.vector_load %arg10[%get3A_266, %get3A_267] {strides = array<i32>} : memref<128x128xf32, #tpu.memory_space<vmem>>, vector<16xf32>,
        %get3A_269 = arith.index_cast %while3A_202 : i32 to index
        %get3A_270 = arith.constant 80 : index
        %get3A_271 = tpu.vector_load %arg11[%get3A_269, %get3A_270] {strides = array<i32>} : memref<128x128xf32, #tpu.memory_space<vmem>>, vector<16xf32>,
        %mul3A_272 = arith.mulf %get3A_268, %get3A_271 : vector<16xf32>
        %add3A_273 = arith.addf %add3A_261, %mul3A_272 : vector<16xf32>
        %mul3A_274 = arith.mulf %get3A_268, %get3A_268 : vector<16xf32>
        %add3A_275 = arith.addf %add3A_263, %mul3A_274 : vector<16xf32>
        %mul3A_276 = arith.mulf %get3A_271, %get3A_271 : vector<16xf32>
        %add3A_277 = arith.addf %add3A_265, %mul3A_276 : vector<16xf32>
        %get3A_278 = arith.index_cast %while3A_202 : i32 to index
        %get3A_279 = arith.constant 96 : index
        %get3A_280 = tpu.vector_load %arg10[%get3A_278, %get3A_279] {strides = array<i32>} : memref<128x128xf32, #tpu.memory_space<vmem>>, vector<16xf32>,
        %get3A_281 = arith.index_cast %while3A_202 : i32 to index
        %get3A_282 = arith.constant 96 : index
        %get3A_283 = tpu.vector_load %arg11[%get3A_281, %get3A_282] {strides = array<i32>} : memref<128x128xf32, #tpu.memory_space<vmem>>, vector<16xf32>,
        %mul3A_284 = arith.mulf %get3A_280, %get3A_283 : vector<16xf32>
        %add3A_285 = arith.addf %add3A_273, %mul3A_284 : vector<16xf32>
        %mul3A_286 = arith.mulf %get3A_280, %get3A_280 : vector<16xf32>
        %add3A_287 = arith.addf %add3A_275, %mul3A_286 : vector<16xf32>
        %mul3A_288 = arith.mulf %get3A_283, %get3A_283 : vector<16xf32>
        %add3A_289 = arith.addf %add3A_277, %mul3A_288 : vector<16xf32>
        %get3A_290 = arith.index_cast %while3A_202 : i32 to index
        %get3A_291 = arith.constant 112 : index
        %get3A_292 = tpu.vector_load %arg10[%get3A_290, %get3A_291] {strides = array<i32>} : memref<128x128xf32, #tpu.memory_space<vmem>>, vector<16xf32>,
        %get3A_293 = arith.index_cast %while3A_202 : i32 to index
        %get3A_294 = arith.constant 112 : index
        %get3A_295 = tpu.vector_load %arg11[%get3A_293, %get3A_294] {strides = array<i32>} : memref<128x128xf32, #tpu.memory_space<vmem>>, vector<16xf32>,
        %mul3A_296 = arith.mulf %get3A_292, %get3A_295 : vector<16xf32>
        %add3A_297 = arith.addf %add3A_285, %mul3A_296 : vector<16xf32>
        %mul3A_298 = arith.mulf %get3A_292, %get3A_292 : vector<16xf32>
        %add3A_299 = arith.addf %add3A_287, %mul3A_298 : vector<16xf32>
        %mul3A_300 = arith.mulf %get3A_295, %get3A_295 : vector<16xf32>
        %add3A_301 = arith.addf %add3A_289, %mul3A_300 : vector<16xf32>
        scf.yield %add3A_297, %add3A_299, %add3A_301 : vector<16xf32>, vector<16xf32>, vector<16xf32>
      }
      %swap3A_196 = arith.constant 0 : index
      %swap3A_197 = tpu.vector_load %arg12[%swap3A_196] {strides = array<i32>} : memref<64xf32, #tpu.memory_space<vmem>>, vector<16xf32>,
      tpu.vector_store %arg12[%swap3A_196], %while3A_195#0 {strides = array<i32>} : memref<64xf32, #tpu.memory_space<vmem>>, vector<16xf32>,
      %swap3A_198 = arith.constant 16 : index
      %swap3A_199 = tpu.vector_load %arg12[%swap3A_198] {strides = array<i32>} : memref<64xf32, #tpu.memory_space<vmem>>, vector<16xf32>,
      tpu.vector_store %arg12[%swap3A_198], %while3A_195#1 {strides = array<i32>} : memref<64xf32, #tpu.memory_space<vmem>>, vector<16xf32>,
      %swap3A_200 = arith.constant 32 : index
      %swap3A_201 = tpu.vector_load %arg12[%swap3A_200] {strides = array<i32>} : memref<64xf32, #tpu.memory_space<vmem>>, vector<16xf32>,
      tpu.vector_store %arg12[%swap3A_200], %while3A_195#2 {strides = array<i32>} : memref<64xf32, #tpu.memory_space<vmem>>, vector<16xf32>,
    } else {
    }
    %gt3A_107 = arith.constant 3 : i32
    %gt3A_108 = arith.cmpi sgt, %select_n3A_77, %gt3A_107 : i32
    %convert_element_type3A_109 = arith.extui %gt3A_108 : i1 to i32
    %cond3A_110 = arith.constant 0 : i32
    %cond3A_111 = arith.cmpi ne, %convert_element_type3A_109, %cond3A_110 : i32
    scf.if %cond3A_111 {
      %dma_start3A = arith.constant 384 : i32
      %dma_start3A_169 = tpu.memref_slice %arg7[%dma_start3A] : memref<1024xi32, #tpu.memory_space<vmem>> -> memref<128xi32, #tpu.memory_space<vmem>>
      %dma_start3A_170 = arith.constant 0 : i32
      %dma_start3A_171 = arith.constant 0 : i32
      %dma_start3A_172 = tpu.memref_slice %arg2[%dma_start3A_170, %dma_start3A_171] : memref<262144x128xf32, #tpu.memory_space<hbm>> -> memref<262144x128xf32, #tpu.memory_space<hbm>>
      tpu.enqueue_indirect_dma source(%dma_start3A_172 : memref<262144x128xf32, #tpu.memory_space<hbm>>) target(%arg10 : memref<128x128xf32, #tpu.memory_space<vmem>>) offsets(%dma_start3A_169 : memref<128xi32, #tpu.memory_space<vmem>>) semaphore(%arg15 : memref<!tpu.dma_semaphore, #tpu.memory_space<semaphore_mem>>)
      %dma_start3A_173 = arith.constant 384 : i32
      %dma_start3A_174 = tpu.memref_slice %arg7[%dma_start3A_173] : memref<1024xi32, #tpu.memory_space<vmem>> -> memref<128xi32, #tpu.memory_space<vmem>>
      %dma_start3A_175 = arith.constant 0 : i32
      %dma_start3A_176 = arith.constant 0 : i32
      %dma_start3A_177 = tpu.memref_slice %arg3[%dma_start3A_175, %dma_start3A_176] : memref<262144x128xf32, #tpu.memory_space<hbm>> -> memref<262144x128xf32, #tpu.memory_space<hbm>>
      tpu.enqueue_indirect_dma source(%dma_start3A_177 : memref<262144x128xf32, #tpu.memory_space<hbm>>) target(%arg11 : memref<128x128xf32, #tpu.memory_space<vmem>>) offsets(%dma_start3A_174 : memref<128xi32, #tpu.memory_space<vmem>>) semaphore(%arg16 : memref<!tpu.dma_semaphore, #tpu.memory_space<semaphore_mem>>)
    } else {
    }
    %gt3A_112 = arith.constant 2 : i32
    %gt3A_113 = arith.cmpi sgt, %select_n3A_77, %gt3A_112 : i32
    %convert_element_type3A_114 = arith.extui %gt3A_113 : i1 to i32
    %cond3A_115 = arith.constant 0 : i32
    %cond3A_116 = arith.cmpi ne, %convert_element_type3A_114, %cond3A_115 : i32
    scf.if %cond3A_116 {
      %dma_wait3A = arith.constant 256 : i32
      %dma_wait3A_169 = tpu.memref_slice %arg7[%dma_wait3A] : memref<1024xi32, #tpu.memory_space<vmem>> -> memref<128xi32, #tpu.memory_space<vmem>>
      %dma_wait3A_170 = arith.constant 0 : i32
      %dma_wait3A_171 = arith.constant 0 : i32
      %dma_wait3A_172 = tpu.memref_slice %arg2[%dma_wait3A_170, %dma_wait3A_171] : memref<262144x128xf32, #tpu.memory_space<hbm>> -> memref<262144x128xf32, #tpu.memory_space<hbm>>
      tpu.wait_indirect_dma semaphore(%arg13 : memref<!tpu.dma_semaphore, #tpu.memory_space<semaphore_mem>>) src(%dma_wait3A_172 : memref<262144x128xf32, #tpu.memory_space<hbm>>) dst(%arg8 : memref<128x128xf32, #tpu.memory_space<vmem>>)
      %dma_wait3A_173 = arith.constant 256 : i32
      %dma_wait3A_174 = tpu.memref_slice %arg7[%dma_wait3A_173] : memref<1024xi32, #tpu.memory_space<vmem>> -> memref<128xi32, #tpu.memory_space<vmem>>
      %dma_wait3A_175 = arith.constant 0 : i32
      %dma_wait3A_176 = arith.constant 0 : i32
      %dma_wait3A_177 = tpu.memref_slice %arg3[%dma_wait3A_175, %dma_wait3A_176] : memref<262144x128xf32, #tpu.memory_space<hbm>> -> memref<262144x128xf32, #tpu.memory_space<hbm>>
      tpu.wait_indirect_dma semaphore(%arg14 : memref<!tpu.dma_semaphore, #tpu.memory_space<semaphore_mem>>) src(%dma_wait3A_177 : memref<262144x128xf32, #tpu.memory_space<hbm>>) dst(%arg9 : memref<128x128xf32, #tpu.memory_space<vmem>>)
      %sub3A_178 = arith.constant 256 : i32
      %sub3A_179 = arith.subi %scan3A_48, %sub3A_178 : i32
      %min3A = arith.constant 128 : i32
      %min3A_180 = arith.minsi %sub3A_179, %min3A : i32
      %get3A = arith.constant 0 : index
      %get3A_181 = tpu.vector_load %arg12[%get3A] {strides = array<i32>} : memref<64xf32, #tpu.memory_space<vmem>>, vector<16xf32>,
      %get3A_182 = arith.constant 16 : index
      %get3A_183 = tpu.vector_load %arg12[%get3A_182] {strides = array<i32>} : memref<64xf32, #tpu.memory_space<vmem>>, vector<16xf32>,
      %get3A_184 = arith.constant 32 : index
      %get3A_185 = tpu.vector_load %arg12[%get3A_184] {strides = array<i32>} : memref<64xf32, #tpu.memory_space<vmem>>, vector<16xf32>,
      %while3A = arith.constant 0 : i32
      %while3A_186 = arith.subi %min3A_180, %while3A : i32
      %while3A_187 = arith.addi %while3A, %while3A_186 : i32
      %while3A_188 = arith.constant 1 : i32
      %while3A_189 = arith.divsi %while3A_186, %while3A_188 : i32
      %while3A_190 = arith.muli %while3A_189, %while3A_188 : i32
      %while3A_191 = arith.addi %while3A, %while3A_190 : i32
      %while3A_192 = arith.constant 1 : i32
      %while3A_193:3 = scf.for %while3A_202 = %while3A to %while3A_191 step %while3A_192 iter_args(%while3A_203 = %get3A_181, %while3A_204 = %get3A_183, %while3A_205 = %get3A_185) -> (vector<16xf32>, vector<16xf32>, vector<16xf32>)  : i32 {
        %get3A_206 = arith.index_cast %while3A_202 : i32 to index
        %get3A_207 = arith.constant 0 : index
        %get3A_208 = tpu.vector_load %arg8[%get3A_206, %get3A_207] {strides = array<i32>} : memref<128x128xf32, #tpu.memory_space<vmem>>, vector<16xf32>,
        %get3A_209 = arith.index_cast %while3A_202 : i32 to index
        %get3A_210 = arith.constant 0 : index
        %get3A_211 = tpu.vector_load %arg9[%get3A_209, %get3A_210] {strides = array<i32>} : memref<128x128xf32, #tpu.memory_space<vmem>>, vector<16xf32>,
        %mul3A_212 = arith.mulf %get3A_208, %get3A_211 : vector<16xf32>
        %add3A_213 = arith.addf %while3A_203, %mul3A_212 : vector<16xf32>
        %mul3A_214 = arith.mulf %get3A_208, %get3A_208 : vector<16xf32>
        %add3A_215 = arith.addf %while3A_204, %mul3A_214 : vector<16xf32>
        %mul3A_216 = arith.mulf %get3A_211, %get3A_211 : vector<16xf32>
        %add3A_217 = arith.addf %while3A_205, %mul3A_216 : vector<16xf32>
        %get3A_218 = arith.index_cast %while3A_202 : i32 to index
        %get3A_219 = arith.constant 16 : index
        %get3A_220 = tpu.vector_load %arg8[%get3A_218, %get3A_219] {strides = array<i32>} : memref<128x128xf32, #tpu.memory_space<vmem>>, vector<16xf32>,
        %get3A_221 = arith.index_cast %while3A_202 : i32 to index
        %get3A_222 = arith.constant 16 : index
        %get3A_223 = tpu.vector_load %arg9[%get3A_221, %get3A_222] {strides = array<i32>} : memref<128x128xf32, #tpu.memory_space<vmem>>, vector<16xf32>,
        %mul3A_224 = arith.mulf %get3A_220, %get3A_223 : vector<16xf32>
        %add3A_225 = arith.addf %add3A_213, %mul3A_224 : vector<16xf32>
        %mul3A_226 = arith.mulf %get3A_220, %get3A_220 : vector<16xf32>
        %add3A_227 = arith.addf %add3A_215, %mul3A_226 : vector<16xf32>
        %mul3A_228 = arith.mulf %get3A_223, %get3A_223 : vector<16xf32>
        %add3A_229 = arith.addf %add3A_217, %mul3A_228 : vector<16xf32>
        %get3A_230 = arith.index_cast %while3A_202 : i32 to index
        %get3A_231 = arith.constant 32 : index
        %get3A_232 = tpu.vector_load %arg8[%get3A_230, %get3A_231] {strides = array<i32>} : memref<128x128xf32, #tpu.memory_space<vmem>>, vector<16xf32>,
        %get3A_233 = arith.index_cast %while3A_202 : i32 to index
        %get3A_234 = arith.constant 32 : index
        %get3A_235 = tpu.vector_load %arg9[%get3A_233, %get3A_234] {strides = array<i32>} : memref<128x128xf32, #tpu.memory_space<vmem>>, vector<16xf32>,
        %mul3A_236 = arith.mulf %get3A_232, %get3A_235 : vector<16xf32>
        %add3A_237 = arith.addf %add3A_225, %mul3A_236 : vector<16xf32>
        %mul3A_238 = arith.mulf %get3A_232, %get3A_232 : vector<16xf32>
        %add3A_239 = arith.addf %add3A_227, %mul3A_238 : vector<16xf32>
        %mul3A_240 = arith.mulf %get3A_235, %get3A_235 : vector<16xf32>
        %add3A_241 = arith.addf %add3A_229, %mul3A_240 : vector<16xf32>
        %get3A_242 = arith.index_cast %while3A_202 : i32 to index
        %get3A_243 = arith.constant 48 : index
        %get3A_244 = tpu.vector_load %arg8[%get3A_242, %get3A_243] {strides = array<i32>} : memref<128x128xf32, #tpu.memory_space<vmem>>, vector<16xf32>,
        %get3A_245 = arith.index_cast %while3A_202 : i32 to index
        %get3A_246 = arith.constant 48 : index
        %get3A_247 = tpu.vector_load %arg9[%get3A_245, %get3A_246] {strides = array<i32>} : memref<128x128xf32, #tpu.memory_space<vmem>>, vector<16xf32>,
        %mul3A_248 = arith.mulf %get3A_244, %get3A_247 : vector<16xf32>
        %add3A_249 = arith.addf %add3A_237, %mul3A_248 : vector<16xf32>
        %mul3A_250 = arith.mulf %get3A_244, %get3A_244 : vector<16xf32>
        %add3A_251 = arith.addf %add3A_239, %mul3A_250 : vector<16xf32>
        %mul3A_252 = arith.mulf %get3A_247, %get3A_247 : vector<16xf32>
        %add3A_253 = arith.addf %add3A_241, %mul3A_252 : vector<16xf32>
        %get3A_254 = arith.index_cast %while3A_202 : i32 to index
        %get3A_255 = arith.constant 64 : index
        %get3A_256 = tpu.vector_load %arg8[%get3A_254, %get3A_255] {strides = array<i32>} : memref<128x128xf32, #tpu.memory_space<vmem>>, vector<16xf32>,
        %get3A_257 = arith.index_cast %while3A_202 : i32 to index
        %get3A_258 = arith.constant 64 : index
        %get3A_259 = tpu.vector_load %arg9[%get3A_257, %get3A_258] {strides = array<i32>} : memref<128x128xf32, #tpu.memory_space<vmem>>, vector<16xf32>,
        %mul3A_260 = arith.mulf %get3A_256, %get3A_259 : vector<16xf32>
        %add3A_261 = arith.addf %add3A_249, %mul3A_260 : vector<16xf32>
        %mul3A_262 = arith.mulf %get3A_256, %get3A_256 : vector<16xf32>
        %add3A_263 = arith.addf %add3A_251, %mul3A_262 : vector<16xf32>
        %mul3A_264 = arith.mulf %get3A_259, %get3A_259 : vector<16xf32>
        %add3A_265 = arith.addf %add3A_253, %mul3A_264 : vector<16xf32>
        %get3A_266 = arith.index_cast %while3A_202 : i32 to index
        %get3A_267 = arith.constant 80 : index
        %get3A_268 = tpu.vector_load %arg8[%get3A_266, %get3A_267] {strides = array<i32>} : memref<128x128xf32, #tpu.memory_space<vmem>>, vector<16xf32>,
        %get3A_269 = arith.index_cast %while3A_202 : i32 to index
        %get3A_270 = arith.constant 80 : index
        %get3A_271 = tpu.vector_load %arg9[%get3A_269, %get3A_270] {strides = array<i32>} : memref<128x128xf32, #tpu.memory_space<vmem>>, vector<16xf32>,
        %mul3A_272 = arith.mulf %get3A_268, %get3A_271 : vector<16xf32>
        %add3A_273 = arith.addf %add3A_261, %mul3A_272 : vector<16xf32>
        %mul3A_274 = arith.mulf %get3A_268, %get3A_268 : vector<16xf32>
        %add3A_275 = arith.addf %add3A_263, %mul3A_274 : vector<16xf32>
        %mul3A_276 = arith.mulf %get3A_271, %get3A_271 : vector<16xf32>
        %add3A_277 = arith.addf %add3A_265, %mul3A_276 : vector<16xf32>
        %get3A_278 = arith.index_cast %while3A_202 : i32 to index
        %get3A_279 = arith.constant 96 : index
        %get3A_280 = tpu.vector_load %arg8[%get3A_278, %get3A_279] {strides = array<i32>} : memref<128x128xf32, #tpu.memory_space<vmem>>, vector<16xf32>,
        %get3A_281 = arith.index_cast %while3A_202 : i32 to index
        %get3A_282 = arith.constant 96 : index
        %get3A_283 = tpu.vector_load %arg9[%get3A_281, %get3A_282] {strides = array<i32>} : memref<128x128xf32, #tpu.memory_space<vmem>>, vector<16xf32>,
        %mul3A_284 = arith.mulf %get3A_280, %get3A_283 : vector<16xf32>
        %add3A_285 = arith.addf %add3A_273, %mul3A_284 : vector<16xf32>
        %mul3A_286 = arith.mulf %get3A_280, %get3A_280 : vector<16xf32>
        %add3A_287 = arith.addf %add3A_275, %mul3A_286 : vector<16xf32>
        %mul3A_288 = arith.mulf %get3A_283, %get3A_283 : vector<16xf32>
        %add3A_289 = arith.addf %add3A_277, %mul3A_288 : vector<16xf32>
        %get3A_290 = arith.index_cast %while3A_202 : i32 to index
        %get3A_291 = arith.constant 112 : index
        %get3A_292 = tpu.vector_load %arg8[%get3A_290, %get3A_291] {strides = array<i32>} : memref<128x128xf32, #tpu.memory_space<vmem>>, vector<16xf32>,
        %get3A_293 = arith.index_cast %while3A_202 : i32 to index
        %get3A_294 = arith.constant 112 : index
        %get3A_295 = tpu.vector_load %arg9[%get3A_293, %get3A_294] {strides = array<i32>} : memref<128x128xf32, #tpu.memory_space<vmem>>, vector<16xf32>,
        %mul3A_296 = arith.mulf %get3A_292, %get3A_295 : vector<16xf32>
        %add3A_297 = arith.addf %add3A_285, %mul3A_296 : vector<16xf32>
        %mul3A_298 = arith.mulf %get3A_292, %get3A_292 : vector<16xf32>
        %add3A_299 = arith.addf %add3A_287, %mul3A_298 : vector<16xf32>
        %mul3A_300 = arith.mulf %get3A_295, %get3A_295 : vector<16xf32>
        %add3A_301 = arith.addf %add3A_289, %mul3A_300 : vector<16xf32>
        scf.yield %add3A_297, %add3A_299, %add3A_301 : vector<16xf32>, vector<16xf32>, vector<16xf32>
      }
      %while3A_194 = arith.constant 1 : i32
      %while3A_195:3 = scf.for %while3A_202 = %while3A_191 to %while3A_187 step %while3A_194 iter_args(%while3A_203 = %while3A_193#0, %while3A_204 = %while3A_193#1, %while3A_205 = %while3A_193#2) -> (vector<16xf32>, vector<16xf32>, vector<16xf32>)  : i32 {
        %get3A_206 = arith.index_cast %while3A_202 : i32 to index
        %get3A_207 = arith.constant 0 : index
        %get3A_208 = tpu.vector_load %arg8[%get3A_206, %get3A_207] {strides = array<i32>} : memref<128x128xf32, #tpu.memory_space<vmem>>, vector<16xf32>,
        %get3A_209 = arith.index_cast %while3A_202 : i32 to index
        %get3A_210 = arith.constant 0 : index
        %get3A_211 = tpu.vector_load %arg9[%get3A_209, %get3A_210] {strides = array<i32>} : memref<128x128xf32, #tpu.memory_space<vmem>>, vector<16xf32>,
        %mul3A_212 = arith.mulf %get3A_208, %get3A_211 : vector<16xf32>
        %add3A_213 = arith.addf %while3A_203, %mul3A_212 : vector<16xf32>
        %mul3A_214 = arith.mulf %get3A_208, %get3A_208 : vector<16xf32>
        %add3A_215 = arith.addf %while3A_204, %mul3A_214 : vector<16xf32>
        %mul3A_216 = arith.mulf %get3A_211, %get3A_211 : vector<16xf32>
        %add3A_217 = arith.addf %while3A_205, %mul3A_216 : vector<16xf32>
        %get3A_218 = arith.index_cast %while3A_202 : i32 to index
        %get3A_219 = arith.constant 16 : index
        %get3A_220 = tpu.vector_load %arg8[%get3A_218, %get3A_219] {strides = array<i32>} : memref<128x128xf32, #tpu.memory_space<vmem>>, vector<16xf32>,
        %get3A_221 = arith.index_cast %while3A_202 : i32 to index
        %get3A_222 = arith.constant 16 : index
        %get3A_223 = tpu.vector_load %arg9[%get3A_221, %get3A_222] {strides = array<i32>} : memref<128x128xf32, #tpu.memory_space<vmem>>, vector<16xf32>,
        %mul3A_224 = arith.mulf %get3A_220, %get3A_223 : vector<16xf32>
        %add3A_225 = arith.addf %add3A_213, %mul3A_224 : vector<16xf32>
        %mul3A_226 = arith.mulf %get3A_220, %get3A_220 : vector<16xf32>
        %add3A_227 = arith.addf %add3A_215, %mul3A_226 : vector<16xf32>
        %mul3A_228 = arith.mulf %get3A_223, %get3A_223 : vector<16xf32>
        %add3A_229 = arith.addf %add3A_217, %mul3A_228 : vector<16xf32>
        %get3A_230 = arith.index_cast %while3A_202 : i32 to index
        %get3A_231 = arith.constant 32 : index
        %get3A_232 = tpu.vector_load %arg8[%get3A_230, %get3A_231] {strides = array<i32>} : memref<128x128xf32, #tpu.memory_space<vmem>>, vector<16xf32>,
        %get3A_233 = arith.index_cast %while3A_202 : i32 to index
        %get3A_234 = arith.constant 32 : index
        %get3A_235 = tpu.vector_load %arg9[%get3A_233, %get3A_234] {strides = array<i32>} : memref<128x128xf32, #tpu.memory_space<vmem>>, vector<16xf32>,
        %mul3A_236 = arith.mulf %get3A_232, %get3A_235 : vector<16xf32>
        %add3A_237 = arith.addf %add3A_225, %mul3A_236 : vector<16xf32>
        %mul3A_238 = arith.mulf %get3A_232, %get3A_232 : vector<16xf32>
        %add3A_239 = arith.addf %add3A_227, %mul3A_238 : vector<16xf32>
        %mul3A_240 = arith.mulf %get3A_235, %get3A_235 : vector<16xf32>
        %add3A_241 = arith.addf %add3A_229, %mul3A_240 : vector<16xf32>
        %get3A_242 = arith.index_cast %while3A_202 : i32 to index
        %get3A_243 = arith.constant 48 : index
        %get3A_244 = tpu.vector_load %arg8[%get3A_242, %get3A_243] {strides = array<i32>} : memref<128x128xf32, #tpu.memory_space<vmem>>, vector<16xf32>,
        %get3A_245 = arith.index_cast %while3A_202 : i32 to index
        %get3A_246 = arith.constant 48 : index
        %get3A_247 = tpu.vector_load %arg9[%get3A_245, %get3A_246] {strides = array<i32>} : memref<128x128xf32, #tpu.memory_space<vmem>>, vector<16xf32>,
        %mul3A_248 = arith.mulf %get3A_244, %get3A_247 : vector<16xf32>
        %add3A_249 = arith.addf %add3A_237, %mul3A_248 : vector<16xf32>
        %mul3A_250 = arith.mulf %get3A_244, %get3A_244 : vector<16xf32>
        %add3A_251 = arith.addf %add3A_239, %mul3A_250 : vector<16xf32>
        %mul3A_252 = arith.mulf %get3A_247, %get3A_247 : vector<16xf32>
        %add3A_253 = arith.addf %add3A_241, %mul3A_252 : vector<16xf32>
        %get3A_254 = arith.index_cast %while3A_202 : i32 to index
        %get3A_255 = arith.constant 64 : index
        %get3A_256 = tpu.vector_load %arg8[%get3A_254, %get3A_255] {strides = array<i32>} : memref<128x128xf32, #tpu.memory_space<vmem>>, vector<16xf32>,
        %get3A_257 = arith.index_cast %while3A_202 : i32 to index
        %get3A_258 = arith.constant 64 : index
        %get3A_259 = tpu.vector_load %arg9[%get3A_257, %get3A_258] {strides = array<i32>} : memref<128x128xf32, #tpu.memory_space<vmem>>, vector<16xf32>,
        %mul3A_260 = arith.mulf %get3A_256, %get3A_259 : vector<16xf32>
        %add3A_261 = arith.addf %add3A_249, %mul3A_260 : vector<16xf32>
        %mul3A_262 = arith.mulf %get3A_256, %get3A_256 : vector<16xf32>
        %add3A_263 = arith.addf %add3A_251, %mul3A_262 : vector<16xf32>
        %mul3A_264 = arith.mulf %get3A_259, %get3A_259 : vector<16xf32>
        %add3A_265 = arith.addf %add3A_253, %mul3A_264 : vector<16xf32>
        %get3A_266 = arith.index_cast %while3A_202 : i32 to index
        %get3A_267 = arith.constant 80 : index
        %get3A_268 = tpu.vector_load %arg8[%get3A_266, %get3A_267] {strides = array<i32>} : memref<128x128xf32, #tpu.memory_space<vmem>>, vector<16xf32>,
        %get3A_269 = arith.index_cast %while3A_202 : i32 to index
        %get3A_270 = arith.constant 80 : index
        %get3A_271 = tpu.vector_load %arg9[%get3A_269, %get3A_270] {strides = array<i32>} : memref<128x128xf32, #tpu.memory_space<vmem>>, vector<16xf32>,
        %mul3A_272 = arith.mulf %get3A_268, %get3A_271 : vector<16xf32>
        %add3A_273 = arith.addf %add3A_261, %mul3A_272 : vector<16xf32>
        %mul3A_274 = arith.mulf %get3A_268, %get3A_268 : vector<16xf32>
        %add3A_275 = arith.addf %add3A_263, %mul3A_274 : vector<16xf32>
        %mul3A_276 = arith.mulf %get3A_271, %get3A_271 : vector<16xf32>
        %add3A_277 = arith.addf %add3A_265, %mul3A_276 : vector<16xf32>
        %get3A_278 = arith.index_cast %while3A_202 : i32 to index
        %get3A_279 = arith.constant 96 : index
        %get3A_280 = tpu.vector_load %arg8[%get3A_278, %get3A_279] {strides = array<i32>} : memref<128x128xf32, #tpu.memory_space<vmem>>, vector<16xf32>,
        %get3A_281 = arith.index_cast %while3A_202 : i32 to index
        %get3A_282 = arith.constant 96 : index
        %get3A_283 = tpu.vector_load %arg9[%get3A_281, %get3A_282] {strides = array<i32>} : memref<128x128xf32, #tpu.memory_space<vmem>>, vector<16xf32>,
        %mul3A_284 = arith.mulf %get3A_280, %get3A_283 : vector<16xf32>
        %add3A_285 = arith.addf %add3A_273, %mul3A_284 : vector<16xf32>
        %mul3A_286 = arith.mulf %get3A_280, %get3A_280 : vector<16xf32>
        %add3A_287 = arith.addf %add3A_275, %mul3A_286 : vector<16xf32>
        %mul3A_288 = arith.mulf %get3A_283, %get3A_283 : vector<16xf32>
        %add3A_289 = arith.addf %add3A_277, %mul3A_288 : vector<16xf32>
        %get3A_290 = arith.index_cast %while3A_202 : i32 to index
        %get3A_291 = arith.constant 112 : index
        %get3A_292 = tpu.vector_load %arg8[%get3A_290, %get3A_291] {strides = array<i32>} : memref<128x128xf32, #tpu.memory_space<vmem>>, vector<16xf32>,
        %get3A_293 = arith.index_cast %while3A_202 : i32 to index
        %get3A_294 = arith.constant 112 : index
        %get3A_295 = tpu.vector_load %arg9[%get3A_293, %get3A_294] {strides = array<i32>} : memref<128x128xf32, #tpu.memory_space<vmem>>, vector<16xf32>,
        %mul3A_296 = arith.mulf %get3A_292, %get3A_295 : vector<16xf32>
        %add3A_297 = arith.addf %add3A_285, %mul3A_296 : vector<16xf32>
        %mul3A_298 = arith.mulf %get3A_292, %get3A_292 : vector<16xf32>
        %add3A_299 = arith.addf %add3A_287, %mul3A_298 : vector<16xf32>
        %mul3A_300 = arith.mulf %get3A_295, %get3A_295 : vector<16xf32>
        %add3A_301 = arith.addf %add3A_289, %mul3A_300 : vector<16xf32>
        scf.yield %add3A_297, %add3A_299, %add3A_301 : vector<16xf32>, vector<16xf32>, vector<16xf32>
      }
      %swap3A_196 = arith.constant 0 : index
      %swap3A_197 = tpu.vector_load %arg12[%swap3A_196] {strides = array<i32>} : memref<64xf32, #tpu.memory_space<vmem>>, vector<16xf32>,
      tpu.vector_store %arg12[%swap3A_196], %while3A_195#0 {strides = array<i32>} : memref<64xf32, #tpu.memory_space<vmem>>, vector<16xf32>,
      %swap3A_198 = arith.constant 16 : index
      %swap3A_199 = tpu.vector_load %arg12[%swap3A_198] {strides = array<i32>} : memref<64xf32, #tpu.memory_space<vmem>>, vector<16xf32>,
      tpu.vector_store %arg12[%swap3A_198], %while3A_195#1 {strides = array<i32>} : memref<64xf32, #tpu.memory_space<vmem>>, vector<16xf32>,
      %swap3A_200 = arith.constant 32 : index
      %swap3A_201 = tpu.vector_load %arg12[%swap3A_200] {strides = array<i32>} : memref<64xf32, #tpu.memory_space<vmem>>, vector<16xf32>,
      tpu.vector_store %arg12[%swap3A_200], %while3A_195#2 {strides = array<i32>} : memref<64xf32, #tpu.memory_space<vmem>>, vector<16xf32>,
    } else {
    }
    %gt3A_117 = arith.constant 4 : i32
    %gt3A_118 = arith.cmpi sgt, %select_n3A_77, %gt3A_117 : i32
    %convert_element_type3A_119 = arith.extui %gt3A_118 : i1 to i32
    %cond3A_120 = arith.constant 0 : i32
    %cond3A_121 = arith.cmpi ne, %convert_element_type3A_119, %cond3A_120 : i32
    scf.if %cond3A_121 {
      %dma_start3A = arith.constant 512 : i32
      %dma_start3A_169 = tpu.memref_slice %arg7[%dma_start3A] : memref<1024xi32, #tpu.memory_space<vmem>> -> memref<128xi32, #tpu.memory_space<vmem>>
      %dma_start3A_170 = arith.constant 0 : i32
      %dma_start3A_171 = arith.constant 0 : i32
      %dma_start3A_172 = tpu.memref_slice %arg2[%dma_start3A_170, %dma_start3A_171] : memref<262144x128xf32, #tpu.memory_space<hbm>> -> memref<262144x128xf32, #tpu.memory_space<hbm>>
      tpu.enqueue_indirect_dma source(%dma_start3A_172 : memref<262144x128xf32, #tpu.memory_space<hbm>>) target(%arg8 : memref<128x128xf32, #tpu.memory_space<vmem>>) offsets(%dma_start3A_169 : memref<128xi32, #tpu.memory_space<vmem>>) semaphore(%arg13 : memref<!tpu.dma_semaphore, #tpu.memory_space<semaphore_mem>>)
      %dma_start3A_173 = arith.constant 512 : i32
      %dma_start3A_174 = tpu.memref_slice %arg7[%dma_start3A_173] : memref<1024xi32, #tpu.memory_space<vmem>> -> memref<128xi32, #tpu.memory_space<vmem>>
      %dma_start3A_175 = arith.constant 0 : i32
      %dma_start3A_176 = arith.constant 0 : i32
      %dma_start3A_177 = tpu.memref_slice %arg3[%dma_start3A_175, %dma_start3A_176] : memref<262144x128xf32, #tpu.memory_space<hbm>> -> memref<262144x128xf32, #tpu.memory_space<hbm>>
      tpu.enqueue_indirect_dma source(%dma_start3A_177 : memref<262144x128xf32, #tpu.memory_space<hbm>>) target(%arg9 : memref<128x128xf32, #tpu.memory_space<vmem>>) offsets(%dma_start3A_174 : memref<128xi32, #tpu.memory_space<vmem>>) semaphore(%arg14 : memref<!tpu.dma_semaphore, #tpu.memory_space<semaphore_mem>>)
    } else {
    }
    %gt3A_122 = arith.constant 3 : i32
    %gt3A_123 = arith.cmpi sgt, %select_n3A_77, %gt3A_122 : i32
    %convert_element_type3A_124 = arith.extui %gt3A_123 : i1 to i32
    %cond3A_125 = arith.constant 0 : i32
    %cond3A_126 = arith.cmpi ne, %convert_element_type3A_124, %cond3A_125 : i32
    scf.if %cond3A_126 {
      %dma_wait3A = arith.constant 384 : i32
      %dma_wait3A_169 = tpu.memref_slice %arg7[%dma_wait3A] : memref<1024xi32, #tpu.memory_space<vmem>> -> memref<128xi32, #tpu.memory_space<vmem>>
      %dma_wait3A_170 = arith.constant 0 : i32
      %dma_wait3A_171 = arith.constant 0 : i32
      %dma_wait3A_172 = tpu.memref_slice %arg2[%dma_wait3A_170, %dma_wait3A_171] : memref<262144x128xf32, #tpu.memory_space<hbm>> -> memref<262144x128xf32, #tpu.memory_space<hbm>>
      tpu.wait_indirect_dma semaphore(%arg15 : memref<!tpu.dma_semaphore, #tpu.memory_space<semaphore_mem>>) src(%dma_wait3A_172 : memref<262144x128xf32, #tpu.memory_space<hbm>>) dst(%arg10 : memref<128x128xf32, #tpu.memory_space<vmem>>)
      %dma_wait3A_173 = arith.constant 384 : i32
      %dma_wait3A_174 = tpu.memref_slice %arg7[%dma_wait3A_173] : memref<1024xi32, #tpu.memory_space<vmem>> -> memref<128xi32, #tpu.memory_space<vmem>>
      %dma_wait3A_175 = arith.constant 0 : i32
      %dma_wait3A_176 = arith.constant 0 : i32
      %dma_wait3A_177 = tpu.memref_slice %arg3[%dma_wait3A_175, %dma_wait3A_176] : memref<262144x128xf32, #tpu.memory_space<hbm>> -> memref<262144x128xf32, #tpu.memory_space<hbm>>
      tpu.wait_indirect_dma semaphore(%arg16 : memref<!tpu.dma_semaphore, #tpu.memory_space<semaphore_mem>>) src(%dma_wait3A_177 : memref<262144x128xf32, #tpu.memory_space<hbm>>) dst(%arg11 : memref<128x128xf32, #tpu.memory_space<vmem>>)
      %sub3A_178 = arith.constant 384 : i32
      %sub3A_179 = arith.subi %scan3A_48, %sub3A_178 : i32
      %min3A = arith.constant 128 : i32
      %min3A_180 = arith.minsi %sub3A_179, %min3A : i32
      %get3A = arith.constant 0 : index
      %get3A_181 = tpu.vector_load %arg12[%get3A] {strides = array<i32>} : memref<64xf32, #tpu.memory_space<vmem>>, vector<16xf32>,
      %get3A_182 = arith.constant 16 : index
      %get3A_183 = tpu.vector_load %arg12[%get3A_182] {strides = array<i32>} : memref<64xf32, #tpu.memory_space<vmem>>, vector<16xf32>,
      %get3A_184 = arith.constant 32 : index
      %get3A_185 = tpu.vector_load %arg12[%get3A_184] {strides = array<i32>} : memref<64xf32, #tpu.memory_space<vmem>>, vector<16xf32>,
      %while3A = arith.constant 0 : i32
      %while3A_186 = arith.subi %min3A_180, %while3A : i32
      %while3A_187 = arith.addi %while3A, %while3A_186 : i32
      %while3A_188 = arith.constant 1 : i32
      %while3A_189 = arith.divsi %while3A_186, %while3A_188 : i32
      %while3A_190 = arith.muli %while3A_189, %while3A_188 : i32
      %while3A_191 = arith.addi %while3A, %while3A_190 : i32
      %while3A_192 = arith.constant 1 : i32
      %while3A_193:3 = scf.for %while3A_202 = %while3A to %while3A_191 step %while3A_192 iter_args(%while3A_203 = %get3A_181, %while3A_204 = %get3A_183, %while3A_205 = %get3A_185) -> (vector<16xf32>, vector<16xf32>, vector<16xf32>)  : i32 {
        %get3A_206 = arith.index_cast %while3A_202 : i32 to index
        %get3A_207 = arith.constant 0 : index
        %get3A_208 = tpu.vector_load %arg10[%get3A_206, %get3A_207] {strides = array<i32>} : memref<128x128xf32, #tpu.memory_space<vmem>>, vector<16xf32>,
        %get3A_209 = arith.index_cast %while3A_202 : i32 to index
        %get3A_210 = arith.constant 0 : index
        %get3A_211 = tpu.vector_load %arg11[%get3A_209, %get3A_210] {strides = array<i32>} : memref<128x128xf32, #tpu.memory_space<vmem>>, vector<16xf32>,
        %mul3A_212 = arith.mulf %get3A_208, %get3A_211 : vector<16xf32>
        %add3A_213 = arith.addf %while3A_203, %mul3A_212 : vector<16xf32>
        %mul3A_214 = arith.mulf %get3A_208, %get3A_208 : vector<16xf32>
        %add3A_215 = arith.addf %while3A_204, %mul3A_214 : vector<16xf32>
        %mul3A_216 = arith.mulf %get3A_211, %get3A_211 : vector<16xf32>
        %add3A_217 = arith.addf %while3A_205, %mul3A_216 : vector<16xf32>
        %get3A_218 = arith.index_cast %while3A_202 : i32 to index
        %get3A_219 = arith.constant 16 : index
        %get3A_220 = tpu.vector_load %arg10[%get3A_218, %get3A_219] {strides = array<i32>} : memref<128x128xf32, #tpu.memory_space<vmem>>, vector<16xf32>,
        %get3A_221 = arith.index_cast %while3A_202 : i32 to index
        %get3A_222 = arith.constant 16 : index
        %get3A_223 = tpu.vector_load %arg11[%get3A_221, %get3A_222] {strides = array<i32>} : memref<128x128xf32, #tpu.memory_space<vmem>>, vector<16xf32>,
        %mul3A_224 = arith.mulf %get3A_220, %get3A_223 : vector<16xf32>
        %add3A_225 = arith.addf %add3A_213, %mul3A_224 : vector<16xf32>
        %mul3A_226 = arith.mulf %get3A_220, %get3A_220 : vector<16xf32>
        %add3A_227 = arith.addf %add3A_215, %mul3A_226 : vector<16xf32>
        %mul3A_228 = arith.mulf %get3A_223, %get3A_223 : vector<16xf32>
        %add3A_229 = arith.addf %add3A_217, %mul3A_228 : vector<16xf32>
        %get3A_230 = arith.index_cast %while3A_202 : i32 to index
        %get3A_231 = arith.constant 32 : index
        %get3A_232 = tpu.vector_load %arg10[%get3A_230, %get3A_231] {strides = array<i32>} : memref<128x128xf32, #tpu.memory_space<vmem>>, vector<16xf32>,
        %get3A_233 = arith.index_cast %while3A_202 : i32 to index
        %get3A_234 = arith.constant 32 : index
        %get3A_235 = tpu.vector_load %arg11[%get3A_233, %get3A_234] {strides = array<i32>} : memref<128x128xf32, #tpu.memory_space<vmem>>, vector<16xf32>,
        %mul3A_236 = arith.mulf %get3A_232, %get3A_235 : vector<16xf32>
        %add3A_237 = arith.addf %add3A_225, %mul3A_236 : vector<16xf32>
        %mul3A_238 = arith.mulf %get3A_232, %get3A_232 : vector<16xf32>
        %add3A_239 = arith.addf %add3A_227, %mul3A_238 : vector<16xf32>
        %mul3A_240 = arith.mulf %get3A_235, %get3A_235 : vector<16xf32>
        %add3A_241 = arith.addf %add3A_229, %mul3A_240 : vector<16xf32>
        %get3A_242 = arith.index_cast %while3A_202 : i32 to index
        %get3A_243 = arith.constant 48 : index
        %get3A_244 = tpu.vector_load %arg10[%get3A_242, %get3A_243] {strides = array<i32>} : memref<128x128xf32, #tpu.memory_space<vmem>>, vector<16xf32>,
        %get3A_245 = arith.index_cast %while3A_202 : i32 to index
        %get3A_246 = arith.constant 48 : index
        %get3A_247 = tpu.vector_load %arg11[%get3A_245, %get3A_246] {strides = array<i32>} : memref<128x128xf32, #tpu.memory_space<vmem>>, vector<16xf32>,
        %mul3A_248 = arith.mulf %get3A_244, %get3A_247 : vector<16xf32>
        %add3A_249 = arith.addf %add3A_237, %mul3A_248 : vector<16xf32>
        %mul3A_250 = arith.mulf %get3A_244, %get3A_244 : vector<16xf32>
        %add3A_251 = arith.addf %add3A_239, %mul3A_250 : vector<16xf32>
        %mul3A_252 = arith.mulf %get3A_247, %get3A_247 : vector<16xf32>
        %add3A_253 = arith.addf %add3A_241, %mul3A_252 : vector<16xf32>
        %get3A_254 = arith.index_cast %while3A_202 : i32 to index
        %get3A_255 = arith.constant 64 : index
        %get3A_256 = tpu.vector_load %arg10[%get3A_254, %get3A_255] {strides = array<i32>} : memref<128x128xf32, #tpu.memory_space<vmem>>, vector<16xf32>,
        %get3A_257 = arith.index_cast %while3A_202 : i32 to index
        %get3A_258 = arith.constant 64 : index
        %get3A_259 = tpu.vector_load %arg11[%get3A_257, %get3A_258] {strides = array<i32>} : memref<128x128xf32, #tpu.memory_space<vmem>>, vector<16xf32>,
        %mul3A_260 = arith.mulf %get3A_256, %get3A_259 : vector<16xf32>
        %add3A_261 = arith.addf %add3A_249, %mul3A_260 : vector<16xf32>
        %mul3A_262 = arith.mulf %get3A_256, %get3A_256 : vector<16xf32>
        %add3A_263 = arith.addf %add3A_251, %mul3A_262 : vector<16xf32>
        %mul3A_264 = arith.mulf %get3A_259, %get3A_259 : vector<16xf32>
        %add3A_265 = arith.addf %add3A_253, %mul3A_264 : vector<16xf32>
        %get3A_266 = arith.index_cast %while3A_202 : i32 to index
        %get3A_267 = arith.constant 80 : index
        %get3A_268 = tpu.vector_load %arg10[%get3A_266, %get3A_267] {strides = array<i32>} : memref<128x128xf32, #tpu.memory_space<vmem>>, vector<16xf32>,
        %get3A_269 = arith.index_cast %while3A_202 : i32 to index
        %get3A_270 = arith.constant 80 : index
        %get3A_271 = tpu.vector_load %arg11[%get3A_269, %get3A_270] {strides = array<i32>} : memref<128x128xf32, #tpu.memory_space<vmem>>, vector<16xf32>,
        %mul3A_272 = arith.mulf %get3A_268, %get3A_271 : vector<16xf32>
        %add3A_273 = arith.addf %add3A_261, %mul3A_272 : vector<16xf32>
        %mul3A_274 = arith.mulf %get3A_268, %get3A_268 : vector<16xf32>
        %add3A_275 = arith.addf %add3A_263, %mul3A_274 : vector<16xf32>
        %mul3A_276 = arith.mulf %get3A_271, %get3A_271 : vector<16xf32>
        %add3A_277 = arith.addf %add3A_265, %mul3A_276 : vector<16xf32>
        %get3A_278 = arith.index_cast %while3A_202 : i32 to index
        %get3A_279 = arith.constant 96 : index
        %get3A_280 = tpu.vector_load %arg10[%get3A_278, %get3A_279] {strides = array<i32>} : memref<128x128xf32, #tpu.memory_space<vmem>>, vector<16xf32>,
        %get3A_281 = arith.index_cast %while3A_202 : i32 to index
        %get3A_282 = arith.constant 96 : index
        %get3A_283 = tpu.vector_load %arg11[%get3A_281, %get3A_282] {strides = array<i32>} : memref<128x128xf32, #tpu.memory_space<vmem>>, vector<16xf32>,
        %mul3A_284 = arith.mulf %get3A_280, %get3A_283 : vector<16xf32>
        %add3A_285 = arith.addf %add3A_273, %mul3A_284 : vector<16xf32>
        %mul3A_286 = arith.mulf %get3A_280, %get3A_280 : vector<16xf32>
        %add3A_287 = arith.addf %add3A_275, %mul3A_286 : vector<16xf32>
        %mul3A_288 = arith.mulf %get3A_283, %get3A_283 : vector<16xf32>
        %add3A_289 = arith.addf %add3A_277, %mul3A_288 : vector<16xf32>
        %get3A_290 = arith.index_cast %while3A_202 : i32 to index
        %get3A_291 = arith.constant 112 : index
        %get3A_292 = tpu.vector_load %arg10[%get3A_290, %get3A_291] {strides = array<i32>} : memref<128x128xf32, #tpu.memory_space<vmem>>, vector<16xf32>,
        %get3A_293 = arith.index_cast %while3A_202 : i32 to index
        %get3A_294 = arith.constant 112 : index
        %get3A_295 = tpu.vector_load %arg11[%get3A_293, %get3A_294] {strides = array<i32>} : memref<128x128xf32, #tpu.memory_space<vmem>>, vector<16xf32>,
        %mul3A_296 = arith.mulf %get3A_292, %get3A_295 : vector<16xf32>
        %add3A_297 = arith.addf %add3A_285, %mul3A_296 : vector<16xf32>
        %mul3A_298 = arith.mulf %get3A_292, %get3A_292 : vector<16xf32>
        %add3A_299 = arith.addf %add3A_287, %mul3A_298 : vector<16xf32>
        %mul3A_300 = arith.mulf %get3A_295, %get3A_295 : vector<16xf32>
        %add3A_301 = arith.addf %add3A_289, %mul3A_300 : vector<16xf32>
        scf.yield %add3A_297, %add3A_299, %add3A_301 : vector<16xf32>, vector<16xf32>, vector<16xf32>
      }
      %while3A_194 = arith.constant 1 : i32
      %while3A_195:3 = scf.for %while3A_202 = %while3A_191 to %while3A_187 step %while3A_194 iter_args(%while3A_203 = %while3A_193#0, %while3A_204 = %while3A_193#1, %while3A_205 = %while3A_193#2) -> (vector<16xf32>, vector<16xf32>, vector<16xf32>)  : i32 {
        %get3A_206 = arith.index_cast %while3A_202 : i32 to index
        %get3A_207 = arith.constant 0 : index
        %get3A_208 = tpu.vector_load %arg10[%get3A_206, %get3A_207] {strides = array<i32>} : memref<128x128xf32, #tpu.memory_space<vmem>>, vector<16xf32>,
        %get3A_209 = arith.index_cast %while3A_202 : i32 to index
        %get3A_210 = arith.constant 0 : index
        %get3A_211 = tpu.vector_load %arg11[%get3A_209, %get3A_210] {strides = array<i32>} : memref<128x128xf32, #tpu.memory_space<vmem>>, vector<16xf32>,
        %mul3A_212 = arith.mulf %get3A_208, %get3A_211 : vector<16xf32>
        %add3A_213 = arith.addf %while3A_203, %mul3A_212 : vector<16xf32>
        %mul3A_214 = arith.mulf %get3A_208, %get3A_208 : vector<16xf32>
        %add3A_215 = arith.addf %while3A_204, %mul3A_214 : vector<16xf32>
        %mul3A_216 = arith.mulf %get3A_211, %get3A_211 : vector<16xf32>
        %add3A_217 = arith.addf %while3A_205, %mul3A_216 : vector<16xf32>
        %get3A_218 = arith.index_cast %while3A_202 : i32 to index
        %get3A_219 = arith.constant 16 : index
        %get3A_220 = tpu.vector_load %arg10[%get3A_218, %get3A_219] {strides = array<i32>} : memref<128x128xf32, #tpu.memory_space<vmem>>, vector<16xf32>,
        %get3A_221 = arith.index_cast %while3A_202 : i32 to index
        %get3A_222 = arith.constant 16 : index
        %get3A_223 = tpu.vector_load %arg11[%get3A_221, %get3A_222] {strides = array<i32>} : memref<128x128xf32, #tpu.memory_space<vmem>>, vector<16xf32>,
        %mul3A_224 = arith.mulf %get3A_220, %get3A_223 : vector<16xf32>
        %add3A_225 = arith.addf %add3A_213, %mul3A_224 : vector<16xf32>
        %mul3A_226 = arith.mulf %get3A_220, %get3A_220 : vector<16xf32>
        %add3A_227 = arith.addf %add3A_215, %mul3A_226 : vector<16xf32>
        %mul3A_228 = arith.mulf %get3A_223, %get3A_223 : vector<16xf32>
        %add3A_229 = arith.addf %add3A_217, %mul3A_228 : vector<16xf32>
        %get3A_230 = arith.index_cast %while3A_202 : i32 to index
        %get3A_231 = arith.constant 32 : index
        %get3A_232 = tpu.vector_load %arg10[%get3A_230, %get3A_231] {strides = array<i32>} : memref<128x128xf32, #tpu.memory_space<vmem>>, vector<16xf32>,
        %get3A_233 = arith.index_cast %while3A_202 : i32 to index
        %get3A_234 = arith.constant 32 : index
        %get3A_235 = tpu.vector_load %arg11[%get3A_233, %get3A_234] {strides = array<i32>} : memref<128x128xf32, #tpu.memory_space<vmem>>, vector<16xf32>,
        %mul3A_236 = arith.mulf %get3A_232, %get3A_235 : vector<16xf32>
        %add3A_237 = arith.addf %add3A_225, %mul3A_236 : vector<16xf32>
        %mul3A_238 = arith.mulf %get3A_232, %get3A_232 : vector<16xf32>
        %add3A_239 = arith.addf %add3A_227, %mul3A_238 : vector<16xf32>
        %mul3A_240 = arith.mulf %get3A_235, %get3A_235 : vector<16xf32>
        %add3A_241 = arith.addf %add3A_229, %mul3A_240 : vector<16xf32>
        %get3A_242 = arith.index_cast %while3A_202 : i32 to index
        %get3A_243 = arith.constant 48 : index
        %get3A_244 = tpu.vector_load %arg10[%get3A_242, %get3A_243] {strides = array<i32>} : memref<128x128xf32, #tpu.memory_space<vmem>>, vector<16xf32>,
        %get3A_245 = arith.index_cast %while3A_202 : i32 to index
        %get3A_246 = arith.constant 48 : index
        %get3A_247 = tpu.vector_load %arg11[%get3A_245, %get3A_246] {strides = array<i32>} : memref<128x128xf32, #tpu.memory_space<vmem>>, vector<16xf32>,
        %mul3A_248 = arith.mulf %get3A_244, %get3A_247 : vector<16xf32>
        %add3A_249 = arith.addf %add3A_237, %mul3A_248 : vector<16xf32>
        %mul3A_250 = arith.mulf %get3A_244, %get3A_244 : vector<16xf32>
        %add3A_251 = arith.addf %add3A_239, %mul3A_250 : vector<16xf32>
        %mul3A_252 = arith.mulf %get3A_247, %get3A_247 : vector<16xf32>
        %add3A_253 = arith.addf %add3A_241, %mul3A_252 : vector<16xf32>
        %get3A_254 = arith.index_cast %while3A_202 : i32 to index
        %get3A_255 = arith.constant 64 : index
        %get3A_256 = tpu.vector_load %arg10[%get3A_254, %get3A_255] {strides = array<i32>} : memref<128x128xf32, #tpu.memory_space<vmem>>, vector<16xf32>,
        %get3A_257 = arith.index_cast %while3A_202 : i32 to index
        %get3A_258 = arith.constant 64 : index
        %get3A_259 = tpu.vector_load %arg11[%get3A_257, %get3A_258] {strides = array<i32>} : memref<128x128xf32, #tpu.memory_space<vmem>>, vector<16xf32>,
        %mul3A_260 = arith.mulf %get3A_256, %get3A_259 : vector<16xf32>
        %add3A_261 = arith.addf %add3A_249, %mul3A_260 : vector<16xf32>
        %mul3A_262 = arith.mulf %get3A_256, %get3A_256 : vector<16xf32>
        %add3A_263 = arith.addf %add3A_251, %mul3A_262 : vector<16xf32>
        %mul3A_264 = arith.mulf %get3A_259, %get3A_259 : vector<16xf32>
        %add3A_265 = arith.addf %add3A_253, %mul3A_264 : vector<16xf32>
        %get3A_266 = arith.index_cast %while3A_202 : i32 to index
        %get3A_267 = arith.constant 80 : index
        %get3A_268 = tpu.vector_load %arg10[%get3A_266, %get3A_267] {strides = array<i32>} : memref<128x128xf32, #tpu.memory_space<vmem>>, vector<16xf32>,
        %get3A_269 = arith.index_cast %while3A_202 : i32 to index
        %get3A_270 = arith.constant 80 : index
        %get3A_271 = tpu.vector_load %arg11[%get3A_269, %get3A_270] {strides = array<i32>} : memref<128x128xf32, #tpu.memory_space<vmem>>, vector<16xf32>,
        %mul3A_272 = arith.mulf %get3A_268, %get3A_271 : vector<16xf32>
        %add3A_273 = arith.addf %add3A_261, %mul3A_272 : vector<16xf32>
        %mul3A_274 = arith.mulf %get3A_268, %get3A_268 : vector<16xf32>
        %add3A_275 = arith.addf %add3A_263, %mul3A_274 : vector<16xf32>
        %mul3A_276 = arith.mulf %get3A_271, %get3A_271 : vector<16xf32>
        %add3A_277 = arith.addf %add3A_265, %mul3A_276 : vector<16xf32>
        %get3A_278 = arith.index_cast %while3A_202 : i32 to index
        %get3A_279 = arith.constant 96 : index
        %get3A_280 = tpu.vector_load %arg10[%get3A_278, %get3A_279] {strides = array<i32>} : memref<128x128xf32, #tpu.memory_space<vmem>>, vector<16xf32>,
        %get3A_281 = arith.index_cast %while3A_202 : i32 to index
        %get3A_282 = arith.constant 96 : index
        %get3A_283 = tpu.vector_load %arg11[%get3A_281, %get3A_282] {strides = array<i32>} : memref<128x128xf32, #tpu.memory_space<vmem>>, vector<16xf32>,
        %mul3A_284 = arith.mulf %get3A_280, %get3A_283 : vector<16xf32>
        %add3A_285 = arith.addf %add3A_273, %mul3A_284 : vector<16xf32>
        %mul3A_286 = arith.mulf %get3A_280, %get3A_280 : vector<16xf32>
        %add3A_287 = arith.addf %add3A_275, %mul3A_286 : vector<16xf32>
        %mul3A_288 = arith.mulf %get3A_283, %get3A_283 : vector<16xf32>
        %add3A_289 = arith.addf %add3A_277, %mul3A_288 : vector<16xf32>
        %get3A_290 = arith.index_cast %while3A_202 : i32 to index
        %get3A_291 = arith.constant 112 : index
        %get3A_292 = tpu.vector_load %arg10[%get3A_290, %get3A_291] {strides = array<i32>} : memref<128x128xf32, #tpu.memory_space<vmem>>, vector<16xf32>,
        %get3A_293 = arith.index_cast %while3A_202 : i32 to index
        %get3A_294 = arith.constant 112 : index
        %get3A_295 = tpu.vector_load %arg11[%get3A_293, %get3A_294] {strides = array<i32>} : memref<128x128xf32, #tpu.memory_space<vmem>>, vector<16xf32>,
        %mul3A_296 = arith.mulf %get3A_292, %get3A_295 : vector<16xf32>
        %add3A_297 = arith.addf %add3A_285, %mul3A_296 : vector<16xf32>
        %mul3A_298 = arith.mulf %get3A_292, %get3A_292 : vector<16xf32>
        %add3A_299 = arith.addf %add3A_287, %mul3A_298 : vector<16xf32>
        %mul3A_300 = arith.mulf %get3A_295, %get3A_295 : vector<16xf32>
        %add3A_301 = arith.addf %add3A_289, %mul3A_300 : vector<16xf32>
        scf.yield %add3A_297, %add3A_299, %add3A_301 : vector<16xf32>, vector<16xf32>, vector<16xf32>
      }
      %swap3A_196 = arith.constant 0 : index
      %swap3A_197 = tpu.vector_load %arg12[%swap3A_196] {strides = array<i32>} : memref<64xf32, #tpu.memory_space<vmem>>, vector<16xf32>,
      tpu.vector_store %arg12[%swap3A_196], %while3A_195#0 {strides = array<i32>} : memref<64xf32, #tpu.memory_space<vmem>>, vector<16xf32>,
      %swap3A_198 = arith.constant 16 : index
      %swap3A_199 = tpu.vector_load %arg12[%swap3A_198] {strides = array<i32>} : memref<64xf32, #tpu.memory_space<vmem>>, vector<16xf32>,
      tpu.vector_store %arg12[%swap3A_198], %while3A_195#1 {strides = array<i32>} : memref<64xf32, #tpu.memory_space<vmem>>, vector<16xf32>,
      %swap3A_200 = arith.constant 32 : index
      %swap3A_201 = tpu.vector_load %arg12[%swap3A_200] {strides = array<i32>} : memref<64xf32, #tpu.memory_space<vmem>>, vector<16xf32>,
      tpu.vector_store %arg12[%swap3A_200], %while3A_195#2 {strides = array<i32>} : memref<64xf32, #tpu.memory_space<vmem>>, vector<16xf32>,
    } else {
    }
    %gt3A_127 = arith.constant 5 : i32
    %gt3A_128 = arith.cmpi sgt, %select_n3A_77, %gt3A_127 : i32
    %convert_element_type3A_129 = arith.extui %gt3A_128 : i1 to i32
    %cond3A_130 = arith.constant 0 : i32
    %cond3A_131 = arith.cmpi ne, %convert_element_type3A_129, %cond3A_130 : i32
    scf.if %cond3A_131 {
      %dma_start3A = arith.constant 640 : i32
      %dma_start3A_169 = tpu.memref_slice %arg7[%dma_start3A] : memref<1024xi32, #tpu.memory_space<vmem>> -> memref<128xi32, #tpu.memory_space<vmem>>
      %dma_start3A_170 = arith.constant 0 : i32
      %dma_start3A_171 = arith.constant 0 : i32
      %dma_start3A_172 = tpu.memref_slice %arg2[%dma_start3A_170, %dma_start3A_171] : memref<262144x128xf32, #tpu.memory_space<hbm>> -> memref<262144x128xf32, #tpu.memory_space<hbm>>
      tpu.enqueue_indirect_dma source(%dma_start3A_172 : memref<262144x128xf32, #tpu.memory_space<hbm>>) target(%arg10 : memref<128x128xf32, #tpu.memory_space<vmem>>) offsets(%dma_start3A_169 : memref<128xi32, #tpu.memory_space<vmem>>) semaphore(%arg15 : memref<!tpu.dma_semaphore, #tpu.memory_space<semaphore_mem>>)
      %dma_start3A_173 = arith.constant 640 : i32
      %dma_start3A_174 = tpu.memref_slice %arg7[%dma_start3A_173] : memref<1024xi32, #tpu.memory_space<vmem>> -> memref<128xi32, #tpu.memory_space<vmem>>
      %dma_start3A_175 = arith.constant 0 : i32
      %dma_start3A_176 = arith.constant 0 : i32
      %dma_start3A_177 = tpu.memref_slice %arg3[%dma_start3A_175, %dma_start3A_176] : memref<262144x128xf32, #tpu.memory_space<hbm>> -> memref<262144x128xf32, #tpu.memory_space<hbm>>
      tpu.enqueue_indirect_dma source(%dma_start3A_177 : memref<262144x128xf32, #tpu.memory_space<hbm>>) target(%arg11 : memref<128x128xf32, #tpu.memory_space<vmem>>) offsets(%dma_start3A_174 : memref<128xi32, #tpu.memory_space<vmem>>) semaphore(%arg16 : memref<!tpu.dma_semaphore, #tpu.memory_space<semaphore_mem>>)
    } else {
    }
    %gt3A_132 = arith.constant 4 : i32
    %gt3A_133 = arith.cmpi sgt, %select_n3A_77, %gt3A_132 : i32
    %convert_element_type3A_134 = arith.extui %gt3A_133 : i1 to i32
    %cond3A_135 = arith.constant 0 : i32
    %cond3A_136 = arith.cmpi ne, %convert_element_type3A_134, %cond3A_135 : i32
    scf.if %cond3A_136 {
      %dma_wait3A = arith.constant 512 : i32
      %dma_wait3A_169 = tpu.memref_slice %arg7[%dma_wait3A] : memref<1024xi32, #tpu.memory_space<vmem>> -> memref<128xi32, #tpu.memory_space<vmem>>
      %dma_wait3A_170 = arith.constant 0 : i32
      %dma_wait3A_171 = arith.constant 0 : i32
      %dma_wait3A_172 = tpu.memref_slice %arg2[%dma_wait3A_170, %dma_wait3A_171] : memref<262144x128xf32, #tpu.memory_space<hbm>> -> memref<262144x128xf32, #tpu.memory_space<hbm>>
      tpu.wait_indirect_dma semaphore(%arg13 : memref<!tpu.dma_semaphore, #tpu.memory_space<semaphore_mem>>) src(%dma_wait3A_172 : memref<262144x128xf32, #tpu.memory_space<hbm>>) dst(%arg8 : memref<128x128xf32, #tpu.memory_space<vmem>>)
      %dma_wait3A_173 = arith.constant 512 : i32
      %dma_wait3A_174 = tpu.memref_slice %arg7[%dma_wait3A_173] : memref<1024xi32, #tpu.memory_space<vmem>> -> memref<128xi32, #tpu.memory_space<vmem>>
      %dma_wait3A_175 = arith.constant 0 : i32
      %dma_wait3A_176 = arith.constant 0 : i32
      %dma_wait3A_177 = tpu.memref_slice %arg3[%dma_wait3A_175, %dma_wait3A_176] : memref<262144x128xf32, #tpu.memory_space<hbm>> -> memref<262144x128xf32, #tpu.memory_space<hbm>>
      tpu.wait_indirect_dma semaphore(%arg14 : memref<!tpu.dma_semaphore, #tpu.memory_space<semaphore_mem>>) src(%dma_wait3A_177 : memref<262144x128xf32, #tpu.memory_space<hbm>>) dst(%arg9 : memref<128x128xf32, #tpu.memory_space<vmem>>)
      %sub3A_178 = arith.constant 512 : i32
      %sub3A_179 = arith.subi %scan3A_48, %sub3A_178 : i32
      %min3A = arith.constant 128 : i32
      %min3A_180 = arith.minsi %sub3A_179, %min3A : i32
      %get3A = arith.constant 0 : index
      %get3A_181 = tpu.vector_load %arg12[%get3A] {strides = array<i32>} : memref<64xf32, #tpu.memory_space<vmem>>, vector<16xf32>,
      %get3A_182 = arith.constant 16 : index
      %get3A_183 = tpu.vector_load %arg12[%get3A_182] {strides = array<i32>} : memref<64xf32, #tpu.memory_space<vmem>>, vector<16xf32>,
      %get3A_184 = arith.constant 32 : index
      %get3A_185 = tpu.vector_load %arg12[%get3A_184] {strides = array<i32>} : memref<64xf32, #tpu.memory_space<vmem>>, vector<16xf32>,
      %while3A = arith.constant 0 : i32
      %while3A_186 = arith.subi %min3A_180, %while3A : i32
      %while3A_187 = arith.addi %while3A, %while3A_186 : i32
      %while3A_188 = arith.constant 1 : i32
      %while3A_189 = arith.divsi %while3A_186, %while3A_188 : i32
      %while3A_190 = arith.muli %while3A_189, %while3A_188 : i32
      %while3A_191 = arith.addi %while3A, %while3A_190 : i32
      %while3A_192 = arith.constant 1 : i32
      %while3A_193:3 = scf.for %while3A_202 = %while3A to %while3A_191 step %while3A_192 iter_args(%while3A_203 = %get3A_181, %while3A_204 = %get3A_183, %while3A_205 = %get3A_185) -> (vector<16xf32>, vector<16xf32>, vector<16xf32>)  : i32 {
        %get3A_206 = arith.index_cast %while3A_202 : i32 to index
        %get3A_207 = arith.constant 0 : index
        %get3A_208 = tpu.vector_load %arg8[%get3A_206, %get3A_207] {strides = array<i32>} : memref<128x128xf32, #tpu.memory_space<vmem>>, vector<16xf32>,
        %get3A_209 = arith.index_cast %while3A_202 : i32 to index
        %get3A_210 = arith.constant 0 : index
        %get3A_211 = tpu.vector_load %arg9[%get3A_209, %get3A_210] {strides = array<i32>} : memref<128x128xf32, #tpu.memory_space<vmem>>, vector<16xf32>,
        %mul3A_212 = arith.mulf %get3A_208, %get3A_211 : vector<16xf32>
        %add3A_213 = arith.addf %while3A_203, %mul3A_212 : vector<16xf32>
        %mul3A_214 = arith.mulf %get3A_208, %get3A_208 : vector<16xf32>
        %add3A_215 = arith.addf %while3A_204, %mul3A_214 : vector<16xf32>
        %mul3A_216 = arith.mulf %get3A_211, %get3A_211 : vector<16xf32>
        %add3A_217 = arith.addf %while3A_205, %mul3A_216 : vector<16xf32>
        %get3A_218 = arith.index_cast %while3A_202 : i32 to index
        %get3A_219 = arith.constant 16 : index
        %get3A_220 = tpu.vector_load %arg8[%get3A_218, %get3A_219] {strides = array<i32>} : memref<128x128xf32, #tpu.memory_space<vmem>>, vector<16xf32>,
        %get3A_221 = arith.index_cast %while3A_202 : i32 to index
        %get3A_222 = arith.constant 16 : index
        %get3A_223 = tpu.vector_load %arg9[%get3A_221, %get3A_222] {strides = array<i32>} : memref<128x128xf32, #tpu.memory_space<vmem>>, vector<16xf32>,
        %mul3A_224 = arith.mulf %get3A_220, %get3A_223 : vector<16xf32>
        %add3A_225 = arith.addf %add3A_213, %mul3A_224 : vector<16xf32>
        %mul3A_226 = arith.mulf %get3A_220, %get3A_220 : vector<16xf32>
        %add3A_227 = arith.addf %add3A_215, %mul3A_226 : vector<16xf32>
        %mul3A_228 = arith.mulf %get3A_223, %get3A_223 : vector<16xf32>
        %add3A_229 = arith.addf %add3A_217, %mul3A_228 : vector<16xf32>
        %get3A_230 = arith.index_cast %while3A_202 : i32 to index
        %get3A_231 = arith.constant 32 : index
        %get3A_232 = tpu.vector_load %arg8[%get3A_230, %get3A_231] {strides = array<i32>} : memref<128x128xf32, #tpu.memory_space<vmem>>, vector<16xf32>,
        %get3A_233 = arith.index_cast %while3A_202 : i32 to index
        %get3A_234 = arith.constant 32 : index
        %get3A_235 = tpu.vector_load %arg9[%get3A_233, %get3A_234] {strides = array<i32>} : memref<128x128xf32, #tpu.memory_space<vmem>>, vector<16xf32>,
        %mul3A_236 = arith.mulf %get3A_232, %get3A_235 : vector<16xf32>
        %add3A_237 = arith.addf %add3A_225, %mul3A_236 : vector<16xf32>
        %mul3A_238 = arith.mulf %get3A_232, %get3A_232 : vector<16xf32>
        %add3A_239 = arith.addf %add3A_227, %mul3A_238 : vector<16xf32>
        %mul3A_240 = arith.mulf %get3A_235, %get3A_235 : vector<16xf32>
        %add3A_241 = arith.addf %add3A_229, %mul3A_240 : vector<16xf32>
        %get3A_242 = arith.index_cast %while3A_202 : i32 to index
        %get3A_243 = arith.constant 48 : index
        %get3A_244 = tpu.vector_load %arg8[%get3A_242, %get3A_243] {strides = array<i32>} : memref<128x128xf32, #tpu.memory_space<vmem>>, vector<16xf32>,
        %get3A_245 = arith.index_cast %while3A_202 : i32 to index
        %get3A_246 = arith.constant 48 : index
        %get3A_247 = tpu.vector_load %arg9[%get3A_245, %get3A_246] {strides = array<i32>} : memref<128x128xf32, #tpu.memory_space<vmem>>, vector<16xf32>,
        %mul3A_248 = arith.mulf %get3A_244, %get3A_247 : vector<16xf32>
        %add3A_249 = arith.addf %add3A_237, %mul3A_248 : vector<16xf32>
        %mul3A_250 = arith.mulf %get3A_244, %get3A_244 : vector<16xf32>
        %add3A_251 = arith.addf %add3A_239, %mul3A_250 : vector<16xf32>
        %mul3A_252 = arith.mulf %get3A_247, %get3A_247 : vector<16xf32>
        %add3A_253 = arith.addf %add3A_241, %mul3A_252 : vector<16xf32>
        %get3A_254 = arith.index_cast %while3A_202 : i32 to index
        %get3A_255 = arith.constant 64 : index
        %get3A_256 = tpu.vector_load %arg8[%get3A_254, %get3A_255] {strides = array<i32>} : memref<128x128xf32, #tpu.memory_space<vmem>>, vector<16xf32>,
        %get3A_257 = arith.index_cast %while3A_202 : i32 to index
        %get3A_258 = arith.constant 64 : index
        %get3A_259 = tpu.vector_load %arg9[%get3A_257, %get3A_258] {strides = array<i32>} : memref<128x128xf32, #tpu.memory_space<vmem>>, vector<16xf32>,
        %mul3A_260 = arith.mulf %get3A_256, %get3A_259 : vector<16xf32>
        %add3A_261 = arith.addf %add3A_249, %mul3A_260 : vector<16xf32>
        %mul3A_262 = arith.mulf %get3A_256, %get3A_256 : vector<16xf32>
        %add3A_263 = arith.addf %add3A_251, %mul3A_262 : vector<16xf32>
        %mul3A_264 = arith.mulf %get3A_259, %get3A_259 : vector<16xf32>
        %add3A_265 = arith.addf %add3A_253, %mul3A_264 : vector<16xf32>
        %get3A_266 = arith.index_cast %while3A_202 : i32 to index
        %get3A_267 = arith.constant 80 : index
        %get3A_268 = tpu.vector_load %arg8[%get3A_266, %get3A_267] {strides = array<i32>} : memref<128x128xf32, #tpu.memory_space<vmem>>, vector<16xf32>,
        %get3A_269 = arith.index_cast %while3A_202 : i32 to index
        %get3A_270 = arith.constant 80 : index
        %get3A_271 = tpu.vector_load %arg9[%get3A_269, %get3A_270] {strides = array<i32>} : memref<128x128xf32, #tpu.memory_space<vmem>>, vector<16xf32>,
        %mul3A_272 = arith.mulf %get3A_268, %get3A_271 : vector<16xf32>
        %add3A_273 = arith.addf %add3A_261, %mul3A_272 : vector<16xf32>
        %mul3A_274 = arith.mulf %get3A_268, %get3A_268 : vector<16xf32>
        %add3A_275 = arith.addf %add3A_263, %mul3A_274 : vector<16xf32>
        %mul3A_276 = arith.mulf %get3A_271, %get3A_271 : vector<16xf32>
        %add3A_277 = arith.addf %add3A_265, %mul3A_276 : vector<16xf32>
        %get3A_278 = arith.index_cast %while3A_202 : i32 to index
        %get3A_279 = arith.constant 96 : index
        %get3A_280 = tpu.vector_load %arg8[%get3A_278, %get3A_279] {strides = array<i32>} : memref<128x128xf32, #tpu.memory_space<vmem>>, vector<16xf32>,
        %get3A_281 = arith.index_cast %while3A_202 : i32 to index
        %get3A_282 = arith.constant 96 : index
        %get3A_283 = tpu.vector_load %arg9[%get3A_281, %get3A_282] {strides = array<i32>} : memref<128x128xf32, #tpu.memory_space<vmem>>, vector<16xf32>,
        %mul3A_284 = arith.mulf %get3A_280, %get3A_283 : vector<16xf32>
        %add3A_285 = arith.addf %add3A_273, %mul3A_284 : vector<16xf32>
        %mul3A_286 = arith.mulf %get3A_280, %get3A_280 : vector<16xf32>
        %add3A_287 = arith.addf %add3A_275, %mul3A_286 : vector<16xf32>
        %mul3A_288 = arith.mulf %get3A_283, %get3A_283 : vector<16xf32>
        %add3A_289 = arith.addf %add3A_277, %mul3A_288 : vector<16xf32>
        %get3A_290 = arith.index_cast %while3A_202 : i32 to index
        %get3A_291 = arith.constant 112 : index
        %get3A_292 = tpu.vector_load %arg8[%get3A_290, %get3A_291] {strides = array<i32>} : memref<128x128xf32, #tpu.memory_space<vmem>>, vector<16xf32>,
        %get3A_293 = arith.index_cast %while3A_202 : i32 to index
        %get3A_294 = arith.constant 112 : index
        %get3A_295 = tpu.vector_load %arg9[%get3A_293, %get3A_294] {strides = array<i32>} : memref<128x128xf32, #tpu.memory_space<vmem>>, vector<16xf32>,
        %mul3A_296 = arith.mulf %get3A_292, %get3A_295 : vector<16xf32>
        %add3A_297 = arith.addf %add3A_285, %mul3A_296 : vector<16xf32>
        %mul3A_298 = arith.mulf %get3A_292, %get3A_292 : vector<16xf32>
        %add3A_299 = arith.addf %add3A_287, %mul3A_298 : vector<16xf32>
        %mul3A_300 = arith.mulf %get3A_295, %get3A_295 : vector<16xf32>
        %add3A_301 = arith.addf %add3A_289, %mul3A_300 : vector<16xf32>
        scf.yield %add3A_297, %add3A_299, %add3A_301 : vector<16xf32>, vector<16xf32>, vector<16xf32>
      }
      %while3A_194 = arith.constant 1 : i32
      %while3A_195:3 = scf.for %while3A_202 = %while3A_191 to %while3A_187 step %while3A_194 iter_args(%while3A_203 = %while3A_193#0, %while3A_204 = %while3A_193#1, %while3A_205 = %while3A_193#2) -> (vector<16xf32>, vector<16xf32>, vector<16xf32>)  : i32 {
        %get3A_206 = arith.index_cast %while3A_202 : i32 to index
        %get3A_207 = arith.constant 0 : index
        %get3A_208 = tpu.vector_load %arg8[%get3A_206, %get3A_207] {strides = array<i32>} : memref<128x128xf32, #tpu.memory_space<vmem>>, vector<16xf32>,
        %get3A_209 = arith.index_cast %while3A_202 : i32 to index
        %get3A_210 = arith.constant 0 : index
        %get3A_211 = tpu.vector_load %arg9[%get3A_209, %get3A_210] {strides = array<i32>} : memref<128x128xf32, #tpu.memory_space<vmem>>, vector<16xf32>,
        %mul3A_212 = arith.mulf %get3A_208, %get3A_211 : vector<16xf32>
        %add3A_213 = arith.addf %while3A_203, %mul3A_212 : vector<16xf32>
        %mul3A_214 = arith.mulf %get3A_208, %get3A_208 : vector<16xf32>
        %add3A_215 = arith.addf %while3A_204, %mul3A_214 : vector<16xf32>
        %mul3A_216 = arith.mulf %get3A_211, %get3A_211 : vector<16xf32>
        %add3A_217 = arith.addf %while3A_205, %mul3A_216 : vector<16xf32>
        %get3A_218 = arith.index_cast %while3A_202 : i32 to index
        %get3A_219 = arith.constant 16 : index
        %get3A_220 = tpu.vector_load %arg8[%get3A_218, %get3A_219] {strides = array<i32>} : memref<128x128xf32, #tpu.memory_space<vmem>>, vector<16xf32>,
        %get3A_221 = arith.index_cast %while3A_202 : i32 to index
        %get3A_222 = arith.constant 16 : index
        %get3A_223 = tpu.vector_load %arg9[%get3A_221, %get3A_222] {strides = array<i32>} : memref<128x128xf32, #tpu.memory_space<vmem>>, vector<16xf32>,
        %mul3A_224 = arith.mulf %get3A_220, %get3A_223 : vector<16xf32>
        %add3A_225 = arith.addf %add3A_213, %mul3A_224 : vector<16xf32>
        %mul3A_226 = arith.mulf %get3A_220, %get3A_220 : vector<16xf32>
        %add3A_227 = arith.addf %add3A_215, %mul3A_226 : vector<16xf32>
        %mul3A_228 = arith.mulf %get3A_223, %get3A_223 : vector<16xf32>
        %add3A_229 = arith.addf %add3A_217, %mul3A_228 : vector<16xf32>
        %get3A_230 = arith.index_cast %while3A_202 : i32 to index
        %get3A_231 = arith.constant 32 : index
        %get3A_232 = tpu.vector_load %arg8[%get3A_230, %get3A_231] {strides = array<i32>} : memref<128x128xf32, #tpu.memory_space<vmem>>, vector<16xf32>,
        %get3A_233 = arith.index_cast %while3A_202 : i32 to index
        %get3A_234 = arith.constant 32 : index
        %get3A_235 = tpu.vector_load %arg9[%get3A_233, %get3A_234] {strides = array<i32>} : memref<128x128xf32, #tpu.memory_space<vmem>>, vector<16xf32>,
        %mul3A_236 = arith.mulf %get3A_232, %get3A_235 : vector<16xf32>
        %add3A_237 = arith.addf %add3A_225, %mul3A_236 : vector<16xf32>
        %mul3A_238 = arith.mulf %get3A_232, %get3A_232 : vector<16xf32>
        %add3A_239 = arith.addf %add3A_227, %mul3A_238 : vector<16xf32>
        %mul3A_240 = arith.mulf %get3A_235, %get3A_235 : vector<16xf32>
        %add3A_241 = arith.addf %add3A_229, %mul3A_240 : vector<16xf32>
        %get3A_242 = arith.index_cast %while3A_202 : i32 to index
        %get3A_243 = arith.constant 48 : index
        %get3A_244 = tpu.vector_load %arg8[%get3A_242, %get3A_243] {strides = array<i32>} : memref<128x128xf32, #tpu.memory_space<vmem>>, vector<16xf32>,
        %get3A_245 = arith.index_cast %while3A_202 : i32 to index
        %get3A_246 = arith.constant 48 : index
        %get3A_247 = tpu.vector_load %arg9[%get3A_245, %get3A_246] {strides = array<i32>} : memref<128x128xf32, #tpu.memory_space<vmem>>, vector<16xf32>,
        %mul3A_248 = arith.mulf %get3A_244, %get3A_247 : vector<16xf32>
        %add3A_249 = arith.addf %add3A_237, %mul3A_248 : vector<16xf32>
        %mul3A_250 = arith.mulf %get3A_244, %get3A_244 : vector<16xf32>
        %add3A_251 = arith.addf %add3A_239, %mul3A_250 : vector<16xf32>
        %mul3A_252 = arith.mulf %get3A_247, %get3A_247 : vector<16xf32>
        %add3A_253 = arith.addf %add3A_241, %mul3A_252 : vector<16xf32>
        %get3A_254 = arith.index_cast %while3A_202 : i32 to index
        %get3A_255 = arith.constant 64 : index
        %get3A_256 = tpu.vector_load %arg8[%get3A_254, %get3A_255] {strides = array<i32>} : memref<128x128xf32, #tpu.memory_space<vmem>>, vector<16xf32>,
        %get3A_257 = arith.index_cast %while3A_202 : i32 to index
        %get3A_258 = arith.constant 64 : index
        %get3A_259 = tpu.vector_load %arg9[%get3A_257, %get3A_258] {strides = array<i32>} : memref<128x128xf32, #tpu.memory_space<vmem>>, vector<16xf32>,
        %mul3A_260 = arith.mulf %get3A_256, %get3A_259 : vector<16xf32>
        %add3A_261 = arith.addf %add3A_249, %mul3A_260 : vector<16xf32>
        %mul3A_262 = arith.mulf %get3A_256, %get3A_256 : vector<16xf32>
        %add3A_263 = arith.addf %add3A_251, %mul3A_262 : vector<16xf32>
        %mul3A_264 = arith.mulf %get3A_259, %get3A_259 : vector<16xf32>
        %add3A_265 = arith.addf %add3A_253, %mul3A_264 : vector<16xf32>
        %get3A_266 = arith.index_cast %while3A_202 : i32 to index
        %get3A_267 = arith.constant 80 : index
        %get3A_268 = tpu.vector_load %arg8[%get3A_266, %get3A_267] {strides = array<i32>} : memref<128x128xf32, #tpu.memory_space<vmem>>, vector<16xf32>,
        %get3A_269 = arith.index_cast %while3A_202 : i32 to index
        %get3A_270 = arith.constant 80 : index
        %get3A_271 = tpu.vector_load %arg9[%get3A_269, %get3A_270] {strides = array<i32>} : memref<128x128xf32, #tpu.memory_space<vmem>>, vector<16xf32>,
        %mul3A_272 = arith.mulf %get3A_268, %get3A_271 : vector<16xf32>
        %add3A_273 = arith.addf %add3A_261, %mul3A_272 : vector<16xf32>
        %mul3A_274 = arith.mulf %get3A_268, %get3A_268 : vector<16xf32>
        %add3A_275 = arith.addf %add3A_263, %mul3A_274 : vector<16xf32>
        %mul3A_276 = arith.mulf %get3A_271, %get3A_271 : vector<16xf32>
        %add3A_277 = arith.addf %add3A_265, %mul3A_276 : vector<16xf32>
        %get3A_278 = arith.index_cast %while3A_202 : i32 to index
        %get3A_279 = arith.constant 96 : index
        %get3A_280 = tpu.vector_load %arg8[%get3A_278, %get3A_279] {strides = array<i32>} : memref<128x128xf32, #tpu.memory_space<vmem>>, vector<16xf32>,
        %get3A_281 = arith.index_cast %while3A_202 : i32 to index
        %get3A_282 = arith.constant 96 : index
        %get3A_283 = tpu.vector_load %arg9[%get3A_281, %get3A_282] {strides = array<i32>} : memref<128x128xf32, #tpu.memory_space<vmem>>, vector<16xf32>,
        %mul3A_284 = arith.mulf %get3A_280, %get3A_283 : vector<16xf32>
        %add3A_285 = arith.addf %add3A_273, %mul3A_284 : vector<16xf32>
        %mul3A_286 = arith.mulf %get3A_280, %get3A_280 : vector<16xf32>
        %add3A_287 = arith.addf %add3A_275, %mul3A_286 : vector<16xf32>
        %mul3A_288 = arith.mulf %get3A_283, %get3A_283 : vector<16xf32>
        %add3A_289 = arith.addf %add3A_277, %mul3A_288 : vector<16xf32>
        %get3A_290 = arith.index_cast %while3A_202 : i32 to index
        %get3A_291 = arith.constant 112 : index
        %get3A_292 = tpu.vector_load %arg8[%get3A_290, %get3A_291] {strides = array<i32>} : memref<128x128xf32, #tpu.memory_space<vmem>>, vector<16xf32>,
        %get3A_293 = arith.index_cast %while3A_202 : i32 to index
        %get3A_294 = arith.constant 112 : index
        %get3A_295 = tpu.vector_load %arg9[%get3A_293, %get3A_294] {strides = array<i32>} : memref<128x128xf32, #tpu.memory_space<vmem>>, vector<16xf32>,
        %mul3A_296 = arith.mulf %get3A_292, %get3A_295 : vector<16xf32>
        %add3A_297 = arith.addf %add3A_285, %mul3A_296 : vector<16xf32>
        %mul3A_298 = arith.mulf %get3A_292, %get3A_292 : vector<16xf32>
        %add3A_299 = arith.addf %add3A_287, %mul3A_298 : vector<16xf32>
        %mul3A_300 = arith.mulf %get3A_295, %get3A_295 : vector<16xf32>
        %add3A_301 = arith.addf %add3A_289, %mul3A_300 : vector<16xf32>
        scf.yield %add3A_297, %add3A_299, %add3A_301 : vector<16xf32>, vector<16xf32>, vector<16xf32>
      }
      %swap3A_196 = arith.constant 0 : index
      %swap3A_197 = tpu.vector_load %arg12[%swap3A_196] {strides = array<i32>} : memref<64xf32, #tpu.memory_space<vmem>>, vector<16xf32>,
      tpu.vector_store %arg12[%swap3A_196], %while3A_195#0 {strides = array<i32>} : memref<64xf32, #tpu.memory_space<vmem>>, vector<16xf32>,
      %swap3A_198 = arith.constant 16 : index
      %swap3A_199 = tpu.vector_load %arg12[%swap3A_198] {strides = array<i32>} : memref<64xf32, #tpu.memory_space<vmem>>, vector<16xf32>,
      tpu.vector_store %arg12[%swap3A_198], %while3A_195#1 {strides = array<i32>} : memref<64xf32, #tpu.memory_space<vmem>>, vector<16xf32>,
      %swap3A_200 = arith.constant 32 : index
      %swap3A_201 = tpu.vector_load %arg12[%swap3A_200] {strides = array<i32>} : memref<64xf32, #tpu.memory_space<vmem>>, vector<16xf32>,
      tpu.vector_store %arg12[%swap3A_200], %while3A_195#2 {strides = array<i32>} : memref<64xf32, #tpu.memory_space<vmem>>, vector<16xf32>,
    } else {
    }
    %gt3A_137 = arith.constant 6 : i32
    %gt3A_138 = arith.cmpi sgt, %select_n3A_77, %gt3A_137 : i32
    %convert_element_type3A_139 = arith.extui %gt3A_138 : i1 to i32
    %cond3A_140 = arith.constant 0 : i32
    %cond3A_141 = arith.cmpi ne, %convert_element_type3A_139, %cond3A_140 : i32
    scf.if %cond3A_141 {
      %dma_start3A = arith.constant 768 : i32
      %dma_start3A_169 = tpu.memref_slice %arg7[%dma_start3A] : memref<1024xi32, #tpu.memory_space<vmem>> -> memref<128xi32, #tpu.memory_space<vmem>>
      %dma_start3A_170 = arith.constant 0 : i32
      %dma_start3A_171 = arith.constant 0 : i32
      %dma_start3A_172 = tpu.memref_slice %arg2[%dma_start3A_170, %dma_start3A_171] : memref<262144x128xf32, #tpu.memory_space<hbm>> -> memref<262144x128xf32, #tpu.memory_space<hbm>>
      tpu.enqueue_indirect_dma source(%dma_start3A_172 : memref<262144x128xf32, #tpu.memory_space<hbm>>) target(%arg8 : memref<128x128xf32, #tpu.memory_space<vmem>>) offsets(%dma_start3A_169 : memref<128xi32, #tpu.memory_space<vmem>>) semaphore(%arg13 : memref<!tpu.dma_semaphore, #tpu.memory_space<semaphore_mem>>)
      %dma_start3A_173 = arith.constant 768 : i32
      %dma_start3A_174 = tpu.memref_slice %arg7[%dma_start3A_173] : memref<1024xi32, #tpu.memory_space<vmem>> -> memref<128xi32, #tpu.memory_space<vmem>>
      %dma_start3A_175 = arith.constant 0 : i32
      %dma_start3A_176 = arith.constant 0 : i32
      %dma_start3A_177 = tpu.memref_slice %arg3[%dma_start3A_175, %dma_start3A_176] : memref<262144x128xf32, #tpu.memory_space<hbm>> -> memref<262144x128xf32, #tpu.memory_space<hbm>>
      tpu.enqueue_indirect_dma source(%dma_start3A_177 : memref<262144x128xf32, #tpu.memory_space<hbm>>) target(%arg9 : memref<128x128xf32, #tpu.memory_space<vmem>>) offsets(%dma_start3A_174 : memref<128xi32, #tpu.memory_space<vmem>>) semaphore(%arg14 : memref<!tpu.dma_semaphore, #tpu.memory_space<semaphore_mem>>)
    } else {
    }
    %gt3A_142 = arith.constant 5 : i32
    %gt3A_143 = arith.cmpi sgt, %select_n3A_77, %gt3A_142 : i32
    %convert_element_type3A_144 = arith.extui %gt3A_143 : i1 to i32
    %cond3A_145 = arith.constant 0 : i32
    %cond3A_146 = arith.cmpi ne, %convert_element_type3A_144, %cond3A_145 : i32
    scf.if %cond3A_146 {
      %dma_wait3A = arith.constant 640 : i32
      %dma_wait3A_169 = tpu.memref_slice %arg7[%dma_wait3A] : memref<1024xi32, #tpu.memory_space<vmem>> -> memref<128xi32, #tpu.memory_space<vmem>>
      %dma_wait3A_170 = arith.constant 0 : i32
      %dma_wait3A_171 = arith.constant 0 : i32
      %dma_wait3A_172 = tpu.memref_slice %arg2[%dma_wait3A_170, %dma_wait3A_171] : memref<262144x128xf32, #tpu.memory_space<hbm>> -> memref<262144x128xf32, #tpu.memory_space<hbm>>
      tpu.wait_indirect_dma semaphore(%arg15 : memref<!tpu.dma_semaphore, #tpu.memory_space<semaphore_mem>>) src(%dma_wait3A_172 : memref<262144x128xf32, #tpu.memory_space<hbm>>) dst(%arg10 : memref<128x128xf32, #tpu.memory_space<vmem>>)
      %dma_wait3A_173 = arith.constant 640 : i32
      %dma_wait3A_174 = tpu.memref_slice %arg7[%dma_wait3A_173] : memref<1024xi32, #tpu.memory_space<vmem>> -> memref<128xi32, #tpu.memory_space<vmem>>
      %dma_wait3A_175 = arith.constant 0 : i32
      %dma_wait3A_176 = arith.constant 0 : i32
      %dma_wait3A_177 = tpu.memref_slice %arg3[%dma_wait3A_175, %dma_wait3A_176] : memref<262144x128xf32, #tpu.memory_space<hbm>> -> memref<262144x128xf32, #tpu.memory_space<hbm>>
      tpu.wait_indirect_dma semaphore(%arg16 : memref<!tpu.dma_semaphore, #tpu.memory_space<semaphore_mem>>) src(%dma_wait3A_177 : memref<262144x128xf32, #tpu.memory_space<hbm>>) dst(%arg11 : memref<128x128xf32, #tpu.memory_space<vmem>>)
      %sub3A_178 = arith.constant 640 : i32
      %sub3A_179 = arith.subi %scan3A_48, %sub3A_178 : i32
      %min3A = arith.constant 128 : i32
      %min3A_180 = arith.minsi %sub3A_179, %min3A : i32
      %get3A = arith.constant 0 : index
      %get3A_181 = tpu.vector_load %arg12[%get3A] {strides = array<i32>} : memref<64xf32, #tpu.memory_space<vmem>>, vector<16xf32>,
      %get3A_182 = arith.constant 16 : index
      %get3A_183 = tpu.vector_load %arg12[%get3A_182] {strides = array<i32>} : memref<64xf32, #tpu.memory_space<vmem>>, vector<16xf32>,
      %get3A_184 = arith.constant 32 : index
      %get3A_185 = tpu.vector_load %arg12[%get3A_184] {strides = array<i32>} : memref<64xf32, #tpu.memory_space<vmem>>, vector<16xf32>,
      %while3A = arith.constant 0 : i32
      %while3A_186 = arith.subi %min3A_180, %while3A : i32
      %while3A_187 = arith.addi %while3A, %while3A_186 : i32
      %while3A_188 = arith.constant 1 : i32
      %while3A_189 = arith.divsi %while3A_186, %while3A_188 : i32
      %while3A_190 = arith.muli %while3A_189, %while3A_188 : i32
      %while3A_191 = arith.addi %while3A, %while3A_190 : i32
      %while3A_192 = arith.constant 1 : i32
      %while3A_193:3 = scf.for %while3A_202 = %while3A to %while3A_191 step %while3A_192 iter_args(%while3A_203 = %get3A_181, %while3A_204 = %get3A_183, %while3A_205 = %get3A_185) -> (vector<16xf32>, vector<16xf32>, vector<16xf32>)  : i32 {
        %get3A_206 = arith.index_cast %while3A_202 : i32 to index
        %get3A_207 = arith.constant 0 : index
        %get3A_208 = tpu.vector_load %arg10[%get3A_206, %get3A_207] {strides = array<i32>} : memref<128x128xf32, #tpu.memory_space<vmem>>, vector<16xf32>,
        %get3A_209 = arith.index_cast %while3A_202 : i32 to index
        %get3A_210 = arith.constant 0 : index
        %get3A_211 = tpu.vector_load %arg11[%get3A_209, %get3A_210] {strides = array<i32>} : memref<128x128xf32, #tpu.memory_space<vmem>>, vector<16xf32>,
        %mul3A_212 = arith.mulf %get3A_208, %get3A_211 : vector<16xf32>
        %add3A_213 = arith.addf %while3A_203, %mul3A_212 : vector<16xf32>
        %mul3A_214 = arith.mulf %get3A_208, %get3A_208 : vector<16xf32>
        %add3A_215 = arith.addf %while3A_204, %mul3A_214 : vector<16xf32>
        %mul3A_216 = arith.mulf %get3A_211, %get3A_211 : vector<16xf32>
        %add3A_217 = arith.addf %while3A_205, %mul3A_216 : vector<16xf32>
        %get3A_218 = arith.index_cast %while3A_202 : i32 to index
        %get3A_219 = arith.constant 16 : index
        %get3A_220 = tpu.vector_load %arg10[%get3A_218, %get3A_219] {strides = array<i32>} : memref<128x128xf32, #tpu.memory_space<vmem>>, vector<16xf32>,
        %get3A_221 = arith.index_cast %while3A_202 : i32 to index
        %get3A_222 = arith.constant 16 : index
        %get3A_223 = tpu.vector_load %arg11[%get3A_221, %get3A_222] {strides = array<i32>} : memref<128x128xf32, #tpu.memory_space<vmem>>, vector<16xf32>,
        %mul3A_224 = arith.mulf %get3A_220, %get3A_223 : vector<16xf32>
        %add3A_225 = arith.addf %add3A_213, %mul3A_224 : vector<16xf32>
        %mul3A_226 = arith.mulf %get3A_220, %get3A_220 : vector<16xf32>
        %add3A_227 = arith.addf %add3A_215, %mul3A_226 : vector<16xf32>
        %mul3A_228 = arith.mulf %get3A_223, %get3A_223 : vector<16xf32>
        %add3A_229 = arith.addf %add3A_217, %mul3A_228 : vector<16xf32>
        %get3A_230 = arith.index_cast %while3A_202 : i32 to index
        %get3A_231 = arith.constant 32 : index
        %get3A_232 = tpu.vector_load %arg10[%get3A_230, %get3A_231] {strides = array<i32>} : memref<128x128xf32, #tpu.memory_space<vmem>>, vector<16xf32>,
        %get3A_233 = arith.index_cast %while3A_202 : i32 to index
        %get3A_234 = arith.constant 32 : index
        %get3A_235 = tpu.vector_load %arg11[%get3A_233, %get3A_234] {strides = array<i32>} : memref<128x128xf32, #tpu.memory_space<vmem>>, vector<16xf32>,
        %mul3A_236 = arith.mulf %get3A_232, %get3A_235 : vector<16xf32>
        %add3A_237 = arith.addf %add3A_225, %mul3A_236 : vector<16xf32>
        %mul3A_238 = arith.mulf %get3A_232, %get3A_232 : vector<16xf32>
        %add3A_239 = arith.addf %add3A_227, %mul3A_238 : vector<16xf32>
        %mul3A_240 = arith.mulf %get3A_235, %get3A_235 : vector<16xf32>
        %add3A_241 = arith.addf %add3A_229, %mul3A_240 : vector<16xf32>
        %get3A_242 = arith.index_cast %while3A_202 : i32 to index
        %get3A_243 = arith.constant 48 : index
        %get3A_244 = tpu.vector_load %arg10[%get3A_242, %get3A_243] {strides = array<i32>} : memref<128x128xf32, #tpu.memory_space<vmem>>, vector<16xf32>,
        %get3A_245 = arith.index_cast %while3A_202 : i32 to index
        %get3A_246 = arith.constant 48 : index
        %get3A_247 = tpu.vector_load %arg11[%get3A_245, %get3A_246] {strides = array<i32>} : memref<128x128xf32, #tpu.memory_space<vmem>>, vector<16xf32>,
        %mul3A_248 = arith.mulf %get3A_244, %get3A_247 : vector<16xf32>
        %add3A_249 = arith.addf %add3A_237, %mul3A_248 : vector<16xf32>
        %mul3A_250 = arith.mulf %get3A_244, %get3A_244 : vector<16xf32>
        %add3A_251 = arith.addf %add3A_239, %mul3A_250 : vector<16xf32>
        %mul3A_252 = arith.mulf %get3A_247, %get3A_247 : vector<16xf32>
        %add3A_253 = arith.addf %add3A_241, %mul3A_252 : vector<16xf32>
        %get3A_254 = arith.index_cast %while3A_202 : i32 to index
        %get3A_255 = arith.constant 64 : index
        %get3A_256 = tpu.vector_load %arg10[%get3A_254, %get3A_255] {strides = array<i32>} : memref<128x128xf32, #tpu.memory_space<vmem>>, vector<16xf32>,
        %get3A_257 = arith.index_cast %while3A_202 : i32 to index
        %get3A_258 = arith.constant 64 : index
        %get3A_259 = tpu.vector_load %arg11[%get3A_257, %get3A_258] {strides = array<i32>} : memref<128x128xf32, #tpu.memory_space<vmem>>, vector<16xf32>,
        %mul3A_260 = arith.mulf %get3A_256, %get3A_259 : vector<16xf32>
        %add3A_261 = arith.addf %add3A_249, %mul3A_260 : vector<16xf32>
        %mul3A_262 = arith.mulf %get3A_256, %get3A_256 : vector<16xf32>
        %add3A_263 = arith.addf %add3A_251, %mul3A_262 : vector<16xf32>
        %mul3A_264 = arith.mulf %get3A_259, %get3A_259 : vector<16xf32>
        %add3A_265 = arith.addf %add3A_253, %mul3A_264 : vector<16xf32>
        %get3A_266 = arith.index_cast %while3A_202 : i32 to index
        %get3A_267 = arith.constant 80 : index
        %get3A_268 = tpu.vector_load %arg10[%get3A_266, %get3A_267] {strides = array<i32>} : memref<128x128xf32, #tpu.memory_space<vmem>>, vector<16xf32>,
        %get3A_269 = arith.index_cast %while3A_202 : i32 to index
        %get3A_270 = arith.constant 80 : index
        %get3A_271 = tpu.vector_load %arg11[%get3A_269, %get3A_270] {strides = array<i32>} : memref<128x128xf32, #tpu.memory_space<vmem>>, vector<16xf32>,
        %mul3A_272 = arith.mulf %get3A_268, %get3A_271 : vector<16xf32>
        %add3A_273 = arith.addf %add3A_261, %mul3A_272 : vector<16xf32>
        %mul3A_274 = arith.mulf %get3A_268, %get3A_268 : vector<16xf32>
        %add3A_275 = arith.addf %add3A_263, %mul3A_274 : vector<16xf32>
        %mul3A_276 = arith.mulf %get3A_271, %get3A_271 : vector<16xf32>
        %add3A_277 = arith.addf %add3A_265, %mul3A_276 : vector<16xf32>
        %get3A_278 = arith.index_cast %while3A_202 : i32 to index
        %get3A_279 = arith.constant 96 : index
        %get3A_280 = tpu.vector_load %arg10[%get3A_278, %get3A_279] {strides = array<i32>} : memref<128x128xf32, #tpu.memory_space<vmem>>, vector<16xf32>,
        %get3A_281 = arith.index_cast %while3A_202 : i32 to index
        %get3A_282 = arith.constant 96 : index
        %get3A_283 = tpu.vector_load %arg11[%get3A_281, %get3A_282] {strides = array<i32>} : memref<128x128xf32, #tpu.memory_space<vmem>>, vector<16xf32>,
        %mul3A_284 = arith.mulf %get3A_280, %get3A_283 : vector<16xf32>
        %add3A_285 = arith.addf %add3A_273, %mul3A_284 : vector<16xf32>
        %mul3A_286 = arith.mulf %get3A_280, %get3A_280 : vector<16xf32>
        %add3A_287 = arith.addf %add3A_275, %mul3A_286 : vector<16xf32>
        %mul3A_288 = arith.mulf %get3A_283, %get3A_283 : vector<16xf32>
        %add3A_289 = arith.addf %add3A_277, %mul3A_288 : vector<16xf32>
        %get3A_290 = arith.index_cast %while3A_202 : i32 to index
        %get3A_291 = arith.constant 112 : index
        %get3A_292 = tpu.vector_load %arg10[%get3A_290, %get3A_291] {strides = array<i32>} : memref<128x128xf32, #tpu.memory_space<vmem>>, vector<16xf32>,
        %get3A_293 = arith.index_cast %while3A_202 : i32 to index
        %get3A_294 = arith.constant 112 : index
        %get3A_295 = tpu.vector_load %arg11[%get3A_293, %get3A_294] {strides = array<i32>} : memref<128x128xf32, #tpu.memory_space<vmem>>, vector<16xf32>,
        %mul3A_296 = arith.mulf %get3A_292, %get3A_295 : vector<16xf32>
        %add3A_297 = arith.addf %add3A_285, %mul3A_296 : vector<16xf32>
        %mul3A_298 = arith.mulf %get3A_292, %get3A_292 : vector<16xf32>
        %add3A_299 = arith.addf %add3A_287, %mul3A_298 : vector<16xf32>
        %mul3A_300 = arith.mulf %get3A_295, %get3A_295 : vector<16xf32>
        %add3A_301 = arith.addf %add3A_289, %mul3A_300 : vector<16xf32>
        scf.yield %add3A_297, %add3A_299, %add3A_301 : vector<16xf32>, vector<16xf32>, vector<16xf32>
      }
      %while3A_194 = arith.constant 1 : i32
      %while3A_195:3 = scf.for %while3A_202 = %while3A_191 to %while3A_187 step %while3A_194 iter_args(%while3A_203 = %while3A_193#0, %while3A_204 = %while3A_193#1, %while3A_205 = %while3A_193#2) -> (vector<16xf32>, vector<16xf32>, vector<16xf32>)  : i32 {
        %get3A_206 = arith.index_cast %while3A_202 : i32 to index
        %get3A_207 = arith.constant 0 : index
        %get3A_208 = tpu.vector_load %arg10[%get3A_206, %get3A_207] {strides = array<i32>} : memref<128x128xf32, #tpu.memory_space<vmem>>, vector<16xf32>,
        %get3A_209 = arith.index_cast %while3A_202 : i32 to index
        %get3A_210 = arith.constant 0 : index
        %get3A_211 = tpu.vector_load %arg11[%get3A_209, %get3A_210] {strides = array<i32>} : memref<128x128xf32, #tpu.memory_space<vmem>>, vector<16xf32>,
        %mul3A_212 = arith.mulf %get3A_208, %get3A_211 : vector<16xf32>
        %add3A_213 = arith.addf %while3A_203, %mul3A_212 : vector<16xf32>
        %mul3A_214 = arith.mulf %get3A_208, %get3A_208 : vector<16xf32>
        %add3A_215 = arith.addf %while3A_204, %mul3A_214 : vector<16xf32>
        %mul3A_216 = arith.mulf %get3A_211, %get3A_211 : vector<16xf32>
        %add3A_217 = arith.addf %while3A_205, %mul3A_216 : vector<16xf32>
        %get3A_218 = arith.index_cast %while3A_202 : i32 to index
        %get3A_219 = arith.constant 16 : index
        %get3A_220 = tpu.vector_load %arg10[%get3A_218, %get3A_219] {strides = array<i32>} : memref<128x128xf32, #tpu.memory_space<vmem>>, vector<16xf32>,
        %get3A_221 = arith.index_cast %while3A_202 : i32 to index
        %get3A_222 = arith.constant 16 : index
        %get3A_223 = tpu.vector_load %arg11[%get3A_221, %get3A_222] {strides = array<i32>} : memref<128x128xf32, #tpu.memory_space<vmem>>, vector<16xf32>,
        %mul3A_224 = arith.mulf %get3A_220, %get3A_223 : vector<16xf32>
        %add3A_225 = arith.addf %add3A_213, %mul3A_224 : vector<16xf32>
        %mul3A_226 = arith.mulf %get3A_220, %get3A_220 : vector<16xf32>
        %add3A_227 = arith.addf %add3A_215, %mul3A_226 : vector<16xf32>
        %mul3A_228 = arith.mulf %get3A_223, %get3A_223 : vector<16xf32>
        %add3A_229 = arith.addf %add3A_217, %mul3A_228 : vector<16xf32>
        %get3A_230 = arith.index_cast %while3A_202 : i32 to index
        %get3A_231 = arith.constant 32 : index
        %get3A_232 = tpu.vector_load %arg10[%get3A_230, %get3A_231] {strides = array<i32>} : memref<128x128xf32, #tpu.memory_space<vmem>>, vector<16xf32>,
        %get3A_233 = arith.index_cast %while3A_202 : i32 to index
        %get3A_234 = arith.constant 32 : index
        %get3A_235 = tpu.vector_load %arg11[%get3A_233, %get3A_234] {strides = array<i32>} : memref<128x128xf32, #tpu.memory_space<vmem>>, vector<16xf32>,
        %mul3A_236 = arith.mulf %get3A_232, %get3A_235 : vector<16xf32>
        %add3A_237 = arith.addf %add3A_225, %mul3A_236 : vector<16xf32>
        %mul3A_238 = arith.mulf %get3A_232, %get3A_232 : vector<16xf32>
        %add3A_239 = arith.addf %add3A_227, %mul3A_238 : vector<16xf32>
        %mul3A_240 = arith.mulf %get3A_235, %get3A_235 : vector<16xf32>
        %add3A_241 = arith.addf %add3A_229, %mul3A_240 : vector<16xf32>
        %get3A_242 = arith.index_cast %while3A_202 : i32 to index
        %get3A_243 = arith.constant 48 : index
        %get3A_244 = tpu.vector_load %arg10[%get3A_242, %get3A_243] {strides = array<i32>} : memref<128x128xf32, #tpu.memory_space<vmem>>, vector<16xf32>,
        %get3A_245 = arith.index_cast %while3A_202 : i32 to index
        %get3A_246 = arith.constant 48 : index
        %get3A_247 = tpu.vector_load %arg11[%get3A_245, %get3A_246] {strides = array<i32>} : memref<128x128xf32, #tpu.memory_space<vmem>>, vector<16xf32>,
        %mul3A_248 = arith.mulf %get3A_244, %get3A_247 : vector<16xf32>
        %add3A_249 = arith.addf %add3A_237, %mul3A_248 : vector<16xf32>
        %mul3A_250 = arith.mulf %get3A_244, %get3A_244 : vector<16xf32>
        %add3A_251 = arith.addf %add3A_239, %mul3A_250 : vector<16xf32>
        %mul3A_252 = arith.mulf %get3A_247, %get3A_247 : vector<16xf32>
        %add3A_253 = arith.addf %add3A_241, %mul3A_252 : vector<16xf32>
        %get3A_254 = arith.index_cast %while3A_202 : i32 to index
        %get3A_255 = arith.constant 64 : index
        %get3A_256 = tpu.vector_load %arg10[%get3A_254, %get3A_255] {strides = array<i32>} : memref<128x128xf32, #tpu.memory_space<vmem>>, vector<16xf32>,
        %get3A_257 = arith.index_cast %while3A_202 : i32 to index
        %get3A_258 = arith.constant 64 : index
        %get3A_259 = tpu.vector_load %arg11[%get3A_257, %get3A_258] {strides = array<i32>} : memref<128x128xf32, #tpu.memory_space<vmem>>, vector<16xf32>,
        %mul3A_260 = arith.mulf %get3A_256, %get3A_259 : vector<16xf32>
        %add3A_261 = arith.addf %add3A_249, %mul3A_260 : vector<16xf32>
        %mul3A_262 = arith.mulf %get3A_256, %get3A_256 : vector<16xf32>
        %add3A_263 = arith.addf %add3A_251, %mul3A_262 : vector<16xf32>
        %mul3A_264 = arith.mulf %get3A_259, %get3A_259 : vector<16xf32>
        %add3A_265 = arith.addf %add3A_253, %mul3A_264 : vector<16xf32>
        %get3A_266 = arith.index_cast %while3A_202 : i32 to index
        %get3A_267 = arith.constant 80 : index
        %get3A_268 = tpu.vector_load %arg10[%get3A_266, %get3A_267] {strides = array<i32>} : memref<128x128xf32, #tpu.memory_space<vmem>>, vector<16xf32>,
        %get3A_269 = arith.index_cast %while3A_202 : i32 to index
        %get3A_270 = arith.constant 80 : index
        %get3A_271 = tpu.vector_load %arg11[%get3A_269, %get3A_270] {strides = array<i32>} : memref<128x128xf32, #tpu.memory_space<vmem>>, vector<16xf32>,
        %mul3A_272 = arith.mulf %get3A_268, %get3A_271 : vector<16xf32>
        %add3A_273 = arith.addf %add3A_261, %mul3A_272 : vector<16xf32>
        %mul3A_274 = arith.mulf %get3A_268, %get3A_268 : vector<16xf32>
        %add3A_275 = arith.addf %add3A_263, %mul3A_274 : vector<16xf32>
        %mul3A_276 = arith.mulf %get3A_271, %get3A_271 : vector<16xf32>
        %add3A_277 = arith.addf %add3A_265, %mul3A_276 : vector<16xf32>
        %get3A_278 = arith.index_cast %while3A_202 : i32 to index
        %get3A_279 = arith.constant 96 : index
        %get3A_280 = tpu.vector_load %arg10[%get3A_278, %get3A_279] {strides = array<i32>} : memref<128x128xf32, #tpu.memory_space<vmem>>, vector<16xf32>,
        %get3A_281 = arith.index_cast %while3A_202 : i32 to index
        %get3A_282 = arith.constant 96 : index
        %get3A_283 = tpu.vector_load %arg11[%get3A_281, %get3A_282] {strides = array<i32>} : memref<128x128xf32, #tpu.memory_space<vmem>>, vector<16xf32>,
        %mul3A_284 = arith.mulf %get3A_280, %get3A_283 : vector<16xf32>
        %add3A_285 = arith.addf %add3A_273, %mul3A_284 : vector<16xf32>
        %mul3A_286 = arith.mulf %get3A_280, %get3A_280 : vector<16xf32>
        %add3A_287 = arith.addf %add3A_275, %mul3A_286 : vector<16xf32>
        %mul3A_288 = arith.mulf %get3A_283, %get3A_283 : vector<16xf32>
        %add3A_289 = arith.addf %add3A_277, %mul3A_288 : vector<16xf32>
        %get3A_290 = arith.index_cast %while3A_202 : i32 to index
        %get3A_291 = arith.constant 112 : index
        %get3A_292 = tpu.vector_load %arg10[%get3A_290, %get3A_291] {strides = array<i32>} : memref<128x128xf32, #tpu.memory_space<vmem>>, vector<16xf32>,
        %get3A_293 = arith.index_cast %while3A_202 : i32 to index
        %get3A_294 = arith.constant 112 : index
        %get3A_295 = tpu.vector_load %arg11[%get3A_293, %get3A_294] {strides = array<i32>} : memref<128x128xf32, #tpu.memory_space<vmem>>, vector<16xf32>,
        %mul3A_296 = arith.mulf %get3A_292, %get3A_295 : vector<16xf32>
        %add3A_297 = arith.addf %add3A_285, %mul3A_296 : vector<16xf32>
        %mul3A_298 = arith.mulf %get3A_292, %get3A_292 : vector<16xf32>
        %add3A_299 = arith.addf %add3A_287, %mul3A_298 : vector<16xf32>
        %mul3A_300 = arith.mulf %get3A_295, %get3A_295 : vector<16xf32>
        %add3A_301 = arith.addf %add3A_289, %mul3A_300 : vector<16xf32>
        scf.yield %add3A_297, %add3A_299, %add3A_301 : vector<16xf32>, vector<16xf32>, vector<16xf32>
      }
      %swap3A_196 = arith.constant 0 : index
      %swap3A_197 = tpu.vector_load %arg12[%swap3A_196] {strides = array<i32>} : memref<64xf32, #tpu.memory_space<vmem>>, vector<16xf32>,
      tpu.vector_store %arg12[%swap3A_196], %while3A_195#0 {strides = array<i32>} : memref<64xf32, #tpu.memory_space<vmem>>, vector<16xf32>,
      %swap3A_198 = arith.constant 16 : index
      %swap3A_199 = tpu.vector_load %arg12[%swap3A_198] {strides = array<i32>} : memref<64xf32, #tpu.memory_space<vmem>>, vector<16xf32>,
      tpu.vector_store %arg12[%swap3A_198], %while3A_195#1 {strides = array<i32>} : memref<64xf32, #tpu.memory_space<vmem>>, vector<16xf32>,
      %swap3A_200 = arith.constant 32 : index
      %swap3A_201 = tpu.vector_load %arg12[%swap3A_200] {strides = array<i32>} : memref<64xf32, #tpu.memory_space<vmem>>, vector<16xf32>,
      tpu.vector_store %arg12[%swap3A_200], %while3A_195#2 {strides = array<i32>} : memref<64xf32, #tpu.memory_space<vmem>>, vector<16xf32>,
    } else {
    }
    %gt3A_147 = arith.constant 7 : i32
    %gt3A_148 = arith.cmpi sgt, %select_n3A_77, %gt3A_147 : i32
    %convert_element_type3A_149 = arith.extui %gt3A_148 : i1 to i32
    %cond3A_150 = arith.constant 0 : i32
    %cond3A_151 = arith.cmpi ne, %convert_element_type3A_149, %cond3A_150 : i32
    scf.if %cond3A_151 {
      %dma_start3A = arith.constant 896 : i32
      %dma_start3A_169 = tpu.memref_slice %arg7[%dma_start3A] : memref<1024xi32, #tpu.memory_space<vmem>> -> memref<128xi32, #tpu.memory_space<vmem>>
      %dma_start3A_170 = arith.constant 0 : i32
      %dma_start3A_171 = arith.constant 0 : i32
      %dma_start3A_172 = tpu.memref_slice %arg2[%dma_start3A_170, %dma_start3A_171] : memref<262144x128xf32, #tpu.memory_space<hbm>> -> memref<262144x128xf32, #tpu.memory_space<hbm>>
      tpu.enqueue_indirect_dma source(%dma_start3A_172 : memref<262144x128xf32, #tpu.memory_space<hbm>>) target(%arg10 : memref<128x128xf32, #tpu.memory_space<vmem>>) offsets(%dma_start3A_169 : memref<128xi32, #tpu.memory_space<vmem>>) semaphore(%arg15 : memref<!tpu.dma_semaphore, #tpu.memory_space<semaphore_mem>>)
      %dma_start3A_173 = arith.constant 896 : i32
      %dma_start3A_174 = tpu.memref_slice %arg7[%dma_start3A_173] : memref<1024xi32, #tpu.memory_space<vmem>> -> memref<128xi32, #tpu.memory_space<vmem>>
      %dma_start3A_175 = arith.constant 0 : i32
      %dma_start3A_176 = arith.constant 0 : i32
      %dma_start3A_177 = tpu.memref_slice %arg3[%dma_start3A_175, %dma_start3A_176] : memref<262144x128xf32, #tpu.memory_space<hbm>> -> memref<262144x128xf32, #tpu.memory_space<hbm>>
      tpu.enqueue_indirect_dma source(%dma_start3A_177 : memref<262144x128xf32, #tpu.memory_space<hbm>>) target(%arg11 : memref<128x128xf32, #tpu.memory_space<vmem>>) offsets(%dma_start3A_174 : memref<128xi32, #tpu.memory_space<vmem>>) semaphore(%arg16 : memref<!tpu.dma_semaphore, #tpu.memory_space<semaphore_mem>>)
    } else {
    }
    %gt3A_152 = arith.constant 6 : i32
    %gt3A_153 = arith.cmpi sgt, %select_n3A_77, %gt3A_152 : i32
    %convert_element_type3A_154 = arith.extui %gt3A_153 : i1 to i32
    %cond3A_155 = arith.constant 0 : i32
    %cond3A_156 = arith.cmpi ne, %convert_element_type3A_154, %cond3A_155 : i32
    scf.if %cond3A_156 {
      %dma_wait3A = arith.constant 768 : i32
      %dma_wait3A_169 = tpu.memref_slice %arg7[%dma_wait3A] : memref<1024xi32, #tpu.memory_space<vmem>> -> memref<128xi32, #tpu.memory_space<vmem>>
      %dma_wait3A_170 = arith.constant 0 : i32
      %dma_wait3A_171 = arith.constant 0 : i32
      %dma_wait3A_172 = tpu.memref_slice %arg2[%dma_wait3A_170, %dma_wait3A_171] : memref<262144x128xf32, #tpu.memory_space<hbm>> -> memref<262144x128xf32, #tpu.memory_space<hbm>>
      tpu.wait_indirect_dma semaphore(%arg13 : memref<!tpu.dma_semaphore, #tpu.memory_space<semaphore_mem>>) src(%dma_wait3A_172 : memref<262144x128xf32, #tpu.memory_space<hbm>>) dst(%arg8 : memref<128x128xf32, #tpu.memory_space<vmem>>)
      %dma_wait3A_173 = arith.constant 768 : i32
      %dma_wait3A_174 = tpu.memref_slice %arg7[%dma_wait3A_173] : memref<1024xi32, #tpu.memory_space<vmem>> -> memref<128xi32, #tpu.memory_space<vmem>>
      %dma_wait3A_175 = arith.constant 0 : i32
      %dma_wait3A_176 = arith.constant 0 : i32
      %dma_wait3A_177 = tpu.memref_slice %arg3[%dma_wait3A_175, %dma_wait3A_176] : memref<262144x128xf32, #tpu.memory_space<hbm>> -> memref<262144x128xf32, #tpu.memory_space<hbm>>
      tpu.wait_indirect_dma semaphore(%arg14 : memref<!tpu.dma_semaphore, #tpu.memory_space<semaphore_mem>>) src(%dma_wait3A_177 : memref<262144x128xf32, #tpu.memory_space<hbm>>) dst(%arg9 : memref<128x128xf32, #tpu.memory_space<vmem>>)
      %sub3A_178 = arith.constant 768 : i32
      %sub3A_179 = arith.subi %scan3A_48, %sub3A_178 : i32
      %min3A = arith.constant 128 : i32
      %min3A_180 = arith.minsi %sub3A_179, %min3A : i32
      %get3A = arith.constant 0 : index
      %get3A_181 = tpu.vector_load %arg12[%get3A] {strides = array<i32>} : memref<64xf32, #tpu.memory_space<vmem>>, vector<16xf32>,
      %get3A_182 = arith.constant 16 : index
      %get3A_183 = tpu.vector_load %arg12[%get3A_182] {strides = array<i32>} : memref<64xf32, #tpu.memory_space<vmem>>, vector<16xf32>,
      %get3A_184 = arith.constant 32 : index
      %get3A_185 = tpu.vector_load %arg12[%get3A_184] {strides = array<i32>} : memref<64xf32, #tpu.memory_space<vmem>>, vector<16xf32>,
      %while3A = arith.constant 0 : i32
      %while3A_186 = arith.subi %min3A_180, %while3A : i32
      %while3A_187 = arith.addi %while3A, %while3A_186 : i32
      %while3A_188 = arith.constant 1 : i32
      %while3A_189 = arith.divsi %while3A_186, %while3A_188 : i32
      %while3A_190 = arith.muli %while3A_189, %while3A_188 : i32
      %while3A_191 = arith.addi %while3A, %while3A_190 : i32
      %while3A_192 = arith.constant 1 : i32
      %while3A_193:3 = scf.for %while3A_202 = %while3A to %while3A_191 step %while3A_192 iter_args(%while3A_203 = %get3A_181, %while3A_204 = %get3A_183, %while3A_205 = %get3A_185) -> (vector<16xf32>, vector<16xf32>, vector<16xf32>)  : i32 {
        %get3A_206 = arith.index_cast %while3A_202 : i32 to index
        %get3A_207 = arith.constant 0 : index
        %get3A_208 = tpu.vector_load %arg8[%get3A_206, %get3A_207] {strides = array<i32>} : memref<128x128xf32, #tpu.memory_space<vmem>>, vector<16xf32>,
        %get3A_209 = arith.index_cast %while3A_202 : i32 to index
        %get3A_210 = arith.constant 0 : index
        %get3A_211 = tpu.vector_load %arg9[%get3A_209, %get3A_210] {strides = array<i32>} : memref<128x128xf32, #tpu.memory_space<vmem>>, vector<16xf32>,
        %mul3A_212 = arith.mulf %get3A_208, %get3A_211 : vector<16xf32>
        %add3A_213 = arith.addf %while3A_203, %mul3A_212 : vector<16xf32>
        %mul3A_214 = arith.mulf %get3A_208, %get3A_208 : vector<16xf32>
        %add3A_215 = arith.addf %while3A_204, %mul3A_214 : vector<16xf32>
        %mul3A_216 = arith.mulf %get3A_211, %get3A_211 : vector<16xf32>
        %add3A_217 = arith.addf %while3A_205, %mul3A_216 : vector<16xf32>
        %get3A_218 = arith.index_cast %while3A_202 : i32 to index
        %get3A_219 = arith.constant 16 : index
        %get3A_220 = tpu.vector_load %arg8[%get3A_218, %get3A_219] {strides = array<i32>} : memref<128x128xf32, #tpu.memory_space<vmem>>, vector<16xf32>,
        %get3A_221 = arith.index_cast %while3A_202 : i32 to index
        %get3A_222 = arith.constant 16 : index
        %get3A_223 = tpu.vector_load %arg9[%get3A_221, %get3A_222] {strides = array<i32>} : memref<128x128xf32, #tpu.memory_space<vmem>>, vector<16xf32>,
        %mul3A_224 = arith.mulf %get3A_220, %get3A_223 : vector<16xf32>
        %add3A_225 = arith.addf %add3A_213, %mul3A_224 : vector<16xf32>
        %mul3A_226 = arith.mulf %get3A_220, %get3A_220 : vector<16xf32>
        %add3A_227 = arith.addf %add3A_215, %mul3A_226 : vector<16xf32>
        %mul3A_228 = arith.mulf %get3A_223, %get3A_223 : vector<16xf32>
        %add3A_229 = arith.addf %add3A_217, %mul3A_228 : vector<16xf32>
        %get3A_230 = arith.index_cast %while3A_202 : i32 to index
        %get3A_231 = arith.constant 32 : index
        %get3A_232 = tpu.vector_load %arg8[%get3A_230, %get3A_231] {strides = array<i32>} : memref<128x128xf32, #tpu.memory_space<vmem>>, vector<16xf32>,
        %get3A_233 = arith.index_cast %while3A_202 : i32 to index
        %get3A_234 = arith.constant 32 : index
        %get3A_235 = tpu.vector_load %arg9[%get3A_233, %get3A_234] {strides = array<i32>} : memref<128x128xf32, #tpu.memory_space<vmem>>, vector<16xf32>,
        %mul3A_236 = arith.mulf %get3A_232, %get3A_235 : vector<16xf32>
        %add3A_237 = arith.addf %add3A_225, %mul3A_236 : vector<16xf32>
        %mul3A_238 = arith.mulf %get3A_232, %get3A_232 : vector<16xf32>
        %add3A_239 = arith.addf %add3A_227, %mul3A_238 : vector<16xf32>
        %mul3A_240 = arith.mulf %get3A_235, %get3A_235 : vector<16xf32>
        %add3A_241 = arith.addf %add3A_229, %mul3A_240 : vector<16xf32>
        %get3A_242 = arith.index_cast %while3A_202 : i32 to index
        %get3A_243 = arith.constant 48 : index
        %get3A_244 = tpu.vector_load %arg8[%get3A_242, %get3A_243] {strides = array<i32>} : memref<128x128xf32, #tpu.memory_space<vmem>>, vector<16xf32>,
        %get3A_245 = arith.index_cast %while3A_202 : i32 to index
        %get3A_246 = arith.constant 48 : index
        %get3A_247 = tpu.vector_load %arg9[%get3A_245, %get3A_246] {strides = array<i32>} : memref<128x128xf32, #tpu.memory_space<vmem>>, vector<16xf32>,
        %mul3A_248 = arith.mulf %get3A_244, %get3A_247 : vector<16xf32>
        %add3A_249 = arith.addf %add3A_237, %mul3A_248 : vector<16xf32>
        %mul3A_250 = arith.mulf %get3A_244, %get3A_244 : vector<16xf32>
        %add3A_251 = arith.addf %add3A_239, %mul3A_250 : vector<16xf32>
        %mul3A_252 = arith.mulf %get3A_247, %get3A_247 : vector<16xf32>
        %add3A_253 = arith.addf %add3A_241, %mul3A_252 : vector<16xf32>
        %get3A_254 = arith.index_cast %while3A_202 : i32 to index
        %get3A_255 = arith.constant 64 : index
        %get3A_256 = tpu.vector_load %arg8[%get3A_254, %get3A_255] {strides = array<i32>} : memref<128x128xf32, #tpu.memory_space<vmem>>, vector<16xf32>,
        %get3A_257 = arith.index_cast %while3A_202 : i32 to index
        %get3A_258 = arith.constant 64 : index
        %get3A_259 = tpu.vector_load %arg9[%get3A_257, %get3A_258] {strides = array<i32>} : memref<128x128xf32, #tpu.memory_space<vmem>>, vector<16xf32>,
        %mul3A_260 = arith.mulf %get3A_256, %get3A_259 : vector<16xf32>
        %add3A_261 = arith.addf %add3A_249, %mul3A_260 : vector<16xf32>
        %mul3A_262 = arith.mulf %get3A_256, %get3A_256 : vector<16xf32>
        %add3A_263 = arith.addf %add3A_251, %mul3A_262 : vector<16xf32>
        %mul3A_264 = arith.mulf %get3A_259, %get3A_259 : vector<16xf32>
        %add3A_265 = arith.addf %add3A_253, %mul3A_264 : vector<16xf32>
        %get3A_266 = arith.index_cast %while3A_202 : i32 to index
        %get3A_267 = arith.constant 80 : index
        %get3A_268 = tpu.vector_load %arg8[%get3A_266, %get3A_267] {strides = array<i32>} : memref<128x128xf32, #tpu.memory_space<vmem>>, vector<16xf32>,
        %get3A_269 = arith.index_cast %while3A_202 : i32 to index
        %get3A_270 = arith.constant 80 : index
        %get3A_271 = tpu.vector_load %arg9[%get3A_269, %get3A_270] {strides = array<i32>} : memref<128x128xf32, #tpu.memory_space<vmem>>, vector<16xf32>,
        %mul3A_272 = arith.mulf %get3A_268, %get3A_271 : vector<16xf32>
        %add3A_273 = arith.addf %add3A_261, %mul3A_272 : vector<16xf32>
        %mul3A_274 = arith.mulf %get3A_268, %get3A_268 : vector<16xf32>
        %add3A_275 = arith.addf %add3A_263, %mul3A_274 : vector<16xf32>
        %mul3A_276 = arith.mulf %get3A_271, %get3A_271 : vector<16xf32>
        %add3A_277 = arith.addf %add3A_265, %mul3A_276 : vector<16xf32>
        %get3A_278 = arith.index_cast %while3A_202 : i32 to index
        %get3A_279 = arith.constant 96 : index
        %get3A_280 = tpu.vector_load %arg8[%get3A_278, %get3A_279] {strides = array<i32>} : memref<128x128xf32, #tpu.memory_space<vmem>>, vector<16xf32>,
        %get3A_281 = arith.index_cast %while3A_202 : i32 to index
        %get3A_282 = arith.constant 96 : index
        %get3A_283 = tpu.vector_load %arg9[%get3A_281, %get3A_282] {strides = array<i32>} : memref<128x128xf32, #tpu.memory_space<vmem>>, vector<16xf32>,
        %mul3A_284 = arith.mulf %get3A_280, %get3A_283 : vector<16xf32>
        %add3A_285 = arith.addf %add3A_273, %mul3A_284 : vector<16xf32>
        %mul3A_286 = arith.mulf %get3A_280, %get3A_280 : vector<16xf32>
        %add3A_287 = arith.addf %add3A_275, %mul3A_286 : vector<16xf32>
        %mul3A_288 = arith.mulf %get3A_283, %get3A_283 : vector<16xf32>
        %add3A_289 = arith.addf %add3A_277, %mul3A_288 : vector<16xf32>
        %get3A_290 = arith.index_cast %while3A_202 : i32 to index
        %get3A_291 = arith.constant 112 : index
        %get3A_292 = tpu.vector_load %arg8[%get3A_290, %get3A_291] {strides = array<i32>} : memref<128x128xf32, #tpu.memory_space<vmem>>, vector<16xf32>,
        %get3A_293 = arith.index_cast %while3A_202 : i32 to index
        %get3A_294 = arith.constant 112 : index
        %get3A_295 = tpu.vector_load %arg9[%get3A_293, %get3A_294] {strides = array<i32>} : memref<128x128xf32, #tpu.memory_space<vmem>>, vector<16xf32>,
        %mul3A_296 = arith.mulf %get3A_292, %get3A_295 : vector<16xf32>
        %add3A_297 = arith.addf %add3A_285, %mul3A_296 : vector<16xf32>
        %mul3A_298 = arith.mulf %get3A_292, %get3A_292 : vector<16xf32>
        %add3A_299 = arith.addf %add3A_287, %mul3A_298 : vector<16xf32>
        %mul3A_300 = arith.mulf %get3A_295, %get3A_295 : vector<16xf32>
        %add3A_301 = arith.addf %add3A_289, %mul3A_300 : vector<16xf32>
        scf.yield %add3A_297, %add3A_299, %add3A_301 : vector<16xf32>, vector<16xf32>, vector<16xf32>
      }
      %while3A_194 = arith.constant 1 : i32
      %while3A_195:3 = scf.for %while3A_202 = %while3A_191 to %while3A_187 step %while3A_194 iter_args(%while3A_203 = %while3A_193#0, %while3A_204 = %while3A_193#1, %while3A_205 = %while3A_193#2) -> (vector<16xf32>, vector<16xf32>, vector<16xf32>)  : i32 {
        %get3A_206 = arith.index_cast %while3A_202 : i32 to index
        %get3A_207 = arith.constant 0 : index
        %get3A_208 = tpu.vector_load %arg8[%get3A_206, %get3A_207] {strides = array<i32>} : memref<128x128xf32, #tpu.memory_space<vmem>>, vector<16xf32>,
        %get3A_209 = arith.index_cast %while3A_202 : i32 to index
        %get3A_210 = arith.constant 0 : index
        %get3A_211 = tpu.vector_load %arg9[%get3A_209, %get3A_210] {strides = array<i32>} : memref<128x128xf32, #tpu.memory_space<vmem>>, vector<16xf32>,
        %mul3A_212 = arith.mulf %get3A_208, %get3A_211 : vector<16xf32>
        %add3A_213 = arith.addf %while3A_203, %mul3A_212 : vector<16xf32>
        %mul3A_214 = arith.mulf %get3A_208, %get3A_208 : vector<16xf32>
        %add3A_215 = arith.addf %while3A_204, %mul3A_214 : vector<16xf32>
        %mul3A_216 = arith.mulf %get3A_211, %get3A_211 : vector<16xf32>
        %add3A_217 = arith.addf %while3A_205, %mul3A_216 : vector<16xf32>
        %get3A_218 = arith.index_cast %while3A_202 : i32 to index
        %get3A_219 = arith.constant 16 : index
        %get3A_220 = tpu.vector_load %arg8[%get3A_218, %get3A_219] {strides = array<i32>} : memref<128x128xf32, #tpu.memory_space<vmem>>, vector<16xf32>,
        %get3A_221 = arith.index_cast %while3A_202 : i32 to index
        %get3A_222 = arith.constant 16 : index
        %get3A_223 = tpu.vector_load %arg9[%get3A_221, %get3A_222] {strides = array<i32>} : memref<128x128xf32, #tpu.memory_space<vmem>>, vector<16xf32>,
        %mul3A_224 = arith.mulf %get3A_220, %get3A_223 : vector<16xf32>
        %add3A_225 = arith.addf %add3A_213, %mul3A_224 : vector<16xf32>
        %mul3A_226 = arith.mulf %get3A_220, %get3A_220 : vector<16xf32>
        %add3A_227 = arith.addf %add3A_215, %mul3A_226 : vector<16xf32>
        %mul3A_228 = arith.mulf %get3A_223, %get3A_223 : vector<16xf32>
        %add3A_229 = arith.addf %add3A_217, %mul3A_228 : vector<16xf32>
        %get3A_230 = arith.index_cast %while3A_202 : i32 to index
        %get3A_231 = arith.constant 32 : index
        %get3A_232 = tpu.vector_load %arg8[%get3A_230, %get3A_231] {strides = array<i32>} : memref<128x128xf32, #tpu.memory_space<vmem>>, vector<16xf32>,
        %get3A_233 = arith.index_cast %while3A_202 : i32 to index
        %get3A_234 = arith.constant 32 : index
        %get3A_235 = tpu.vector_load %arg9[%get3A_233, %get3A_234] {strides = array<i32>} : memref<128x128xf32, #tpu.memory_space<vmem>>, vector<16xf32>,
        %mul3A_236 = arith.mulf %get3A_232, %get3A_235 : vector<16xf32>
        %add3A_237 = arith.addf %add3A_225, %mul3A_236 : vector<16xf32>
        %mul3A_238 = arith.mulf %get3A_232, %get3A_232 : vector<16xf32>
        %add3A_239 = arith.addf %add3A_227, %mul3A_238 : vector<16xf32>
        %mul3A_240 = arith.mulf %get3A_235, %get3A_235 : vector<16xf32>
        %add3A_241 = arith.addf %add3A_229, %mul3A_240 : vector<16xf32>
        %get3A_242 = arith.index_cast %while3A_202 : i32 to index
        %get3A_243 = arith.constant 48 : index
        %get3A_244 = tpu.vector_load %arg8[%get3A_242, %get3A_243] {strides = array<i32>} : memref<128x128xf32, #tpu.memory_space<vmem>>, vector<16xf32>,
        %get3A_245 = arith.index_cast %while3A_202 : i32 to index
        %get3A_246 = arith.constant 48 : index
        %get3A_247 = tpu.vector_load %arg9[%get3A_245, %get3A_246] {strides = array<i32>} : memref<128x128xf32, #tpu.memory_space<vmem>>, vector<16xf32>,
        %mul3A_248 = arith.mulf %get3A_244, %get3A_247 : vector<16xf32>
        %add3A_249 = arith.addf %add3A_237, %mul3A_248 : vector<16xf32>
        %mul3A_250 = arith.mulf %get3A_244, %get3A_244 : vector<16xf32>
        %add3A_251 = arith.addf %add3A_239, %mul3A_250 : vector<16xf32>
        %mul3A_252 = arith.mulf %get3A_247, %get3A_247 : vector<16xf32>
        %add3A_253 = arith.addf %add3A_241, %mul3A_252 : vector<16xf32>
        %get3A_254 = arith.index_cast %while3A_202 : i32 to index
        %get3A_255 = arith.constant 64 : index
        %get3A_256 = tpu.vector_load %arg8[%get3A_254, %get3A_255] {strides = array<i32>} : memref<128x128xf32, #tpu.memory_space<vmem>>, vector<16xf32>,
        %get3A_257 = arith.index_cast %while3A_202 : i32 to index
        %get3A_258 = arith.constant 64 : index
        %get3A_259 = tpu.vector_load %arg9[%get3A_257, %get3A_258] {strides = array<i32>} : memref<128x128xf32, #tpu.memory_space<vmem>>, vector<16xf32>,
        %mul3A_260 = arith.mulf %get3A_256, %get3A_259 : vector<16xf32>
        %add3A_261 = arith.addf %add3A_249, %mul3A_260 : vector<16xf32>
        %mul3A_262 = arith.mulf %get3A_256, %get3A_256 : vector<16xf32>
        %add3A_263 = arith.addf %add3A_251, %mul3A_262 : vector<16xf32>
        %mul3A_264 = arith.mulf %get3A_259, %get3A_259 : vector<16xf32>
        %add3A_265 = arith.addf %add3A_253, %mul3A_264 : vector<16xf32>
        %get3A_266 = arith.index_cast %while3A_202 : i32 to index
        %get3A_267 = arith.constant 80 : index
        %get3A_268 = tpu.vector_load %arg8[%get3A_266, %get3A_267] {strides = array<i32>} : memref<128x128xf32, #tpu.memory_space<vmem>>, vector<16xf32>,
        %get3A_269 = arith.index_cast %while3A_202 : i32 to index
        %get3A_270 = arith.constant 80 : index
        %get3A_271 = tpu.vector_load %arg9[%get3A_269, %get3A_270] {strides = array<i32>} : memref<128x128xf32, #tpu.memory_space<vmem>>, vector<16xf32>,
        %mul3A_272 = arith.mulf %get3A_268, %get3A_271 : vector<16xf32>
        %add3A_273 = arith.addf %add3A_261, %mul3A_272 : vector<16xf32>
        %mul3A_274 = arith.mulf %get3A_268, %get3A_268 : vector<16xf32>
        %add3A_275 = arith.addf %add3A_263, %mul3A_274 : vector<16xf32>
        %mul3A_276 = arith.mulf %get3A_271, %get3A_271 : vector<16xf32>
        %add3A_277 = arith.addf %add3A_265, %mul3A_276 : vector<16xf32>
        %get3A_278 = arith.index_cast %while3A_202 : i32 to index
        %get3A_279 = arith.constant 96 : index
        %get3A_280 = tpu.vector_load %arg8[%get3A_278, %get3A_279] {strides = array<i32>} : memref<128x128xf32, #tpu.memory_space<vmem>>, vector<16xf32>,
        %get3A_281 = arith.index_cast %while3A_202 : i32 to index
        %get3A_282 = arith.constant 96 : index
        %get3A_283 = tpu.vector_load %arg9[%get3A_281, %get3A_282] {strides = array<i32>} : memref<128x128xf32, #tpu.memory_space<vmem>>, vector<16xf32>,
        %mul3A_284 = arith.mulf %get3A_280, %get3A_283 : vector<16xf32>
        %add3A_285 = arith.addf %add3A_273, %mul3A_284 : vector<16xf32>
        %mul3A_286 = arith.mulf %get3A_280, %get3A_280 : vector<16xf32>
        %add3A_287 = arith.addf %add3A_275, %mul3A_286 : vector<16xf32>
        %mul3A_288 = arith.mulf %get3A_283, %get3A_283 : vector<16xf32>
        %add3A_289 = arith.addf %add3A_277, %mul3A_288 : vector<16xf32>
        %get3A_290 = arith.index_cast %while3A_202 : i32 to index
        %get3A_291 = arith.constant 112 : index
        %get3A_292 = tpu.vector_load %arg8[%get3A_290, %get3A_291] {strides = array<i32>} : memref<128x128xf32, #tpu.memory_space<vmem>>, vector<16xf32>,
        %get3A_293 = arith.index_cast %while3A_202 : i32 to index
        %get3A_294 = arith.constant 112 : index
        %get3A_295 = tpu.vector_load %arg9[%get3A_293, %get3A_294] {strides = array<i32>} : memref<128x128xf32, #tpu.memory_space<vmem>>, vector<16xf32>,
        %mul3A_296 = arith.mulf %get3A_292, %get3A_295 : vector<16xf32>
        %add3A_297 = arith.addf %add3A_285, %mul3A_296 : vector<16xf32>
        %mul3A_298 = arith.mulf %get3A_292, %get3A_292 : vector<16xf32>
        %add3A_299 = arith.addf %add3A_287, %mul3A_298 : vector<16xf32>
        %mul3A_300 = arith.mulf %get3A_295, %get3A_295 : vector<16xf32>
        %add3A_301 = arith.addf %add3A_289, %mul3A_300 : vector<16xf32>
        scf.yield %add3A_297, %add3A_299, %add3A_301 : vector<16xf32>, vector<16xf32>, vector<16xf32>
      }
      %swap3A_196 = arith.constant 0 : index
      %swap3A_197 = tpu.vector_load %arg12[%swap3A_196] {strides = array<i32>} : memref<64xf32, #tpu.memory_space<vmem>>, vector<16xf32>,
      tpu.vector_store %arg12[%swap3A_196], %while3A_195#0 {strides = array<i32>} : memref<64xf32, #tpu.memory_space<vmem>>, vector<16xf32>,
      %swap3A_198 = arith.constant 16 : index
      %swap3A_199 = tpu.vector_load %arg12[%swap3A_198] {strides = array<i32>} : memref<64xf32, #tpu.memory_space<vmem>>, vector<16xf32>,
      tpu.vector_store %arg12[%swap3A_198], %while3A_195#1 {strides = array<i32>} : memref<64xf32, #tpu.memory_space<vmem>>, vector<16xf32>,
      %swap3A_200 = arith.constant 32 : index
      %swap3A_201 = tpu.vector_load %arg12[%swap3A_200] {strides = array<i32>} : memref<64xf32, #tpu.memory_space<vmem>>, vector<16xf32>,
      tpu.vector_store %arg12[%swap3A_200], %while3A_195#2 {strides = array<i32>} : memref<64xf32, #tpu.memory_space<vmem>>, vector<16xf32>,
    } else {
    }
    %gt3A_157 = arith.constant 7 : i32
    %gt3A_158 = arith.cmpi sgt, %select_n3A_77, %gt3A_157 : i32
    %convert_element_type3A_159 = arith.extui %gt3A_158 : i1 to i32
    %cond3A_160 = arith.constant 0 : i32
    %cond3A_161 = arith.cmpi ne, %convert_element_type3A_159, %cond3A_160 : i32
    scf.if %cond3A_161 {
      %dma_wait3A = arith.constant 896 : i32
      %dma_wait3A_169 = tpu.memref_slice %arg7[%dma_wait3A] : memref<1024xi32, #tpu.memory_space<vmem>> -> memref<128xi32, #tpu.memory_space<vmem>>
      %dma_wait3A_170 = arith.constant 0 : i32
      %dma_wait3A_171 = arith.constant 0 : i32
      %dma_wait3A_172 = tpu.memref_slice %arg2[%dma_wait3A_170, %dma_wait3A_171] : memref<262144x128xf32, #tpu.memory_space<hbm>> -> memref<262144x128xf32, #tpu.memory_space<hbm>>
      tpu.wait_indirect_dma semaphore(%arg15 : memref<!tpu.dma_semaphore, #tpu.memory_space<semaphore_mem>>) src(%dma_wait3A_172 : memref<262144x128xf32, #tpu.memory_space<hbm>>) dst(%arg10 : memref<128x128xf32, #tpu.memory_space<vmem>>)
      %dma_wait3A_173 = arith.constant 896 : i32
      %dma_wait3A_174 = tpu.memref_slice %arg7[%dma_wait3A_173] : memref<1024xi32, #tpu.memory_space<vmem>> -> memref<128xi32, #tpu.memory_space<vmem>>
      %dma_wait3A_175 = arith.constant 0 : i32
      %dma_wait3A_176 = arith.constant 0 : i32
      %dma_wait3A_177 = tpu.memref_slice %arg3[%dma_wait3A_175, %dma_wait3A_176] : memref<262144x128xf32, #tpu.memory_space<hbm>> -> memref<262144x128xf32, #tpu.memory_space<hbm>>
      tpu.wait_indirect_dma semaphore(%arg16 : memref<!tpu.dma_semaphore, #tpu.memory_space<semaphore_mem>>) src(%dma_wait3A_177 : memref<262144x128xf32, #tpu.memory_space<hbm>>) dst(%arg11 : memref<128x128xf32, #tpu.memory_space<vmem>>)
      %sub3A_178 = arith.constant 896 : i32
      %sub3A_179 = arith.subi %scan3A_48, %sub3A_178 : i32
      %min3A = arith.constant 128 : i32
      %min3A_180 = arith.minsi %sub3A_179, %min3A : i32
      %get3A = arith.constant 0 : index
      %get3A_181 = tpu.vector_load %arg12[%get3A] {strides = array<i32>} : memref<64xf32, #tpu.memory_space<vmem>>, vector<16xf32>,
      %get3A_182 = arith.constant 16 : index
      %get3A_183 = tpu.vector_load %arg12[%get3A_182] {strides = array<i32>} : memref<64xf32, #tpu.memory_space<vmem>>, vector<16xf32>,
      %get3A_184 = arith.constant 32 : index
      %get3A_185 = tpu.vector_load %arg12[%get3A_184] {strides = array<i32>} : memref<64xf32, #tpu.memory_space<vmem>>, vector<16xf32>,
      %while3A = arith.constant 0 : i32
      %while3A_186 = arith.subi %min3A_180, %while3A : i32
      %while3A_187 = arith.addi %while3A, %while3A_186 : i32
      %while3A_188 = arith.constant 1 : i32
      %while3A_189 = arith.divsi %while3A_186, %while3A_188 : i32
      %while3A_190 = arith.muli %while3A_189, %while3A_188 : i32
      %while3A_191 = arith.addi %while3A, %while3A_190 : i32
      %while3A_192 = arith.constant 1 : i32
      %while3A_193:3 = scf.for %while3A_202 = %while3A to %while3A_191 step %while3A_192 iter_args(%while3A_203 = %get3A_181, %while3A_204 = %get3A_183, %while3A_205 = %get3A_185) -> (vector<16xf32>, vector<16xf32>, vector<16xf32>)  : i32 {
        %get3A_206 = arith.index_cast %while3A_202 : i32 to index
        %get3A_207 = arith.constant 0 : index
        %get3A_208 = tpu.vector_load %arg10[%get3A_206, %get3A_207] {strides = array<i32>} : memref<128x128xf32, #tpu.memory_space<vmem>>, vector<16xf32>,
        %get3A_209 = arith.index_cast %while3A_202 : i32 to index
        %get3A_210 = arith.constant 0 : index
        %get3A_211 = tpu.vector_load %arg11[%get3A_209, %get3A_210] {strides = array<i32>} : memref<128x128xf32, #tpu.memory_space<vmem>>, vector<16xf32>,
        %mul3A_212 = arith.mulf %get3A_208, %get3A_211 : vector<16xf32>
        %add3A_213 = arith.addf %while3A_203, %mul3A_212 : vector<16xf32>
        %mul3A_214 = arith.mulf %get3A_208, %get3A_208 : vector<16xf32>
        %add3A_215 = arith.addf %while3A_204, %mul3A_214 : vector<16xf32>
        %mul3A_216 = arith.mulf %get3A_211, %get3A_211 : vector<16xf32>
        %add3A_217 = arith.addf %while3A_205, %mul3A_216 : vector<16xf32>
        %get3A_218 = arith.index_cast %while3A_202 : i32 to index
        %get3A_219 = arith.constant 16 : index
        %get3A_220 = tpu.vector_load %arg10[%get3A_218, %get3A_219] {strides = array<i32>} : memref<128x128xf32, #tpu.memory_space<vmem>>, vector<16xf32>,
        %get3A_221 = arith.index_cast %while3A_202 : i32 to index
        %get3A_222 = arith.constant 16 : index
        %get3A_223 = tpu.vector_load %arg11[%get3A_221, %get3A_222] {strides = array<i32>} : memref<128x128xf32, #tpu.memory_space<vmem>>, vector<16xf32>,
        %mul3A_224 = arith.mulf %get3A_220, %get3A_223 : vector<16xf32>
        %add3A_225 = arith.addf %add3A_213, %mul3A_224 : vector<16xf32>
        %mul3A_226 = arith.mulf %get3A_220, %get3A_220 : vector<16xf32>
        %add3A_227 = arith.addf %add3A_215, %mul3A_226 : vector<16xf32>
        %mul3A_228 = arith.mulf %get3A_223, %get3A_223 : vector<16xf32>
        %add3A_229 = arith.addf %add3A_217, %mul3A_228 : vector<16xf32>
        %get3A_230 = arith.index_cast %while3A_202 : i32 to index
        %get3A_231 = arith.constant 32 : index
        %get3A_232 = tpu.vector_load %arg10[%get3A_230, %get3A_231] {strides = array<i32>} : memref<128x128xf32, #tpu.memory_space<vmem>>, vector<16xf32>,
        %get3A_233 = arith.index_cast %while3A_202 : i32 to index
        %get3A_234 = arith.constant 32 : index
        %get3A_235 = tpu.vector_load %arg11[%get3A_233, %get3A_234] {strides = array<i32>} : memref<128x128xf32, #tpu.memory_space<vmem>>, vector<16xf32>,
        %mul3A_236 = arith.mulf %get3A_232, %get3A_235 : vector<16xf32>
        %add3A_237 = arith.addf %add3A_225, %mul3A_236 : vector<16xf32>
        %mul3A_238 = arith.mulf %get3A_232, %get3A_232 : vector<16xf32>
        %add3A_239 = arith.addf %add3A_227, %mul3A_238 : vector<16xf32>
        %mul3A_240 = arith.mulf %get3A_235, %get3A_235 : vector<16xf32>
        %add3A_241 = arith.addf %add3A_229, %mul3A_240 : vector<16xf32>
        %get3A_242 = arith.index_cast %while3A_202 : i32 to index
        %get3A_243 = arith.constant 48 : index
        %get3A_244 = tpu.vector_load %arg10[%get3A_242, %get3A_243] {strides = array<i32>} : memref<128x128xf32, #tpu.memory_space<vmem>>, vector<16xf32>,
        %get3A_245 = arith.index_cast %while3A_202 : i32 to index
        %get3A_246 = arith.constant 48 : index
        %get3A_247 = tpu.vector_load %arg11[%get3A_245, %get3A_246] {strides = array<i32>} : memref<128x128xf32, #tpu.memory_space<vmem>>, vector<16xf32>,
        %mul3A_248 = arith.mulf %get3A_244, %get3A_247 : vector<16xf32>
        %add3A_249 = arith.addf %add3A_237, %mul3A_248 : vector<16xf32>
        %mul3A_250 = arith.mulf %get3A_244, %get3A_244 : vector<16xf32>
        %add3A_251 = arith.addf %add3A_239, %mul3A_250 : vector<16xf32>
        %mul3A_252 = arith.mulf %get3A_247, %get3A_247 : vector<16xf32>
        %add3A_253 = arith.addf %add3A_241, %mul3A_252 : vector<16xf32>
        %get3A_254 = arith.index_cast %while3A_202 : i32 to index
        %get3A_255 = arith.constant 64 : index
        %get3A_256 = tpu.vector_load %arg10[%get3A_254, %get3A_255] {strides = array<i32>} : memref<128x128xf32, #tpu.memory_space<vmem>>, vector<16xf32>,
        %get3A_257 = arith.index_cast %while3A_202 : i32 to index
        %get3A_258 = arith.constant 64 : index
        %get3A_259 = tpu.vector_load %arg11[%get3A_257, %get3A_258] {strides = array<i32>} : memref<128x128xf32, #tpu.memory_space<vmem>>, vector<16xf32>,
        %mul3A_260 = arith.mulf %get3A_256, %get3A_259 : vector<16xf32>
        %add3A_261 = arith.addf %add3A_249, %mul3A_260 : vector<16xf32>
        %mul3A_262 = arith.mulf %get3A_256, %get3A_256 : vector<16xf32>
        %add3A_263 = arith.addf %add3A_251, %mul3A_262 : vector<16xf32>
        %mul3A_264 = arith.mulf %get3A_259, %get3A_259 : vector<16xf32>
        %add3A_265 = arith.addf %add3A_253, %mul3A_264 : vector<16xf32>
        %get3A_266 = arith.index_cast %while3A_202 : i32 to index
        %get3A_267 = arith.constant 80 : index
        %get3A_268 = tpu.vector_load %arg10[%get3A_266, %get3A_267] {strides = array<i32>} : memref<128x128xf32, #tpu.memory_space<vmem>>, vector<16xf32>,
        %get3A_269 = arith.index_cast %while3A_202 : i32 to index
        %get3A_270 = arith.constant 80 : index
        %get3A_271 = tpu.vector_load %arg11[%get3A_269, %get3A_270] {strides = array<i32>} : memref<128x128xf32, #tpu.memory_space<vmem>>, vector<16xf32>,
        %mul3A_272 = arith.mulf %get3A_268, %get3A_271 : vector<16xf32>
        %add3A_273 = arith.addf %add3A_261, %mul3A_272 : vector<16xf32>
        %mul3A_274 = arith.mulf %get3A_268, %get3A_268 : vector<16xf32>
        %add3A_275 = arith.addf %add3A_263, %mul3A_274 : vector<16xf32>
        %mul3A_276 = arith.mulf %get3A_271, %get3A_271 : vector<16xf32>
        %add3A_277 = arith.addf %add3A_265, %mul3A_276 : vector<16xf32>
        %get3A_278 = arith.index_cast %while3A_202 : i32 to index
        %get3A_279 = arith.constant 96 : index
        %get3A_280 = tpu.vector_load %arg10[%get3A_278, %get3A_279] {strides = array<i32>} : memref<128x128xf32, #tpu.memory_space<vmem>>, vector<16xf32>,
        %get3A_281 = arith.index_cast %while3A_202 : i32 to index
        %get3A_282 = arith.constant 96 : index
        %get3A_283 = tpu.vector_load %arg11[%get3A_281, %get3A_282] {strides = array<i32>} : memref<128x128xf32, #tpu.memory_space<vmem>>, vector<16xf32>,
        %mul3A_284 = arith.mulf %get3A_280, %get3A_283 : vector<16xf32>
        %add3A_285 = arith.addf %add3A_273, %mul3A_284 : vector<16xf32>
        %mul3A_286 = arith.mulf %get3A_280, %get3A_280 : vector<16xf32>
        %add3A_287 = arith.addf %add3A_275, %mul3A_286 : vector<16xf32>
        %mul3A_288 = arith.mulf %get3A_283, %get3A_283 : vector<16xf32>
        %add3A_289 = arith.addf %add3A_277, %mul3A_288 : vector<16xf32>
        %get3A_290 = arith.index_cast %while3A_202 : i32 to index
        %get3A_291 = arith.constant 112 : index
        %get3A_292 = tpu.vector_load %arg10[%get3A_290, %get3A_291] {strides = array<i32>} : memref<128x128xf32, #tpu.memory_space<vmem>>, vector<16xf32>,
        %get3A_293 = arith.index_cast %while3A_202 : i32 to index
        %get3A_294 = arith.constant 112 : index
        %get3A_295 = tpu.vector_load %arg11[%get3A_293, %get3A_294] {strides = array<i32>} : memref<128x128xf32, #tpu.memory_space<vmem>>, vector<16xf32>,
        %mul3A_296 = arith.mulf %get3A_292, %get3A_295 : vector<16xf32>
        %add3A_297 = arith.addf %add3A_285, %mul3A_296 : vector<16xf32>
        %mul3A_298 = arith.mulf %get3A_292, %get3A_292 : vector<16xf32>
        %add3A_299 = arith.addf %add3A_287, %mul3A_298 : vector<16xf32>
        %mul3A_300 = arith.mulf %get3A_295, %get3A_295 : vector<16xf32>
        %add3A_301 = arith.addf %add3A_289, %mul3A_300 : vector<16xf32>
        scf.yield %add3A_297, %add3A_299, %add3A_301 : vector<16xf32>, vector<16xf32>, vector<16xf32>
      }
      %while3A_194 = arith.constant 1 : i32
      %while3A_195:3 = scf.for %while3A_202 = %while3A_191 to %while3A_187 step %while3A_194 iter_args(%while3A_203 = %while3A_193#0, %while3A_204 = %while3A_193#1, %while3A_205 = %while3A_193#2) -> (vector<16xf32>, vector<16xf32>, vector<16xf32>)  : i32 {
        %get3A_206 = arith.index_cast %while3A_202 : i32 to index
        %get3A_207 = arith.constant 0 : index
        %get3A_208 = tpu.vector_load %arg10[%get3A_206, %get3A_207] {strides = array<i32>} : memref<128x128xf32, #tpu.memory_space<vmem>>, vector<16xf32>,
        %get3A_209 = arith.index_cast %while3A_202 : i32 to index
        %get3A_210 = arith.constant 0 : index
        %get3A_211 = tpu.vector_load %arg11[%get3A_209, %get3A_210] {strides = array<i32>} : memref<128x128xf32, #tpu.memory_space<vmem>>, vector<16xf32>,
        %mul3A_212 = arith.mulf %get3A_208, %get3A_211 : vector<16xf32>
        %add3A_213 = arith.addf %while3A_203, %mul3A_212 : vector<16xf32>
        %mul3A_214 = arith.mulf %get3A_208, %get3A_208 : vector<16xf32>
        %add3A_215 = arith.addf %while3A_204, %mul3A_214 : vector<16xf32>
        %mul3A_216 = arith.mulf %get3A_211, %get3A_211 : vector<16xf32>
        %add3A_217 = arith.addf %while3A_205, %mul3A_216 : vector<16xf32>
        %get3A_218 = arith.index_cast %while3A_202 : i32 to index
        %get3A_219 = arith.constant 16 : index
        %get3A_220 = tpu.vector_load %arg10[%get3A_218, %get3A_219] {strides = array<i32>} : memref<128x128xf32, #tpu.memory_space<vmem>>, vector<16xf32>,
        %get3A_221 = arith.index_cast %while3A_202 : i32 to index
        %get3A_222 = arith.constant 16 : index
        %get3A_223 = tpu.vector_load %arg11[%get3A_221, %get3A_222] {strides = array<i32>} : memref<128x128xf32, #tpu.memory_space<vmem>>, vector<16xf32>,
        %mul3A_224 = arith.mulf %get3A_220, %get3A_223 : vector<16xf32>
        %add3A_225 = arith.addf %add3A_213, %mul3A_224 : vector<16xf32>
        %mul3A_226 = arith.mulf %get3A_220, %get3A_220 : vector<16xf32>
        %add3A_227 = arith.addf %add3A_215, %mul3A_226 : vector<16xf32>
        %mul3A_228 = arith.mulf %get3A_223, %get3A_223 : vector<16xf32>
        %add3A_229 = arith.addf %add3A_217, %mul3A_228 : vector<16xf32>
        %get3A_230 = arith.index_cast %while3A_202 : i32 to index
        %get3A_231 = arith.constant 32 : index
        %get3A_232 = tpu.vector_load %arg10[%get3A_230, %get3A_231] {strides = array<i32>} : memref<128x128xf32, #tpu.memory_space<vmem>>, vector<16xf32>,
        %get3A_233 = arith.index_cast %while3A_202 : i32 to index
        %get3A_234 = arith.constant 32 : index
        %get3A_235 = tpu.vector_load %arg11[%get3A_233, %get3A_234] {strides = array<i32>} : memref<128x128xf32, #tpu.memory_space<vmem>>, vector<16xf32>,
        %mul3A_236 = arith.mulf %get3A_232, %get3A_235 : vector<16xf32>
        %add3A_237 = arith.addf %add3A_225, %mul3A_236 : vector<16xf32>
        %mul3A_238 = arith.mulf %get3A_232, %get3A_232 : vector<16xf32>
        %add3A_239 = arith.addf %add3A_227, %mul3A_238 : vector<16xf32>
        %mul3A_240 = arith.mulf %get3A_235, %get3A_235 : vector<16xf32>
        %add3A_241 = arith.addf %add3A_229, %mul3A_240 : vector<16xf32>
        %get3A_242 = arith.index_cast %while3A_202 : i32 to index
        %get3A_243 = arith.constant 48 : index
        %get3A_244 = tpu.vector_load %arg10[%get3A_242, %get3A_243] {strides = array<i32>} : memref<128x128xf32, #tpu.memory_space<vmem>>, vector<16xf32>,
        %get3A_245 = arith.index_cast %while3A_202 : i32 to index
        %get3A_246 = arith.constant 48 : index
        %get3A_247 = tpu.vector_load %arg11[%get3A_245, %get3A_246] {strides = array<i32>} : memref<128x128xf32, #tpu.memory_space<vmem>>, vector<16xf32>,
        %mul3A_248 = arith.mulf %get3A_244, %get3A_247 : vector<16xf32>
        %add3A_249 = arith.addf %add3A_237, %mul3A_248 : vector<16xf32>
        %mul3A_250 = arith.mulf %get3A_244, %get3A_244 : vector<16xf32>
        %add3A_251 = arith.addf %add3A_239, %mul3A_250 : vector<16xf32>
        %mul3A_252 = arith.mulf %get3A_247, %get3A_247 : vector<16xf32>
        %add3A_253 = arith.addf %add3A_241, %mul3A_252 : vector<16xf32>
        %get3A_254 = arith.index_cast %while3A_202 : i32 to index
        %get3A_255 = arith.constant 64 : index
        %get3A_256 = tpu.vector_load %arg10[%get3A_254, %get3A_255] {strides = array<i32>} : memref<128x128xf32, #tpu.memory_space<vmem>>, vector<16xf32>,
        %get3A_257 = arith.index_cast %while3A_202 : i32 to index
        %get3A_258 = arith.constant 64 : index
        %get3A_259 = tpu.vector_load %arg11[%get3A_257, %get3A_258] {strides = array<i32>} : memref<128x128xf32, #tpu.memory_space<vmem>>, vector<16xf32>,
        %mul3A_260 = arith.mulf %get3A_256, %get3A_259 : vector<16xf32>
        %add3A_261 = arith.addf %add3A_249, %mul3A_260 : vector<16xf32>
        %mul3A_262 = arith.mulf %get3A_256, %get3A_256 : vector<16xf32>
        %add3A_263 = arith.addf %add3A_251, %mul3A_262 : vector<16xf32>
        %mul3A_264 = arith.mulf %get3A_259, %get3A_259 : vector<16xf32>
        %add3A_265 = arith.addf %add3A_253, %mul3A_264 : vector<16xf32>
        %get3A_266 = arith.index_cast %while3A_202 : i32 to index
        %get3A_267 = arith.constant 80 : index
        %get3A_268 = tpu.vector_load %arg10[%get3A_266, %get3A_267] {strides = array<i32>} : memref<128x128xf32, #tpu.memory_space<vmem>>, vector<16xf32>,
        %get3A_269 = arith.index_cast %while3A_202 : i32 to index
        %get3A_270 = arith.constant 80 : index
        %get3A_271 = tpu.vector_load %arg11[%get3A_269, %get3A_270] {strides = array<i32>} : memref<128x128xf32, #tpu.memory_space<vmem>>, vector<16xf32>,
        %mul3A_272 = arith.mulf %get3A_268, %get3A_271 : vector<16xf32>
        %add3A_273 = arith.addf %add3A_261, %mul3A_272 : vector<16xf32>
        %mul3A_274 = arith.mulf %get3A_268, %get3A_268 : vector<16xf32>
        %add3A_275 = arith.addf %add3A_263, %mul3A_274 : vector<16xf32>
        %mul3A_276 = arith.mulf %get3A_271, %get3A_271 : vector<16xf32>
        %add3A_277 = arith.addf %add3A_265, %mul3A_276 : vector<16xf32>
        %get3A_278 = arith.index_cast %while3A_202 : i32 to index
        %get3A_279 = arith.constant 96 : index
        %get3A_280 = tpu.vector_load %arg10[%get3A_278, %get3A_279] {strides = array<i32>} : memref<128x128xf32, #tpu.memory_space<vmem>>, vector<16xf32>,
        %get3A_281 = arith.index_cast %while3A_202 : i32 to index
        %get3A_282 = arith.constant 96 : index
        %get3A_283 = tpu.vector_load %arg11[%get3A_281, %get3A_282] {strides = array<i32>} : memref<128x128xf32, #tpu.memory_space<vmem>>, vector<16xf32>,
        %mul3A_284 = arith.mulf %get3A_280, %get3A_283 : vector<16xf32>
        %add3A_285 = arith.addf %add3A_273, %mul3A_284 : vector<16xf32>
        %mul3A_286 = arith.mulf %get3A_280, %get3A_280 : vector<16xf32>
        %add3A_287 = arith.addf %add3A_275, %mul3A_286 : vector<16xf32>
        %mul3A_288 = arith.mulf %get3A_283, %get3A_283 : vector<16xf32>
        %add3A_289 = arith.addf %add3A_277, %mul3A_288 : vector<16xf32>
        %get3A_290 = arith.index_cast %while3A_202 : i32 to index
        %get3A_291 = arith.constant 112 : index
        %get3A_292 = tpu.vector_load %arg10[%get3A_290, %get3A_291] {strides = array<i32>} : memref<128x128xf32, #tpu.memory_space<vmem>>, vector<16xf32>,
        %get3A_293 = arith.index_cast %while3A_202 : i32 to index
        %get3A_294 = arith.constant 112 : index
        %get3A_295 = tpu.vector_load %arg11[%get3A_293, %get3A_294] {strides = array<i32>} : memref<128x128xf32, #tpu.memory_space<vmem>>, vector<16xf32>,
        %mul3A_296 = arith.mulf %get3A_292, %get3A_295 : vector<16xf32>
        %add3A_297 = arith.addf %add3A_285, %mul3A_296 : vector<16xf32>
        %mul3A_298 = arith.mulf %get3A_292, %get3A_292 : vector<16xf32>
        %add3A_299 = arith.addf %add3A_287, %mul3A_298 : vector<16xf32>
        %mul3A_300 = arith.mulf %get3A_295, %get3A_295 : vector<16xf32>
        %add3A_301 = arith.addf %add3A_289, %mul3A_300 : vector<16xf32>
        scf.yield %add3A_297, %add3A_299, %add3A_301 : vector<16xf32>, vector<16xf32>, vector<16xf32>
      }
      %swap3A_196 = arith.constant 0 : index
      %swap3A_197 = tpu.vector_load %arg12[%swap3A_196] {strides = array<i32>} : memref<64xf32, #tpu.memory_space<vmem>>, vector<16xf32>,
      tpu.vector_store %arg12[%swap3A_196], %while3A_195#0 {strides = array<i32>} : memref<64xf32, #tpu.memory_space<vmem>>, vector<16xf32>,
      %swap3A_198 = arith.constant 16 : index
      %swap3A_199 = tpu.vector_load %arg12[%swap3A_198] {strides = array<i32>} : memref<64xf32, #tpu.memory_space<vmem>>, vector<16xf32>,
      tpu.vector_store %arg12[%swap3A_198], %while3A_195#1 {strides = array<i32>} : memref<64xf32, #tpu.memory_space<vmem>>, vector<16xf32>,
      %swap3A_200 = arith.constant 32 : index
      %swap3A_201 = tpu.vector_load %arg12[%swap3A_200] {strides = array<i32>} : memref<64xf32, #tpu.memory_space<vmem>>, vector<16xf32>,
      tpu.vector_store %arg12[%swap3A_200], %while3A_195#2 {strides = array<i32>} : memref<64xf32, #tpu.memory_space<vmem>>, vector<16xf32>,
    } else {
    }
    %broadcast_in_dim3A_162 = arith.constant 1.000000e+00 : f32
    %broadcast_in_dim3A_163 = vector.broadcast %broadcast_in_dim3A_162 : f32 to vector<16xf32>
    %convert_element_type3A_164 = arith.sitofp %scan3A_48 : i32 to f32
    %mul3A_165 = vector.broadcast %convert_element_type3A_164 : f32 to vector<16xf32>
    %mul3A_166 = arith.mulf %broadcast_in_dim3A_163, %mul3A_165 : vector<16xf32>
    %swap3A_167 = arith.constant 48 : index
    %swap3A_168 = tpu.vector_load %arg12[%swap3A_167] {strides = array<i32>} : memref<64xf32, #tpu.memory_space<vmem>>, vector<16xf32>,
    tpu.vector_store %arg12[%swap3A_167], %mul3A_166 {strides = array<i32>} : memref<64xf32, #tpu.memory_space<vmem>>, vector<16xf32>,
    "tpu.region"() ({
      %run_scoped3A = tpu.sem_alloc : memref<!tpu.dma_semaphore, #tpu.memory_space<semaphore_mem>>
      %dma_start3A = arith.constant 0 : i32
      %dma_start3A_169 = tpu.memref_slice %arg5[%add3A, %dma_start3A] : memref<32x64xf32, #tpu.memory_space<hbm>> -> memref<1x64xf32, #tpu.memory_space<hbm>>
      %dma_start3A_170 = tpu.memref_squeeze %dma_start3A_169 : memref<1x64xf32, #tpu.memory_space<hbm>> -> memref<64xf32, #tpu.memory_space<hbm>>
      %dma_start3A_171 = arith.constant 0 : i32
      %dma_start3A_172 = tpu.memref_slice %arg5[%add3A, %dma_start3A_171] : memref<32x64xf32, #tpu.memory_space<hbm>> -> memref<1x64xf32, #tpu.memory_space<hbm>>
      %dma_start3A_173 = tpu.memref_squeeze %dma_start3A_172 : memref<1x64xf32, #tpu.memory_space<hbm>> -> memref<64xf32, #tpu.memory_space<hbm>>
      tpu.enqueue_dma source(%arg12 : memref<64xf32, #tpu.memory_space<vmem>>) target(%dma_start3A_173 : memref<64xf32, #tpu.memory_space<hbm>>) target_semaphore(%run_scoped3A : memref<!tpu.dma_semaphore, #tpu.memory_space<semaphore_mem>>)
      %dma_wait3A = arith.constant 0 : i32
      %dma_wait3A_174 = tpu.memref_slice %arg5[%add3A, %dma_wait3A] : memref<32x64xf32, #tpu.memory_space<hbm>> -> memref<1x64xf32, #tpu.memory_space<hbm>>
      %dma_wait3A_175 = tpu.memref_squeeze %dma_wait3A_174 : memref<1x64xf32, #tpu.memory_space<hbm>> -> memref<64xf32, #tpu.memory_space<hbm>>
      %dma_wait3A_176 = arith.constant 0 : i32
      %dma_wait3A_177 = tpu.memref_slice %arg5[%add3A, %dma_wait3A_176] : memref<32x64xf32, #tpu.memory_space<hbm>> -> memref<1x64xf32, #tpu.memory_space<hbm>>
      %dma_wait3A_178 = tpu.memref_squeeze %dma_wait3A_177 : memref<1x64xf32, #tpu.memory_space<hbm>> -> memref<64xf32, #tpu.memory_space<hbm>>
      tpu.wait_dma2 semaphore(%run_scoped3A : memref<!tpu.dma_semaphore, #tpu.memory_space<semaphore_mem>>) src(%arg12 : memref<64xf32, #tpu.memory_space<vmem>>) dst(%dma_wait3A_178 : memref<64xf32, #tpu.memory_space<hbm>>)
      tpu.yield
    }) : () -> ()
    return
  }
}

module attributes {stable_mosaic.version = 14 : i64} {
  func.func @_tc_body(%arg0: i32, %arg1: i32, %arg2: memref<1x1x16384xi32, #tpu.memory_space<vmem>>, %arg3: memref<1x16384x128xf32, #tpu.memory_space<vmem>>, %arg4: memref<1x16384x128xf32, #tpu.memory_space<vmem>>, %arg5: memref<1x1xf32, #tpu.memory_space<smem>>, %arg6: memref<3x8x128xf32, #tpu.memory_space<vmem>>, %arg7: memref<1xf32, #tpu.memory_space<smem>>) attributes {dimension_semantics = [#tpu.dimension_semantics<arbitrary>, #tpu.dimension_semantics<arbitrary>], iteration_bounds = array<i64: 14, 1>, scalar_prefetch = 0 : i64, scratch_operands = 2 : i64, tpu.core_type = #tpu.core_type<tc>, window_params = [{transform_indices = @transform_0, window_bounds = array<i64: 1, 1, 16384>}, {transform_indices = @transform_1, window_bounds = array<i64: 1, 16384, 128>}, {transform_indices = @transform_2, window_bounds = array<i64: 1, 16384, 128>}, {transform_indices = @transform_3, window_bounds = array<i64: 1, 1>}]} {
    %eq3A = arith.constant 0 : i32
    %eq3A_0 = arith.cmpi eq, %arg0, %eq3A : i32
    %eq3A_1 = arith.constant 0 : i32
    %eq3A_2 = arith.cmpi eq, %arg1, %eq3A_1 : i32
    %and3A = arith.andi %eq3A_0, %eq3A_2 : i1
    %convert_element_type3A = arith.extui %and3A : i1 to i32
    %cond3A = arith.constant 0 : i32
    %cond3A_3 = arith.cmpi ne, %convert_element_type3A, %cond3A : i32
    scf.if %cond3A_3 {
      %swap3A_90 = arith.constant 0.000000e+00 : f32
      %swap3A_91 = arith.constant 0 : index
      %swap3A_92 = arith.constant 0 : index
      %swap3A_93 = memref.load %arg5[%swap3A_91, %swap3A_92] : memref<1x1xf32, #tpu.memory_space<smem>>
      memref.store %swap3A_90, %arg5[%swap3A_91, %swap3A_92] : memref<1x1xf32, #tpu.memory_space<smem>>
    } else {
    }
    %eq3A_4 = arith.constant 0 : i32
    %eq3A_5 = arith.cmpi eq, %arg1, %eq3A_4 : i32
    %convert_element_type3A_6 = arith.extui %eq3A_5 : i1 to i32
    %cond3A_7 = arith.constant 0 : i32
    %cond3A_8 = arith.cmpi ne, %convert_element_type3A_6, %cond3A_7 : i32
    scf.if %cond3A_8 {
      %broadcast_in_dim3A_90 = arith.constant 0.000000e+00 : f32
      %broadcast_in_dim3A_91 = vector.broadcast %broadcast_in_dim3A_90 : f32 to vector<3x8x128xf32>
      %swap3A_92 = arith.constant 0 : index
      %swap3A_93 = arith.constant 0 : index
      %swap3A_94 = arith.constant 0 : index
      %swap3A_95 = vector.load %arg6[%swap3A_92, %swap3A_93, %swap3A_94] : memref<3x8x128xf32, #tpu.memory_space<vmem>>, vector<3x8x128xf32>
      tpu.vector_store %arg6[%swap3A_92, %swap3A_93, %swap3A_94], %broadcast_in_dim3A_91 {strides = array<i32>} : memref<3x8x128xf32, #tpu.memory_space<vmem>>, vector<3x8x128xf32>,
      %swap3A_96 = arith.constant 0.000000e+00 : f32
      %swap3A_97 = arith.constant 0 : index
      %swap3A_98 = memref.load %arg7[%swap3A_97] : memref<1xf32, #tpu.memory_space<smem>>
      memref.store %swap3A_96, %arg7[%swap3A_97] : memref<1xf32, #tpu.memory_space<smem>>
    } else {
    }
    %get3A = arith.constant 0 : index
    %get3A_9 = arith.constant 0 : index
    %get3A_10 = arith.constant 0 : index
    %get3A_11 = vector.load %arg2[%get3A, %get3A_9, %get3A_10] : memref<1x1x16384xi32, #tpu.memory_space<vmem>>, vector<1x1x16384xi32>
    %get3A_12 = vector.shape_cast %get3A_11 : vector<1x1x16384xi32> to vector<16384xi32>
    %ne3A = arith.constant 0 : i32
    %ne3A_13 = vector.broadcast %ne3A : i32 to vector<16384xi32>
    %ne3A_14 = arith.cmpi ne, %get3A_12, %ne3A_13 : vector<16384xi32>
    %convert_element_type3A_15 = arith.extui %ne3A_14 : vector<16384xi1> to vector<16384xi32>
    %convert_element_type3A_16 = arith.sitofp %convert_element_type3A_15 : vector<16384xi32> to vector<16384xf32>
    %broadcast_in_dim3A = vector.shape_cast %convert_element_type3A_16 : vector<16384xf32> to vector<16384x1xf32>
    %get3A_17 = arith.constant 0 : index
    %get3A_18 = arith.constant 0 : index
    %get3A_19 = arith.constant 0 : index
    %get3A_20 = vector.load %arg3[%get3A_17, %get3A_18, %get3A_19] : memref<1x16384x128xf32, #tpu.memory_space<vmem>>, vector<1x16384x128xf32>
    %get3A_21 = vector.shape_cast %get3A_20 : vector<1x16384x128xf32> to vector<16384x128xf32>
    %get3A_22 = arith.constant 0 : index
    %get3A_23 = arith.constant 0 : index
    %get3A_24 = arith.constant 0 : index
    %get3A_25 = vector.load %arg4[%get3A_22, %get3A_23, %get3A_24] : memref<1x16384x128xf32, #tpu.memory_space<vmem>>, vector<1x16384x128xf32>
    %get3A_26 = vector.shape_cast %get3A_25 : vector<1x16384x128xf32> to vector<16384x128xf32>
    %mul3A = vector.broadcast %broadcast_in_dim3A : vector<16384x1xf32> to vector<16384x128xf32>
    %mul3A_27 = arith.mulf %get3A_21, %mul3A : vector<16384x128xf32>
    %reshape3A = vector.shape_cast %mul3A_27 : vector<16384x128xf32> to vector<2048x8x128xf32>
    %mul3A_28 = vector.broadcast %broadcast_in_dim3A : vector<16384x1xf32> to vector<16384x128xf32>
    %mul3A_29 = arith.mulf %get3A_26, %mul3A_28 : vector<16384x128xf32>
    %reshape3A_30 = vector.shape_cast %mul3A_29 : vector<16384x128xf32> to vector<2048x8x128xf32>
    %reshape3A_31 = vector.shape_cast %get3A_21 : vector<16384x128xf32> to vector<2048x8x128xf32>
    %reshape3A_32 = vector.shape_cast %get3A_26 : vector<16384x128xf32> to vector<2048x8x128xf32>
    %get3A_33 = arith.constant 0 : index
    %get3A_34 = arith.constant 0 : index
    %get3A_35 = arith.constant 0 : index
    %get3A_36 = vector.load %arg6[%get3A_33, %get3A_34, %get3A_35] : memref<3x8x128xf32, #tpu.memory_space<vmem>>, vector<1x8x128xf32>
    %get3A_37 = vector.shape_cast %get3A_36 : vector<1x8x128xf32> to vector<8x128xf32>
    %mul3A_38 = arith.mulf %reshape3A, %reshape3A_32 : vector<2048x8x128xf32>
    %reduce_sum3A = arith.constant dense<0.000000e+00> : vector<8x128xf32>
    %reduce_sum3A_39 = vector.multi_reduction <add>, %mul3A_38, %reduce_sum3A [0] : vector<2048x8x128xf32> to vector<8x128xf32>
    %add3A = arith.addf %get3A_37, %reduce_sum3A_39 : vector<8x128xf32>
    %swap3A = arith.constant 0 : index
    %swap3A_40 = arith.constant 0 : index
    %swap3A_41 = arith.constant 0 : index
    %swap3A_42 = vector.load %arg6[%swap3A, %swap3A_40, %swap3A_41] : memref<3x8x128xf32, #tpu.memory_space<vmem>>, vector<1x8x128xf32>
    %swap3A_43 = vector.shape_cast %swap3A_42 : vector<1x8x128xf32> to vector<8x128xf32>
    %swap3A_44 = vector.shape_cast %add3A : vector<8x128xf32> to vector<1x8x128xf32>
    tpu.vector_store %arg6[%swap3A, %swap3A_40, %swap3A_41], %swap3A_44 {strides = array<i32>} : memref<3x8x128xf32, #tpu.memory_space<vmem>>, vector<1x8x128xf32>,
    %get3A_45 = arith.constant 1 : index
    %get3A_46 = arith.constant 0 : index
    %get3A_47 = arith.constant 0 : index
    %get3A_48 = vector.load %arg6[%get3A_45, %get3A_46, %get3A_47] : memref<3x8x128xf32, #tpu.memory_space<vmem>>, vector<1x8x128xf32>
    %get3A_49 = vector.shape_cast %get3A_48 : vector<1x8x128xf32> to vector<8x128xf32>
    %mul3A_50 = arith.mulf %reshape3A, %reshape3A_31 : vector<2048x8x128xf32>
    %reduce_sum3A_51 = arith.constant dense<0.000000e+00> : vector<8x128xf32>
    %reduce_sum3A_52 = vector.multi_reduction <add>, %mul3A_50, %reduce_sum3A_51 [0] : vector<2048x8x128xf32> to vector<8x128xf32>
    %add3A_53 = arith.addf %get3A_49, %reduce_sum3A_52 : vector<8x128xf32>
    %swap3A_54 = arith.constant 1 : index
    %swap3A_55 = arith.constant 0 : index
    %swap3A_56 = arith.constant 0 : index
    %swap3A_57 = vector.load %arg6[%swap3A_54, %swap3A_55, %swap3A_56] : memref<3x8x128xf32, #tpu.memory_space<vmem>>, vector<1x8x128xf32>
    %swap3A_58 = vector.shape_cast %swap3A_57 : vector<1x8x128xf32> to vector<8x128xf32>
    %swap3A_59 = vector.shape_cast %add3A_53 : vector<8x128xf32> to vector<1x8x128xf32>
    tpu.vector_store %arg6[%swap3A_54, %swap3A_55, %swap3A_56], %swap3A_59 {strides = array<i32>} : memref<3x8x128xf32, #tpu.memory_space<vmem>>, vector<1x8x128xf32>,
    %get3A_60 = arith.constant 2 : index
    %get3A_61 = arith.constant 0 : index
    %get3A_62 = arith.constant 0 : index
    %get3A_63 = vector.load %arg6[%get3A_60, %get3A_61, %get3A_62] : memref<3x8x128xf32, #tpu.memory_space<vmem>>, vector<1x8x128xf32>
    %get3A_64 = vector.shape_cast %get3A_63 : vector<1x8x128xf32> to vector<8x128xf32>
    %mul3A_65 = arith.mulf %reshape3A_30, %reshape3A_32 : vector<2048x8x128xf32>
    %reduce_sum3A_66 = arith.constant dense<0.000000e+00> : vector<8x128xf32>
    %reduce_sum3A_67 = vector.multi_reduction <add>, %mul3A_65, %reduce_sum3A_66 [0] : vector<2048x8x128xf32> to vector<8x128xf32>
    %add3A_68 = arith.addf %get3A_64, %reduce_sum3A_67 : vector<8x128xf32>
    %swap3A_69 = arith.constant 2 : index
    %swap3A_70 = arith.constant 0 : index
    %swap3A_71 = arith.constant 0 : index
    %swap3A_72 = vector.load %arg6[%swap3A_69, %swap3A_70, %swap3A_71] : memref<3x8x128xf32, #tpu.memory_space<vmem>>, vector<1x8x128xf32>
    %swap3A_73 = vector.shape_cast %swap3A_72 : vector<1x8x128xf32> to vector<8x128xf32>
    %swap3A_74 = vector.shape_cast %add3A_68 : vector<8x128xf32> to vector<1x8x128xf32>
    tpu.vector_store %arg6[%swap3A_69, %swap3A_70, %swap3A_71], %swap3A_74 {strides = array<i32>} : memref<3x8x128xf32, #tpu.memory_space<vmem>>, vector<1x8x128xf32>,
    %get3A_75 = arith.constant 0 : index
    %get3A_76 = memref.load %arg7[%get3A_75] : memref<1xf32, #tpu.memory_space<smem>>
    %reduce_sum3A_77 = vector.shape_cast %convert_element_type3A_16 : vector<16384xf32> to vector<1x16384xf32>
    %reduce_sum3A_78 = arith.constant dense<0.000000e+00> : vector<1xf32>
    %reduce_sum3A_79 = vector.multi_reduction <add>, %reduce_sum3A_77, %reduce_sum3A_78 [1] : vector<1x16384xf32> to vector<1xf32>
    %reduce_sum3A_80 = vector.shape_cast %reduce_sum3A_79 : vector<1xf32> to vector<1x1xf32>
    %reduce_sum3A_81 = vector.extract %reduce_sum3A_80[0, 0] : f32 from vector<1x1xf32>
    %add3A_82 = arith.addf %get3A_76, %reduce_sum3A_81 : f32
    %swap3A_83 = arith.constant 0 : index
    %swap3A_84 = memref.load %arg7[%swap3A_83] : memref<1xf32, #tpu.memory_space<smem>>
    memref.store %add3A_82, %arg7[%swap3A_83] : memref<1xf32, #tpu.memory_space<smem>>
    %eq3A_85 = arith.constant 0 : i32
    %eq3A_86 = arith.cmpi eq, %arg1, %eq3A_85 : i32
    %convert_element_type3A_87 = arith.extui %eq3A_86 : i1 to i32
    %cond3A_88 = arith.constant 0 : i32
    %cond3A_89 = arith.cmpi ne, %convert_element_type3A_87, %cond3A_88 : i32
    scf.if %cond3A_89 {
      %get3A_90 = arith.constant 0 : index
      %get3A_91 = arith.constant 0 : index
      %get3A_92 = arith.constant 0 : index
      %get3A_93 = vector.load %arg6[%get3A_90, %get3A_91, %get3A_92] : memref<3x8x128xf32, #tpu.memory_space<vmem>>, vector<1x8x128xf32>
      %get3A_94 = vector.shape_cast %get3A_93 : vector<1x8x128xf32> to vector<8x128xf32>
      %reduce_sum3A_95 = vector.shape_cast %get3A_94 : vector<8x128xf32> to vector<1x8x128xf32>
      %reduce_sum3A_96 = arith.constant dense<0.000000e+00> : vector<1xf32>
      %reduce_sum3A_97 = vector.multi_reduction <add>, %reduce_sum3A_95, %reduce_sum3A_96 [1, 2] : vector<1x8x128xf32> to vector<1xf32>
      %reduce_sum3A_98 = vector.shape_cast %reduce_sum3A_97 : vector<1xf32> to vector<1x1x1xf32>
      %reduce_sum3A_99 = vector.extract %reduce_sum3A_98[0, 0, 0] : f32 from vector<1x1x1xf32>
      %get3A_100 = arith.constant 1 : index
      %get3A_101 = arith.constant 0 : index
      %get3A_102 = arith.constant 0 : index
      %get3A_103 = vector.load %arg6[%get3A_100, %get3A_101, %get3A_102] : memref<3x8x128xf32, #tpu.memory_space<vmem>>, vector<1x8x128xf32>
      %get3A_104 = vector.shape_cast %get3A_103 : vector<1x8x128xf32> to vector<8x128xf32>
      %reduce_sum3A_105 = vector.shape_cast %get3A_104 : vector<8x128xf32> to vector<1x8x128xf32>
      %reduce_sum3A_106 = arith.constant dense<0.000000e+00> : vector<1xf32>
      %reduce_sum3A_107 = vector.multi_reduction <add>, %reduce_sum3A_105, %reduce_sum3A_106 [1, 2] : vector<1x8x128xf32> to vector<1xf32>
      %reduce_sum3A_108 = vector.shape_cast %reduce_sum3A_107 : vector<1xf32> to vector<1x1x1xf32>
      %reduce_sum3A_109 = vector.extract %reduce_sum3A_108[0, 0, 0] : f32 from vector<1x1x1xf32>
      %get3A_110 = arith.constant 2 : index
      %get3A_111 = arith.constant 0 : index
      %get3A_112 = arith.constant 0 : index
      %get3A_113 = vector.load %arg6[%get3A_110, %get3A_111, %get3A_112] : memref<3x8x128xf32, #tpu.memory_space<vmem>>, vector<1x8x128xf32>
      %get3A_114 = vector.shape_cast %get3A_113 : vector<1x8x128xf32> to vector<8x128xf32>
      %reduce_sum3A_115 = vector.shape_cast %get3A_114 : vector<8x128xf32> to vector<1x8x128xf32>
      %reduce_sum3A_116 = arith.constant dense<0.000000e+00> : vector<1xf32>
      %reduce_sum3A_117 = vector.multi_reduction <add>, %reduce_sum3A_115, %reduce_sum3A_116 [1, 2] : vector<1x8x128xf32> to vector<1xf32>
      %reduce_sum3A_118 = vector.shape_cast %reduce_sum3A_117 : vector<1xf32> to vector<1x1x1xf32>
      %reduce_sum3A_119 = vector.extract %reduce_sum3A_118[0, 0, 0] : f32 from vector<1x1x1xf32>
      %get3A_120 = arith.constant 0 : index
      %get3A_121 = memref.load %arg7[%get3A_120] : memref<1xf32, #tpu.memory_space<smem>>
      %sqrt3A = math.sqrt %reduce_sum3A_109 : f32
      %sqrt3A_122 = math.sqrt %reduce_sum3A_119 : f32
      %mul3A_123 = arith.mulf %sqrt3A, %sqrt3A_122 : f32
      %gt3A = arith.constant 0.000000e+00 : f32
      %gt3A_124 = arith.cmpf ogt, %mul3A_123, %gt3A : f32
      %jit3A = arith.constant 1.000000e+00 : f32
      %select_n3A = arith.select %gt3A_124, %mul3A_123, %jit3A : f32
      %gt3A_125 = arith.constant 0.000000e+00 : f32
      %gt3A_126 = arith.cmpf ogt, %get3A_121, %gt3A_125 : f32
      %neg3A = arith.constant 0.000000e+00 : f32
      %neg3A_127 = arith.subf %neg3A, %reduce_sum3A_99 : f32
      %div3A = arith.divf %neg3A_127, %select_n3A : f32
      %jit3A_128 = arith.constant 0.000000e+00 : f32
      %select_n3A_129 = arith.select %gt3A_126, %div3A, %jit3A_128 : f32
      %get3A_130 = arith.constant 0 : index
      %get3A_131 = arith.constant 0 : index
      %get3A_132 = memref.load %arg5[%get3A_130, %get3A_131] : memref<1x1xf32, #tpu.memory_space<smem>>
      %div3A_133 = arith.constant 1.600000e+01 : f32
      %div3A_134 = arith.divf %select_n3A_129, %div3A_133 : f32
      %add3A_135 = arith.addf %get3A_132, %div3A_134 : f32
      %swap3A_136 = arith.constant 0 : index
      %swap3A_137 = arith.constant 0 : index
      %swap3A_138 = memref.load %arg5[%swap3A_136, %swap3A_137] : memref<1x1xf32, #tpu.memory_space<smem>>
      memref.store %add3A_135, %arg5[%swap3A_136, %swap3A_137] : memref<1x1xf32, #tpu.memory_space<smem>>
    } else {
    }
    return
  }
  func.func @transform_0(%arg0: i32, %arg1: i32) -> (i32, i32, i32) {
    %add3A = arith.constant 0 : i32
    %add3A_0 = arith.addi %add3A, %arg0 : i32
    %mul3A = arith.constant 1 : i32
    %mul3A_1 = arith.muli %add3A_0, %mul3A : i32
    %add3A_2 = arith.addi %mul3A_1, %arg1 : i32
    %c0_i32 = arith.constant 0 : i32
    %c0_i32_3 = arith.constant 0 : i32
    %c0_i32_4 = arith.constant 0 : i32
    return %add3A_2, %c0_i32, %c0_i32_3 : i32, i32, i32
  }
  func.func @transform_1(%arg0: i32, %arg1: i32) -> (i32, i32, i32) {
    %add3A = arith.constant 0 : i32
    %add3A_0 = arith.addi %add3A, %arg0 : i32
    %c0_i32 = arith.constant 0 : i32
    %c0_i32_1 = arith.constant 0 : i32
    return %add3A_0, %arg1, %c0_i32 : i32, i32, i32
  }
  func.func @transform_2(%arg0: i32, %arg1: i32) -> (i32, i32, i32) {
    %add3A = arith.constant 0 : i32
    %add3A_0 = arith.addi %add3A, %arg0 : i32
    %c0_i32 = arith.constant 0 : i32
    %c0_i32_1 = arith.constant 0 : i32
    return %add3A_0, %arg1, %c0_i32 : i32, i32, i32
  }
  func.func @transform_3(%arg0: i32, %arg1: i32) -> (i32, i32) {
    %c0_i32 = arith.constant 0 : i32
    %c0_i32_0 = arith.constant 0 : i32
    %c0_i32_1 = arith.constant 0 : i32
    return %c0_i32, %c0_i32_0 : i32, i32
  }
}

</mosaic_0001>

<sc_bundles>
// kernel: kernel.4.cloned.1.call-start
scs
__scs_entry_jumppad:
0x0: {  	(pc) =	sbr.rel $0x88, $3  }
0x1: {  	(tag) =	ssettag $0x0;
	lr =	simm.s32 $0x1  }
0x2: {  	[smem:$0x3F9E] =	sst lr;
	_ =	strace $0xD0000000  }
0x3: {  	_ = 	snop  }
0x4: {  	_ = 	snop  }
0x5: {  	_ = 	snop  }
0x6: {  	_ = 	snop  }
0x7: {  	_ = 	snop  }
__scs_overlays_trampoline_lowered:
0x8: {  	[smem:$0x3FAD] =	sst s0  }
0x9: {  	[smem:$0x3FAE] =	sst s1  }
0xa: {  	[smem:$0x3FAF] =	sst s2  }
0xb: {  	[smem:$0x3FB0] =	sst s3  }
0xc: {  	[smem:$0x3FB1] =	sst s4  }
0xd: {  	[smem:$0x3FB2] =	sst s5  }
0xe: {  	[smem:$0x3FB3] =	sst s6  }
0xf: {  	[smem:$0x3FB4] =	sst s7  }
0x10: {  	[smem:$0x3FB5] =	sst s8  }
0x11: {  	[smem:$0x3FB6] =	sst s9;
	s0 =	simm.s32 @!p0 $0x0  }
0x12: {  	s1 =	sld [smem:$0x3F9C];
	s0 =	simm.s32 @p0 $0x1  }
0x13: {  	[smem:$0x3FB7] =	sst s0;
	s0 =	simm.s32 @!p1 $0x0  }
0x14: {  	s2 =	sld [smem:$0x3F9B];
	s0 =	simm.s32 @p1 $0x1  }
0x15: {  	[smem:$0x3FB8] =	sst s0;
	s0 =	simm.s32 @!p2 $0x0  }
0x16: {  	s3 =	sld [smem:$0x3FDB];
	s0 =	simm.s32 @p2 $0x1  }
0x17: {  	s4 =	simm.s32 $0x1BF5;
	[smem:$0x3FBA] =	sst s0  }
0x18: {  	s0 =	sld [smem:$0x3F9D];
	_ =	swait.ge [sflag:s4], $0x0  }
0x19: {  	s7 =	sld [smem:$0x3F9E]  }
0x1a: {  	s8 =	sadd.s32 $0xFFFFE003, lr  }
0x1b: {  	s9 =	sadd.s32 $0xFFFFFEF7, lr;
	s5 =	simm.s32 $0xFFFFFFFF;
	p2 =	slt.u32 s8, $0xFFFFF086  }
0x1c: {  	p1 =	slt.u32 s9, $0xF7A;
	s5 =	simm.s32 @!p2 $0x0  }
0x1d: {  	s5 =	simm.s32 @p1 $0x1;
	p0 =	seq.s32 s7, s2  }
0x1e: {  	s7 =	smul.u32 @!p0 $0xF7A, s2;
	p2 =	seq.s32 @!p0 s5, $0x0  }
0x1f: {  	s9 =	smul.u32 $0xF7A, s1;
	s8 =	simm.s32 @!p0 $0x1BF5;
	p2 =	por !p2, p0  }
0x20: {  	[sflag:s8] =	ssyncset.s32 @!p0 $0xFFFFF086;
	s6 =	sadd.s32 @!p0 s3, s7;
	s7 =	simm.s32 @!p0 $0x108  }
0x21: {  	s3 =	sadd.s32 s3, s9;
	s6 =	sadd.s32 @!p0 $0x88, s6;
	s7 =	simm.s32 @p2 $0x1082  }
0x22: {  	[simem:s7], [sflag:s8] =	dma.local @!p0 [hbm:s6], $0xF7A  }
0x23: {  	s9 =	sor.u32 $0xD0000000, s2;
	s6 =	simm.s32 $0x108;
	_ =	swait.ge @!p0 [sflag:s8], $0x0  }
0x24: {  	s3 =	sadd.s32 $0x88, s3;
	s6 =	simm.s32 @!p1 $0x1082;
	[sflag:s4] =	ssyncset.s32 $0xFFFFF086  }
0x25: {  	[simem:s6], [sflag:s4] =	dma.local [hbm:s3], $0xF7A  }
0x26: {  	[smem:$0x3F9E] =	sst s1;
	(tag) =	ssettag s2;
	_ =	strace s9  }
0x27: {  	s1 =	sld [smem:$0x3FAE]  }
0x28: {  	s2 =	sld [smem:$0x3FAF]  }
0x29: {  	s4 =	sld [smem:$0x3FB1]  }
0x2a: {  	p0 =	seq.s32 s5, $0x0;
	s5 =	sld [smem:$0x3FB2]  }
0x2b: {  	s6 =	sld [smem:$0x3FB3]  }
0x2c: {  	s7 =	sld [smem:$0x3FB4]  }
0x2d: {  	s3 =	simm.s32 $0x108;
	s8 =	sld [smem:$0x3FB5]  }
0x2e: {  	s3 =	simm.s32 @!p0 $0x1082;
	s9 =	sld [smem:$0x3FB6]  }
0x2f: {  	lr =	sadd.s32 s0, s3;
	s0 =	sld [smem:$0x3FAD]  }
0x30: {  	s3 =	sld [smem:$0x3FB0]  }
0x31: {  	[smem:$0x3FB9] =	sst s10  }
0x32: {  	s10 =	sld [smem:$0x3FB7];
	_ =	sdelay $0x3  }
0x33: {  	p0 =	seq.s32 s10, $0x1;
	s10 =	sld [smem:$0x3FB9];
	_ =	sdelay $0x3  }
0x34: {  	[smem:$0x3FB9] =	sst s10  }
0x35: {  	s10 =	sld [smem:$0x3FB8];
	_ =	sdelay $0x3  }
0x36: {  	p1 =	seq.s32 s10, $0x1;
	s10 =	sld [smem:$0x3FB9];
	_ =	sdelay $0x3  }
0x37: {  	[smem:$0x3FB9] =	sst s10  }
0x38: {  	s10 =	sld [smem:$0x3FBA]  }
0x39: {  	_ = 	snop;
	(pc) =	sbr.ind lr, $3  }
0x3a: {  	_ = 	snop  }
0x3b: {  	_ = 	snop  }
0x3c: {  	p2 =	seq.s32 s10, $0x1;
	s10 =	sld [smem:$0x3FB9]  }
0x3d: {  	_ =	shalt  }
0x3e: {  	_ =	shalt  }
0x3f: {  	_ =	shalt  }
0x40: {  	_ =	shalt  }
0x41: {  	_ =	shalt  }
0x42: {  	_ =	shalt  }
0x43: {  	_ =	shalt  }
0x44: {  	_ =	shalt  }
0x45: {  	_ =	shalt  }
0x46: {  	_ =	shalt  }
0x47: {  	_ =	shalt  }
0x48: {  	_ =	shalt  }
0x49: {  	_ =	shalt  }
0x4a: {  	_ =	shalt  }
0x4b: {  	_ =	shalt  }
0x4c: {  	_ =	shalt  }
0x4d: {  	_ =	shalt  }
0x4e: {  	_ =	shalt  }
0x4f: {  	_ =	shalt  }
0x50: {  	_ =	shalt  }
0x51: {  	_ =	shalt  }
0x52: {  	_ =	shalt  }
0x53: {  	_ =	shalt  }
0x54: {  	_ =	shalt  }
0x55: {  	_ =	shalt  }
0x56: {  	_ =	shalt  }
0x57: {  	_ =	shalt  }
0x58: {  	_ =	shalt  }
0x59: {  	_ =	shalt  }
0x5a: {  	_ =	shalt  }
0x5b: {  	_ =	shalt  }
0x5c: {  	_ =	shalt  }
0x5d: {  	_ =	shalt  }
0x5e: {  	_ =	shalt  }
0x5f: {  	_ =	shalt  }
0x60: {  	_ =	shalt  }
0x61: {  	_ =	shalt  }
0x62: {  	_ =	shalt  }
0x63: {  	_ =	shalt  }
0x64: {  	_ =	shalt  }
0x65: {  	_ =	shalt  }
0x66: {  	_ =	shalt  }
0x67: {  	_ =	shalt  }
0x68: {  	_ =	shalt  }
0x69: {  	_ =	shalt  }
0x6a: {  	_ =	shalt  }
0x6b: {  	_ =	shalt  }
0x6c: {  	_ =	shalt  }
0x6d: {  	_ =	shalt  }
0x6e: {  	_ =	shalt  }
0x6f: {  	_ =	shalt  }
0x70: {  	_ =	shalt  }
0x71: {  	_ =	shalt  }
0x72: {  	_ =	shalt  }
0x73: {  	_ =	shalt  }
0x74: {  	_ =	shalt  }
0x75: {  	_ =	shalt  }
0x76: {  	_ =	shalt  }
0x77: {  	_ =	shalt  }
0x78: {  	_ =	shalt  }
0x79: {  	_ =	shalt  }
0x7a: {  	_ =	shalt  }
0x7b: {  	_ =	shalt  }
0x7c: {  	_ =	shalt  }
0x7d: {  	_ =	shalt  }
0x7e: {  	_ =	shalt  }
0x7f: {  	_ =	shalt  }
0x80: {  	_ =	shalt  }
0x81: {  	_ =	shalt  }
0x82: {  	_ =	shalt  }
0x83: {  	_ =	shalt  }
0x84: {  	_ =	shalt  }
0x85: {  	_ =	shalt  }
0x86: {  	_ =	shalt  }
0x87: {  	_ =	shalt  }
.Lfunc_end0:
.L_simem_size_0:
called_computation_lowered:
.L_overlay_start_0:
0x88: {  	s2 =	sld [smem:$0x3FD9]  }
0x89: {  	s3 =	sld [smem:$0x3FFE];
	_ =	sdelay $0x1  }
0x8a: {  	s1 =	srdreg.scid  }
0x8b: {  	s0 =	sand.u32 $0x1, s1  }
0x8c: {  	s17 =	sshll.u32 s0, $0xA;
	s2 =	sadd.s32 s3, s2  }
0x8d: {  	s2 =	sadd.s32 s2, s17  }
0x8e: {  	[smem:$0x3FC5] =	sst s2  }
0x8f: {  	_ = 	snop  }
0x90: {  	s2 =	sld [smem:$0x3FC9]  }
0x91: {  	s18 =	sld [smem:$0x3FC8]  }
0x92: {  	s4 =	sld [smem:$0x3FC7];
	(tm) =	ssettm $0x1  }
0x93: {  	s5 =	sld [smem:$0x3FFB];
	_ =	sdelay $0x3  }
0x94: {  	_ =	strace s5  }
0x95: {  	s5 =	sld [smem:$0x3FFC];
	_ =	sdelay $0x3  }
0x96: {  	_ =	strace s5  }
0x97: {  	s5 =	sld [smem:$0x3FFD];
	_ =	sdelay $0x3  }
0x98: {  	_ =	strace s5  }
0x99: {  	_ =	strace $0x8FFFFFFF  }
0x9a: {  	s19 =	sld [smem:$0x3FDB];
	_ =	sdelay $0x1  }
0x9b: {  	s6 =	simm.s32 $_scs_section_size  }
0x9c: {  	s7 =	simm.s32 $_size__tile_overlayer_lowered;
	s8 =	simm.s32 $_tile_overlayer_lowered  }
0x9d: {  	s22 =	simm.s32 $0x1BFF;
	s21 =	sshll.u32 s8, $0x1;
	s5 =	sadd.s32 s6, s19  }
0x9e: {  	s9 =	simm.s32 $0x0;
	s20 =	sshll.u32 s7, $0x1;
	s7 =	sadd.s32 s21, s5  }
0x9f: {  	[timem:s9], [sflag:s22] =	dma.local [hbm:s7], s20  }
0xa0: {  	_ =	swait.ge [sflag:s22], s20  }
0xa1: {  	s6 =	ssub.s32 $0x0, s20;
	[sflag:s22] =	ssyncset.done $0x0  }
0xa2: {  	[sflag:s22] =	ssyncadd.s32 s6;
	_ =	sdelay $0x1  }
0xa3: {  	s23 =	simm.s32 $0x1B8B  }
0xa4: {  	_ =	swait.ge [sflag:s23], $0x1  }
0xa5: {  	[sflag:s23] =	ssyncset.done $0x0  }
0xa6: {  	s25 =	simm.s32 $0x1B8E;
	s24 =	sld [smem:$0x3FFE];
	[sflag:s23] =	ssyncadd.s32 $0xFFFFFFFF  }
0xa7: {  	s26 =	simm.s32 $execute0_lowered;
	[smem:$0x3FD2] =	sst s25  }
0xa8: {  	s7 =	sshll.u32 s26, $0x1;
	_ =	strace $0x80000046;
	[dreg:$0x1] =	wrdreg $0xFFFFFFFF  }
0xa9: {  	s28 =	simm.s32 $_size_execute0_lowered;
	s5 =	sadd.s32 s5, s7;
	[dreg:$0x0] =	wrdreg $0x0  }
0xaa: {  	s7 =	sshll.u32 s28, $0x1;
	[dreg:$0x2] =	wrdreg s5  }
0xab: {  	[dreg:$0x3] =	wrdreg s7  }
0xac: {  	[dreg:$0x4] =	wrdreg $0xC0  }
0xad: {  	_ =	task [dreg:s9], $0x5FFFF  }
0xae: {  	[dreg:$0x1] =	wrdreg $0xFFFFFFFF  }
0xaf: {  	[dreg:$0x0] =	wrdreg $0x60  }
0xb0: {  	[dreg:$0x2] =	wrdreg s2  }
0xb1: {  	[dreg:$0x3] =	wrdreg s18  }
0xb2: {  	[dreg:$0x4] =	wrdreg s4  }
0xb3: {  	[dreg:$0x5] =	wrdreg s24  }
0xb4: {  	[dreg:$0x6] =	wrdreg $0x9  }
0xb5: {  	_ =	task.clear_ibuf [dreg:s9], $0x7FFFF;
	_ =	strace $0x90000046  }
0xb6: {  	s29 =	simm.s32 $0x9;
	_ =	strace $0x80000048  }
0xb7: {  	_ =	swait.ge [sflag:s29], $0x1  }
0xb8: {  	[sflag:s29] =	ssyncadd.s32 $0xFFFFFFFF  }
0xb9: {  	_ =	strace $0x90000048  }
0xba: {  	_ =	sfence  }
0xbb: {  	s30 =	sld [smem:$0x0];
	_ =	sdelay $0x2  }
0xbc: {  	s31 =	sshll.u32 s1, $0xD;
	s1 =	sshrl.u32 s1, $0x2  }
0xbd: {  	s3 =	sand.u32 $0x4000, s31;
	s1 =	sadd.s32 s1, s30  }
0xbe: {  	s0 =	sor.u32 s3, s0;
	s1 =	sshll.u32 s1, $0x11  }
0xbf: {  	s0 =	sor.u32 s1, s0  }
0xc0: {  	s0 =	sadd.s32 $0x8F2B, s0  }
0xc1: {  	[sflag:s0] =	ssyncadd.remote.s32 $0x1  }
0xc2: {  	_ =	sfence.sel $0xFFFF  }
0xc3: {  	[dreg:$0x0] =	wrdreg $0xFFFFFFFF;
	(pc) =	sbr.abs _section_cstart, $3  }
0xc4: {  	[dreg:$0x1] =	wrdreg $0xFFFFFFFF  }
0xc5: {  	_ =	task.clear_ibuf [dreg:s9], $0x2FFFF;
	_ =	strace $0x9FFFFFFF  }
0xc6: {  	(tm) =	ssettm $0x7FFFFFFF  }
0xc7: {  	_ =	shalt  }
tec
execute0_lowered:
.L_overlay_start_1:
0x0: {  	(tag) =	ssettag $0x1  }
0x1: {  	s1 =	rddreg [dreg:$0x0]  }
0x2: {  	s2 =	rddreg [dreg:$0x1]  }
0x3: {  	s0 =	rddreg [dreg:$0x2]  }
0x4: {  	s3 =	rddreg [dreg:$0x3]  }
0x5: {  	s5 =	srdreg.scid;
	s7 =	stileid.u32  }
0x6: {  	s4 =	simm.s32 $0x0;
	s12 =	simm.s32 $0x80;
	s13 =	simm.s32 $0x800  }
0x7: {  	s14 =	simm.s32 $0x4800;
	s15 =	simm.s32 $0x2;
	s16 =	simm.s32 $0x500  }
0x8: {  	s17 =	simm.s32 $0x3;
	s18 =	simm.s32 $0x4;
	s19 =	simm.s32 $0x580  }
0x9: {  	s20 =	simm.s32 $0x8800;
	s21 =	simm.s32 $0xC800;
	s23 =	simm.s32 $0x680  }
0xa: {  	s24 =	simm.s32 $0x700;
	s25 =	simm.s32 $0x780;
	s26 =	simm.s32 $0x10800  }
0xb: {  	s28 =	simm.s32 $0x0;
	s5 =	sand.u32 $0x1, s5;
	s6 =	sshll.u32 s7, $0x1  }
0xc: {  	[smem:$0x7FF] =	sst s4;
	s7 =	sshll.u32 s7, $0xB;
	s6 =	sor.u32 s5, s6  }
0xd: {  	_ =	strace $0x80000047;
	s9 =	ssub.s32 $0x2, s5;
	s10 =	sand.u32 $0x4000, s7  }
0xe: {  	s5 =	sshll.u32 s5, $0xA;
	s8 =	sshll.u32 s6, $0xA;
	s11 =	sshrl.u32 s9, $0x1  }
0xf: {  	s5 =	sor.u32 s5, s7;
	s6 =	sshll.u32 s6, $0x4;
	s8 =	sand.u32 $0x3C00, s8  }
.Ltmp0:
0x10: {  	s9 =	ssub.s32 s9, s11;
	s30 =	sand.u32 $0x3C00, s5;
	(pc) =	sbr.rel .LBB2_1-.Ltmp0, $4  }
0x11: {  	s6 =	sadd.s32 s3, s6;
	s11 =	simm.s32 $0x1;
	s8 =	sor.u32 s8, s10  }
0x12: {  	s31 =	sor.u32 s30, s10;
	s7 =	smax.u32 s9, $0x1;
	s22 =	sor.u32 $0x38000, s8  }
0x13: {  	v1 =	vimm.s32 $0x0;
	s9 =	simm.s32 $0x5;
	s10 =	simm.s32 $0x400;
	s29 =	sshrl.u32 s22, $0x3  }
0x14: {  	v2 =	vlaneseq.u32;
	v3 =	vimm.f32 $0.0e+00;
	s8 =	sor.u32 $0x38000, s31;
	v0 =	vmov s22;
	s22 =	simm.s32 $0x600;
	s5 =	sadd.s32 s0, s29  }
.LBB2_69:
0x15: {  	_ = 	snop  }
.LBB2_72:
0x16: {  	v13 =	vadd.f32 @p0 v13, v14;
	v14 =	vadd.f32 @p0 v16, v15  }
0x17: {  	v40 =	vld [tilespmem:s30+$0xFFFFFFD0];
	v10 =	vmul.f32 @p0 v10, v10;
	v16 =	vadd.f32 @p0 v19, v17;
	v17 =	vmul.f32 @p0 v12, v11  }
0x18: {  	v11 =	vmul.f32 @p0 v11, v11;
	v13 =	vadd.f32 @p0 v18, v13  }
0x19: {  	v41 =	vld [tilespmem:s0+$0xFFFFFFE0];
	v12 =	vmul.f32 @p0 v12, v12;
	v10 =	vadd.f32 @p0 v10, v14;
	v14 =	vadd.f32 @p0 v17, v16  }
0x1a: {  	v42 =	vld [tilespmem:s30+$0xFFFFFFE0];
	v43 =	vmul.f32 v9, v8;
	v8 =	vmul.f32 v8, v8  }
0x1b: {  	v44 =	vld [tilespmem:s0+$0xFFFFFFF0];
	v11 =	vadd.f32 @p0 v11, v13;
	v10 =	vadd.f32 @p0 v12, v10;
	v6 =	vpsel p0, v14, v6  }
0x1c: {  	v45 =	vmul.f32 v9, v9;
	v46 =	vld [tilespmem:s30+$0xFFFFFFF0];
	v6 =	vadd.f32 v43, v6;
	v47 =	vmul.f32 v40, v7  }
0x1d: {  	v48 =	vld [tilespmem:s0+$0x0];
	v7 =	vmul.f32 v7, v7;
	v4 =	vpsel p0, v11, v4;
	v5 =	vpsel p0, v10, v5  }
0x1e: {  	v49 =	vld [tilespmem:s30+$0x0];
	v4 =	vadd.f32 v8, v4;
	v5 =	vadd.f32 v45, v5;
	v8 =	vmul.f32 v40, v40  }
0x1f: {  	v52 =	vld [tilespmem:s0+$0x10];
	v50 =	vmul.f32 v42, v41;
	v51 =	vmul.f32 v41, v41;
	v6 =	vadd.f32 v47, v6  }
0x20: {  	v4 =	vadd.f32 v7, v4;
	v5 =	vadd.f32 v8, v5;
	v7 =	vmul.f32 v42, v42;
	v8 =	vld [tilespmem:s30+$0x10]  }
0x21: {  	v55 =	vld [tilespmem:s0+$0x20];
	v53 =	vmul.f32 v46, v44;
	v54 =	vmul.f32 v44, v44;
	v6 =	vadd.f32 v50, v6  }
0x22: {  	v56 =	vld [tilespmem:s30+$0x20];
	v4 =	vadd.f32 v51, v4;
	v5 =	vadd.f32 v7, v5;
	v7 =	vmul.f32 v46, v46  }
0x23: {  	v59 =	vld [tilespmem:s0+$0x30];
	v57 =	vmul.f32 v49, v48;
	v58 =	vmul.f32 v48, v48;
	v6 =	vadd.f32 v53, v6  }
0x24: {  	v60 =	vld [tilespmem:s30+$0x30];
	v4 =	vadd.f32 v54, v4;
	v5 =	vadd.f32 v7, v5;
	v7 =	vmul.f32 v49, v49  }
0x25: {  	v13 =	vmul.f32 v52, v52;
	v6 =	vadd.f32 v57, v6;
	v61 =	vmul.f32 v8, v52  }
0x26: {  	v4 =	vadd.f32 v58, v4;
	v5 =	vadd.f32 v7, v5;
	v7 =	vmul.f32 v8, v8  }
0x27: {  	v62 =	vmul.f32 v55, v55;
	v8 =	vmul.f32 v56, v55;
	v6 =	vadd.f32 v61, v6  }
0x28: {  	v4 =	vadd.f32 v13, v4;
	v5 =	vadd.f32 v7, v5;
	v7 =	vmul.f32 v56, v56  }
0x29: {  	v63 =	vmul.f32 v59, v59;
	v6 =	vadd.f32 v8, v6;
	v8 =	vmul.f32 v60, v59  }
0x2a: {  	v4 =	vadd.f32 v62, v4;
	v5 =	vadd.f32 v7, v5;
	v7 =	vmul.f32 v60, v60  }
0x2b: {  	v6 =	vadd.f32 v8, v6  }
0x2c: {  	v4 =	vadd.f32 v63, v4;
	v5 =	vadd.f32 v7, v5  }
.LBB2_73:
0x2d: {  	[tilespmem:$0x10800] =	vst v6  }
0x2e: {  	[tilespmem:$0x10810] =	vst v4  }
0x2f: {  	[tilespmem:$0x10820] =	vst v5  }
.LBB2_74:
0x30: {  	s0 =	scvt.s32.f32 s29  }
0x31: {  	s28 =	sadd.s32 $0x1, s28  }
0x32: {  	p0 =	sne.s32 s28, s7;
	v4 =	vmov s0  }
.Ltmp1:
0x33: {  	[tilespmem:$0x10830] =	vst v4;
	(pc) =	sbr.rel @!p0 .LBB2_75-.Ltmp1, $4  }
0x34: {  	[hbm4b:s6+s4] =	stream.linear.scatter [tilespmem:s26], [sflag:$0x5], $0x80, $0x38;
	[tilespmem:$0x10880] =	vst v63  }
0x35: {  	_ =	swait.ge [sflag:s9], $0x80  }
0x36: {  	[sflag:s9] =	ssyncset.done $0x0  }
0x37: {  	[sflag:s9] =	ssyncadd.s32 $0xFFFFFF80  }
.LBB2_1:
0x38: {  	[tilespmem:s4], [sflag:$0x5] =	stream.linear.gather [hbm4b:s5+s4], $0x400, $0x38;
	[tilespmem:$0x10880] =	vst v63  }
0x39: {  	_ =	swait.ge [sflag:s9], $0x400  }
0x3a: {  	[sflag:s9] =	ssyncset.done $0x0  }
0x3b: {  	s0 =	simm.s32 $0x0;
	[sflag:s9] =	ssyncadd.s32 $0xFFFFFC00  }
.LBB2_2:
0x3c: {  	p0 =	sne.s32 s0, $0xFC0  }
.Ltmp2:
0x3d: {  	_ = 	snop;
	(pc) =	sbr.rel @p0 .LBB2_2-.Ltmp2, $3  }
0x3e: {  	_ =	sdelay $0x1  }
0x3f: {  	s3 =	sshra.s32 s0, $0x2  }
0x40: {  	s0 =	sadd.s32 $0x40, s0;
	[tilespmem:s3+$0x400] =	vst v0  }
0x41: {  	s0 =	simm.s32 $0x0  }
0x42: {  	v4 =	vld [tilespmem:s0+$0x0];
	_ =	sdelay $0x4  }
0x43: {  	vm0 =	vne.s32 v4, $0x0  }
0x44: {  	v4 =	vsel vm0, $0x1, v1  }
0x45: {  	(xrf0) =	vadd.scan.msk.s32 $0xffff, v4;
	_ =	sdelay $0x5  }
0x46: {  	s31 =	simm.s32 $0xFFFFFFFF;
	v4, _, _ =	vpop (xrf0)  }
0x47: {  	v5 =	vadd.s32 s31, v4;
	(v2sf) =	vpush v4, $0xF;
	_ =	sdelay $0x3  }
0x48: {  	v6 =	vor.u32 s8, v2;
	s3 =	simm.s32 $0x0  }
0x49: {  	s30 =	simm.s32 $0x10;
	s29 =	simm.s32 $0x80;
	s0 =	smov.u32 s8;
	[tilespmem:v5+s10+$0x0] =	vst.idx.msk vm0, v6  }
.LBB2_4:
0x4a: {  	p0 =	sne.s32 s29, $0xFC0;
	v4 =	vld [tilespmem:s30+$0x0];
	_ =	sdelay $0x4  }
0x4b: {  	vm0 =	vne.s32 v4, $0x0  }
0x4c: {  	v4 =	vsel vm0, $0x1, v1  }
0x4d: {  	(xrf0) =	vadd.scan.msk.s32 $0xffff, v4;
	_ =	sdelay $0x1  }
0x4e: {  	s30 =	spop (v2sf)  }
0x4f: {  	s3 =	sadd.s32 s3, s30  }
0x50: {  	s30 =	sadd.s32 $0xFFFFFFFF, s3;
	_ =	sdelay $0x1  }
0x51: {  	v4, _, _ =	vpop (xrf0)  }
0x52: {  	v5 =	vadd.s32 s30, v4;
	(v2sf) =	vpush v4, $0xF  }
.Ltmp3:
0x53: {  	(pc) =	sbr.rel @p0 .LBB2_4-.Ltmp3, $4  }
0x54: {  	_ = 	snop  }
0x55: {  	s0 =	sadd.s32 $0x10, s0  }
0x56: {  	v4 =	vor.u32 s0, v2  }
0x57: {  	s30 =	sshra.s32 s29, $0x2;
	s29 =	sadd.s32 $0x40, s29;
	[tilespmem:v5+s10+$0x0] =	vst.idx.msk vm0, v4  }
0x58: {  	v4 =	vld [tilespmem:s30+$0x0];
	_ =	sdelay $0x4  }
0x59: {  	vm0 =	vne.s32 v4, $0x0  }
0x5a: {  	v4 =	vsel vm0, $0x1, v1  }
0x5b: {  	(xrf0) =	vadd.scan.msk.s32 $0xffff, v4;
	_ =	sdelay $0x5  }
0x5c: {  	v4, _, _ =	vpop (xrf0)  }
0x5d: {  	(v2sf) =	vpush v4, $0xF;
	_ =	sdelay $0xd  }
0x5e: {  	s29 =	spop (v2sf)  }
0x5f: {  	s3 =	sadd.s32 s3, s29;
	s29 =	spop (v2sf)  }
0x60: {  	s29 =	sadd.s32 s3, s29  }
0x61: {  	s30 =	sadd.s32 $0xFFFFFFFF, s3;
	s3 =	sadd.s32 $0x7F, s29  }
0x62: {  	v4 =	vadd.s32 s30, v4;
	s30 =	sand.u32 $0x7F, s3  }
0x63: {  	p1 =	slt.s32 s3, $0x1;
	p0 =	sne.s32 s30, $0x0;
	s30 =	sshra.s32 s3, $0x1F  }
0x64: {  	s0 =	sadd.s32 $0x10, s0;
	s30 =	sshrl.u32 s30, $0x19;
	p0 =	por !p1, !p0  }
0x65: {  	s31 =	sadd.s32 s30, s3;
	p0 =	por !p0, !p0;
	s3 =	simm.s32 $0x1  }
0x66: {  	v5 =	vor.u32 s0, v2;
	s0 =	sshra.s32 s31, $0x7;
	s3 =	simm.s32 @!p0 $0x0  }
0x67: {  	s30 =	ssub.s32 s0, s3  }
0x68: {  	p0 =	slt.s32 s30, $0x1  }
.Ltmp4:
0x69: {  	_ = 	snop;
	(pc) =	sbr.rel @p0 .LBB2_74-.Ltmp4, $4  }
0x6a: {  	[tilespmem:v4+s10+$0x0] =	vst.idx.msk vm0, v5  }
0x6b: {  	[tilespmem:$0x10800] =	vst v3  }
0x6c: {  	[tilespmem:$0x10810] =	vst v3  }
0x6d: {  	[tilespmem:$0x10820] =	vst v3  }
0x6e: {  	[tilespmem:s13], [sflag:$0x1] =	stream.indirect.gather [hbm4b:s1+s12], $0x80, s10, s12, $0xb8;
	[tilespmem:$0x10880] =	vst v63  }
0x6f: {  	p1 =	seq.s32 s30, $0x1  }
0x70: {  	[tilespmem:s14], [sflag:$0x2] =	stream.indirect.gather [hbm4b:s2+s12], $0x80, s10, s12, $0xb8;
	[tilespmem:$0x10880] =	vst v63  }
0x71: {  	s0 =	simm.s32 @!p1 $0x80;
	s3 =	simm.s32 @!p1 $0x480;
	s31 =	simm.s32 @!p1 $0x8800  }
0x72: {  	[tilespmem:s31], [sflag:$0x3] =	stream.indirect.gather @!p1 [hbm4b:s1+s0], $0x80, s3, s0, $0xb8;
	[tilespmem:$0x10880] =	vst v63  }
0x73: {  	s31 =	simm.s32 @!p1 $0xC800  }
0x74: {  	[tilespmem:s31], [sflag:$0x4] =	stream.indirect.gather @!p1 [hbm4b:s2+s0], $0x80, s3, s0, $0xb8;
	[tilespmem:$0x10880] =	vst v63  }
0x75: {  	_ =	swait.ge [sflag:s11], $0x4000  }
0x76: {  	[sflag:s11] =	ssyncset.done $0x0  }
0x77: {  	[sflag:s11] =	ssyncadd.s32 $0xFFFFC000  }
0x78: {  	p0 =	slt.s32 s29, $0x1;
	_ =	swait.ge [sflag:s15], $0x4000  }
.Ltmp5:
0x79: {  	[sflag:s15] =	ssyncset.done $0x0;
	(pc) =	sbr.rel @p0 .LBB2_12-.Ltmp5, $4  }
0x7a: {  	[sflag:s15] =	ssyncadd.s32 $0xFFFFC000  }
0x7b: {  	v6 =	vld [tilespmem:$0x10800]  }
0x7c: {  	v4 =	vld [tilespmem:$0x10810]  }
0x7d: {  	v5 =	vld [tilespmem:$0x10820]  }
0x7e: {  	s3 =	smin.u32 s29, $0x80  }
0x7f: {  	p2 =	sne.s32 s3, $0x1  }
.Ltmp6:
0x80: {  	_ = 	snop;
	(pc) =	sbr.rel @!p2 .LBB2_8-.Ltmp6, $4  }
0x81: {  	s0 =	simm.s32 $0x840  }
0x82: {  	s31 =	simm.s32 $0x4840;
	v8 =	vld [tilespmem:s0+$0xFFFFFFC0]  }
0x83: {  	v9 =	vld [tilespmem:s31+$0xFFFFFFC0]  }
0x84: {  	p0 =	por $0x0, $0x0;
	v7 =	vld [tilespmem:s0+$0xFFFFFFD0];
	s3 =	sadd.s32 $0xFFFFFFFF, s3  }
0x85: {  	v10 =	vld [tilespmem:s31+$0xFFFFFFD0]  }
0x86: {  	v11 =	vld [tilespmem:s0+$0xFFFFFFE0]  }
0x87: {  	v12 =	vld [tilespmem:s31+$0xFFFFFFE0]  }
0x88: {  	v14 =	vld [tilespmem:s0+$0xFFFFFFF0];
	v13 =	vmul.f32 v9, v8  }
0x89: {  	v15 =	vld [tilespmem:s31+$0xFFFFFFF0];
	v8 =	vmul.f32 v8, v8;
	v9 =	vmul.f32 v9, v9  }
0x8a: {  	v17 =	vld [tilespmem:s0+$0x0];
	v13 =	vadd.f32 v13, v6;
	v16 =	vmul.f32 v10, v7;
	v7 =	vmul.f32 v7, v7  }
0x8b: {  	v18 =	vld [tilespmem:s31+$0x0];
	v8 =	vadd.f32 v8, v4;
	v9 =	vadd.f32 v9, v5;
	v10 =	vmul.f32 v10, v10  }
0x8c: {  	v19 =	vld [tilespmem:s0+$0x10];
	v13 =	vadd.f32 v16, v13;
	v16 =	vmul.f32 v12, v11;
	v11 =	vmul.f32 v11, v11  }
0x8d: {  	v20 =	vld [tilespmem:s31+$0x10];
	v7 =	vadd.f32 v7, v8;
	v8 =	vadd.f32 v10, v9;
	v9 =	vmul.f32 v12, v12  }
0x8e: {  	v21 =	vld [tilespmem:s0+$0x20];
	v12 =	vadd.f32 v16, v13;
	v13 =	vmul.f32 v15, v14;
	v14 =	vmul.f32 v14, v14  }
0x8f: {  	p2 =	sne.s32 s3, $0x1;
	v10 =	vld [tilespmem:s31+$0x20];
	v7 =	vadd.f32 v11, v7;
	v8 =	vadd.f32 v9, v8;
	v9 =	vmul.f32 v15, v15  }
.Ltmp7:
0x90: {  	v15 =	vmul.f32 v18, v17;
	v16 =	vmul.f32 v17, v17;
	v11 =	vld [tilespmem:s0+$0x30];
	v13 =	vadd.f32 v13, v12;
	(pc) =	sbr.rel @!p2 .LBB2_11-.Ltmp7, $4  }
0x91: {  	v18 =	vmul.f32 v18, v18;
	s0 =	simm.s32 $0x8C0;
	v7 =	vadd.f32 v14, v7;
	v17 =	vadd.f32 v9, v8;
	v12 =	vld [tilespmem:s31+$0x30]  }
0x92: {  	v23 =	vmul.f32 v20, v19;
	v8 =	vld [tilespmem:s0+$0xFFFFFFC0];
	s31 =	simm.s32 $0x48C0;
	v22 =	vadd.f32 v15, v13;
	v13 =	vmul.f32 v19, v19  }
0x93: {  	v9 =	vld [tilespmem:s31+$0xFFFFFFC0];
	v14 =	vadd.f32 v16, v7;
	v15 =	vadd.f32 v18, v17;
	v16 =	vmul.f32 v20, v20  }
0x94: {  	s3 =	sadd.s32 $0xFFFFFFFF, s3;
	p0 =	por $0x1, $0x1;
	v7 =	vld [tilespmem:s0+$0xFFFFFFD0];
	v19 =	vmul.f32 v10, v21;
	v18 =	vmul.f32 v21, v21;
	v17 =	vadd.f32 v23, v22  }
.LBB2_10:
0x95: {  	p2 =	sne.s32 s3, $0x1;
	v20 =	vld [tilespmem:s31+$0xFFFFFFD0];
	v13 =	vadd.f32 v13, v14;
	v14 =	vadd.f32 v16, v15;
	v10 =	vmul.f32 v10, v10  }
0x96: {  	v15 =	vld [tilespmem:s0+$0xFFFFFFE0];
	v16 =	vadd.f32 v19, v17;
	v17 =	vmul.f32 v12, v11;
	v11 =	vmul.f32 v11, v11  }
0x97: {  	v12 =	vmul.f32 v12, v12;
	v19 =	vld [tilespmem:s31+$0xFFFFFFE0];
	v13 =	vadd.f32 v18, v13;
	v10 =	vadd.f32 v10, v14  }
0x98: {  	v14 =	vmul.f32 v9, v8;
	v8 =	vmul.f32 v8, v8;
	v18 =	vld [tilespmem:s0+$0xFFFFFFF0];
	v16 =	vadd.f32 v17, v16  }
0x99: {  	v9 =	vmul.f32 v9, v9;
	v17 =	vld [tilespmem:s31+$0xFFFFFFF0];
	v11 =	vadd.f32 v11, v13;
	v10 =	vadd.f32 v12, v10  }
0x9a: {  	v12 =	vadd.f32 v14, v16;
	v13 =	vmul.f32 v20, v7;
	v7 =	vmul.f32 v7, v7;
	v14 =	vld [tilespmem:s0+$0x0]  }
0x9b: {  	v8 =	vadd.f32 v8, v11;
	v9 =	vadd.f32 v9, v10;
	v10 =	vmul.f32 v20, v20;
	v16 =	vld [tilespmem:s31+$0x0]  }
0x9c: {  	v11 =	vadd.f32 v13, v12;
	v12 =	vmul.f32 v19, v15;
	v13 =	vmul.f32 v15, v15;
	v15 =	vld [tilespmem:s0+$0x10]  }
0x9d: {  	v7 =	vadd.f32 v7, v8;
	v8 =	vadd.f32 v10, v9;
	v9 =	vmul.f32 v19, v19;
	v19 =	vld [tilespmem:s31+$0x10]  }
0x9e: {  	v11 =	vadd.f32 v12, v11;
	v12 =	vmul.f32 v17, v18;
	v18 =	vmul.f32 v18, v18;
	v20 =	vld [tilespmem:s0+$0x20]  }
0x9f: {  	v7 =	vadd.f32 v13, v7;
	v8 =	vadd.f32 v9, v8;
	v9 =	vmul.f32 v17, v17;
	v10 =	vld [tilespmem:s31+$0x20]  }
.Ltmp8:
0xa0: {  	v13 =	vadd.f32 v12, v11;
	v17 =	vmul.f32 v16, v14;
	v14 =	vmul.f32 v14, v14;
	v11 =	vld [tilespmem:s0+$0x30];
	(pc) =	sbr.rel @p2 .LBB2_10-.Ltmp8, $4  }
0xa1: {  	v16 =	vmul.f32 v16, v16;
	s0 =	sadd.s32 $0x80, s0;
	v7 =	vadd.f32 v18, v7;
	v18 =	vadd.f32 v9, v8;
	v12 =	vld [tilespmem:s31+$0x30]  }
0xa2: {  	s31 =	sadd.s32 $0x80, s31;
	v8 =	vld [tilespmem:s0+$0xFFFFFFC0];
	v17 =	vadd.f32 v17, v13;
	v21 =	vmul.f32 v19, v15;
	v13 =	vmul.f32 v15, v15  }
0xa3: {  	v9 =	vld [tilespmem:s31+$0xFFFFFFC0];
	v14 =	vadd.f32 v14, v7;
	v15 =	vadd.f32 v16, v18;
	v16 =	vmul.f32 v19, v19  }
0xa4: {  	s3 =	sadd.s32 $0xFFFFFFFF, s3;
	v18 =	vmul.f32 v20, v20;
	v7 =	vld [tilespmem:s0+$0xFFFFFFD0];
	v17 =	vadd.f32 v21, v17;
	v19 =	vmul.f32 v10, v20  }
.LBB2_11:
0xa5: {  	v13 =	vadd.f32 @p0 v13, v14;
	v14 =	vadd.f32 @p0 v16, v15;
	v40 =	vld [tilespmem:s31+$0xFFFFFFD0];
	v10 =	vmul.f32 @p0 v10, v10  }
0xa6: {  	v16 =	vadd.f32 @p0 v19, v17;
	v17 =	vmul.f32 @p0 v12, v11;
	v11 =	vmul.f32 @p0 v11, v11  }
0xa7: {  	v41 =	vld [tilespmem:s0+$0xFFFFFFE0];
	v12 =	vmul.f32 @p0 v12, v12;
	v13 =	vadd.f32 @p0 v18, v13;
	v10 =	vadd.f32 @p0 v10, v14  }
0xa8: {  	v42 =	vld [tilespmem:s31+$0xFFFFFFE0];
	v14 =	vadd.f32 @p0 v17, v16;
	v43 =	vmul.f32 v9, v8;
	v8 =	vmul.f32 v8, v8  }
0xa9: {  	v44 =	vld [tilespmem:s0+$0xFFFFFFF0];
	v45 =	vmul.f32 v9, v9;
	v11 =	vadd.f32 @p0 v11, v13;
	v10 =	vadd.f32 @p0 v12, v10  }
0xaa: {  	v46 =	vld [tilespmem:s31+$0xFFFFFFF0];
	v6 =	vpsel p0, v14, v6;
	v47 =	vmul.f32 v40, v7;
	v7 =	vmul.f32 v7, v7  }
0xab: {  	v48 =	vld [tilespmem:s0+$0x0];
	v6 =	vadd.f32 v43, v6;
	v4 =	vpsel p0, v11, v4;
	v5 =	vpsel p0, v10, v5  }
0xac: {  	v49 =	vld [tilespmem:s31+$0x0];
	v4 =	vadd.f32 v8, v4;
	v5 =	vadd.f32 v45, v5;
	v8 =	vmul.f32 v40, v40  }
0xad: {  	v52 =	vld [tilespmem:s0+$0x10];
	v50 =	vmul.f32 v42, v41;
	v51 =	vmul.f32 v41, v41;
	v6 =	vadd.f32 v47, v6  }
0xae: {  	v4 =	vadd.f32 v7, v4;
	v5 =	vadd.f32 v8, v5;
	v7 =	vmul.f32 v42, v42;
	v8 =	vld [tilespmem:s31+$0x10]  }
0xaf: {  	v55 =	vld [tilespmem:s0+$0x20];
	v53 =	vmul.f32 v46, v44;
	v54 =	vmul.f32 v44, v44;
	v6 =	vadd.f32 v50, v6  }
0xb0: {  	v56 =	vld [tilespmem:s31+$0x20];
	v4 =	vadd.f32 v51, v4;
	v5 =	vadd.f32 v7, v5;
	v7 =	vmul.f32 v46, v46  }
0xb1: {  	v59 =	vld [tilespmem:s0+$0x30];
	v57 =	vmul.f32 v49, v48;
	v58 =	vmul.f32 v48, v48;
	v6 =	vadd.f32 v53, v6  }
0xb2: {  	v60 =	vld [tilespmem:s31+$0x30];
	v4 =	vadd.f32 v54, v4;
	v5 =	vadd.f32 v7, v5;
	v7 =	vmul.f32 v49, v49  }
0xb3: {  	v13 =	vmul.f32 v52, v52;
	v6 =	vadd.f32 v57, v6;
	v61 =	vmul.f32 v8, v52  }
0xb4: {  	v4 =	vadd.f32 v58, v4;
	v5 =	vadd.f32 v7, v5;
	v7 =	vmul.f32 v8, v8  }
0xb5: {  	v62 =	vmul.f32 v55, v55;
	v8 =	vmul.f32 v56, v55;
	v6 =	vadd.f32 v61, v6  }
0xb6: {  	v4 =	vadd.f32 v13, v4;
	v5 =	vadd.f32 v7, v5;
	v7 =	vmul.f32 v56, v56  }
0xb7: {  	v63 =	vmul.f32 v59, v59;
	v6 =	vadd.f32 v8, v6;
	v8 =	vmul.f32 v60, v59  }
0xb8: {  	v4 =	vadd.f32 v62, v4;
	v5 =	vadd.f32 v7, v5;
	v7 =	vmul.f32 v60, v60  }
0xb9: {  	v6 =	vadd.f32 v8, v6  }
0xba: {  	v4 =	vadd.f32 v63, v4;
	v5 =	vadd.f32 v7, v5  }
.LBB2_12:
0xbb: {  	p0 =	slt.u32 s30, $0x3  }
.Ltmp9:
0xbc: {  	_ = 	snop;
	(pc) =	sbr.rel @p0 .LBB2_14-.Ltmp9, $4  }
0xbd: {  	_ = 	snop  }
0xbe: {  	[tilespmem:$0x10800] =	vst v6  }
0xbf: {  	[tilespmem:$0x10810] =	vst v4  }
0xc0: {  	[tilespmem:$0x10820] =	vst v5  }
.Ltmp10:
0xc1: {  	(pc) =	sbr.rel .LBB2_15-.Ltmp10, $4  }
0xc2: {  	_ = 	snop  }
0xc3: {  	[tilespmem:s13], [sflag:$0x1] =	stream.indirect.gather [hbm4b:s1+s12], $0x80, s16, s12, $0xb8;
	[tilespmem:$0x10880] =	vst v63  }
0xc4: {  	_ = 	snop  }
0xc5: {  	[tilespmem:s14], [sflag:$0x2] =	stream.indirect.gather [hbm4b:s2+s12], $0x80, s16, s12, $0xb8;
	[tilespmem:$0x10880] =	vst v63  }
.LBB2_14:
.Ltmp11:
0xc6: {  	(pc) =	sbr.rel @p1 .LBB2_74-.Ltmp11, $1  }
0xc7: {  	_ =	sdelay $0x3  }
.LBB2_15:
0xc8: {  	_ =	swait.ge [sflag:s17], $0x4000  }
0xc9: {  	[sflag:s17] =	ssyncset.done $0x0  }
0xca: {  	s3 =	sadd.s32 $0xFFFFFF80, s29;
	[sflag:s17] =	ssyncadd.s32 $0xFFFFC000  }
0xcb: {  	p1 =	slt.s32 s3, $0x1;
	_ =	swait.ge [sflag:s18], $0x4000  }
.Ltmp12:
0xcc: {  	[sflag:s18] =	ssyncset.done $0x0;
	(pc) =	sbr.rel @p1 .LBB2_21-.Ltmp12, $4  }
0xcd: {  	[sflag:s18] =	ssyncadd.s32 $0xFFFFC000  }
0xce: {  	v6 =	vld [tilespmem:$0x10800]  }
0xcf: {  	v4 =	vld [tilespmem:$0x10810]  }
0xd0: {  	v5 =	vld [tilespmem:$0x10820]  }
0xd1: {  	s3 =	smin.u32 s3, $0x80  }
0xd2: {  	p2 =	sne.s32 s3, $0x1  }
.Ltmp13:
0xd3: {  	_ = 	snop;
	(pc) =	sbr.rel @!p2 .LBB2_17-.Ltmp13, $4  }
0xd4: {  	s0 =	simm.s32 $0x8840  }
0xd5: {  	s31 =	simm.s32 $0xC840;
	v8 =	vld [tilespmem:s0+$0xFFFFFFC0]  }
0xd6: {  	v9 =	vld [tilespmem:s31+$0xFFFFFFC0]  }
0xd7: {  	p1 =	por $0x0, $0x0;
	v7 =	vld [tilespmem:s0+$0xFFFFFFD0];
	s3 =	sadd.s32 $0xFFFFFFFF, s3  }
0xd8: {  	v10 =	vld [tilespmem:s31+$0xFFFFFFD0]  }
0xd9: {  	v11 =	vld [tilespmem:s0+$0xFFFFFFE0]  }
0xda: {  	v12 =	vld [tilespmem:s31+$0xFFFFFFE0]  }
0xdb: {  	v14 =	vld [tilespmem:s0+$0xFFFFFFF0];
	v13 =	vmul.f32 v9, v8  }
0xdc: {  	v15 =	vld [tilespmem:s31+$0xFFFFFFF0];
	v8 =	vmul.f32 v8, v8;
	v9 =	vmul.f32 v9, v9  }
0xdd: {  	v17 =	vld [tilespmem:s0+$0x0];
	v13 =	vadd.f32 v13, v6;
	v16 =	vmul.f32 v10, v7;
	v7 =	vmul.f32 v7, v7  }
0xde: {  	v18 =	vld [tilespmem:s31+$0x0];
	v8 =	vadd.f32 v8, v4;
	v9 =	vadd.f32 v9, v5;
	v10 =	vmul.f32 v10, v10  }
0xdf: {  	v19 =	vld [tilespmem:s0+$0x10];
	v13 =	vadd.f32 v16, v13;
	v16 =	vmul.f32 v12, v11;
	v11 =	vmul.f32 v11, v11  }
0xe0: {  	v20 =	vld [tilespmem:s31+$0x10];
	v7 =	vadd.f32 v7, v8;
	v8 =	vadd.f32 v10, v9;
	v9 =	vmul.f32 v12, v12  }
0xe1: {  	v21 =	vld [tilespmem:s0+$0x20];
	v12 =	vadd.f32 v16, v13;
	v13 =	vmul.f32 v15, v14;
	v14 =	vmul.f32 v14, v14  }
0xe2: {  	p2 =	sne.s32 s3, $0x1;
	v10 =	vld [tilespmem:s31+$0x20];
	v7 =	vadd.f32 v11, v7;
	v8 =	vadd.f32 v9, v8;
	v9 =	vmul.f32 v15, v15  }
.Ltmp14:
0xe3: {  	v15 =	vmul.f32 v18, v17;
	v16 =	vmul.f32 v17, v17;
	v11 =	vld [tilespmem:s0+$0x30];
	v13 =	vadd.f32 v13, v12;
	(pc) =	sbr.rel @!p2 .LBB2_20-.Ltmp14, $4  }
0xe4: {  	v18 =	vmul.f32 v18, v18;
	s0 =	simm.s32 $0x88C0;
	v7 =	vadd.f32 v14, v7;
	v17 =	vadd.f32 v9, v8;
	v12 =	vld [tilespmem:s31+$0x30]  }
0xe5: {  	v23 =	vmul.f32 v20, v19;
	v8 =	vld [tilespmem:s0+$0xFFFFFFC0];
	s31 =	simm.s32 $0xC8C0;
	v22 =	vadd.f32 v15, v13;
	v13 =	vmul.f32 v19, v19  }
0xe6: {  	v9 =	vld [tilespmem:s31+$0xFFFFFFC0];
	v14 =	vadd.f32 v16, v7;
	v15 =	vadd.f32 v18, v17;
	v16 =	vmul.f32 v20, v20  }
0xe7: {  	s3 =	sadd.s32 $0xFFFFFFFF, s3;
	p1 =	por $0x1, $0x1;
	v7 =	vld [tilespmem:s0+$0xFFFFFFD0];
	v19 =	vmul.f32 v10, v21;
	v18 =	vmul.f32 v21, v21;
	v17 =	vadd.f32 v23, v22  }
.LBB2_19:
0xe8: {  	p2 =	sne.s32 s3, $0x1;
	v20 =	vld [tilespmem:s31+$0xFFFFFFD0];
	v13 =	vadd.f32 v13, v14;
	v14 =	vadd.f32 v16, v15;
	v10 =	vmul.f32 v10, v10  }
0xe9: {  	v15 =	vld [tilespmem:s0+$0xFFFFFFE0];
	v16 =	vadd.f32 v19, v17;
	v17 =	vmul.f32 v12, v11;
	v11 =	vmul.f32 v11, v11  }
0xea: {  	v12 =	vmul.f32 v12, v12;
	v19 =	vld [tilespmem:s31+$0xFFFFFFE0];
	v13 =	vadd.f32 v18, v13;
	v10 =	vadd.f32 v10, v14  }
0xeb: {  	v14 =	vmul.f32 v9, v8;
	v8 =	vmul.f32 v8, v8;
	v18 =	vld [tilespmem:s0+$0xFFFFFFF0];
	v16 =	vadd.f32 v17, v16  }
0xec: {  	v9 =	vmul.f32 v9, v9;
	v17 =	vld [tilespmem:s31+$0xFFFFFFF0];
	v11 =	vadd.f32 v11, v13;
	v10 =	vadd.f32 v12, v10  }
0xed: {  	v12 =	vadd.f32 v14, v16;
	v13 =	vmul.f32 v20, v7;
	v7 =	vmul.f32 v7, v7;
	v14 =	vld [tilespmem:s0+$0x0]  }
0xee: {  	v8 =	vadd.f32 v8, v11;
	v9 =	vadd.f32 v9, v10;
	v10 =	vmul.f32 v20, v20;
	v16 =	vld [tilespmem:s31+$0x0]  }
0xef: {  	v11 =	vadd.f32 v13, v12;
	v12 =	vmul.f32 v19, v15;
	v13 =	vmul.f32 v15, v15;
	v15 =	vld [tilespmem:s0+$0x10]  }
0xf0: {  	v7 =	vadd.f32 v7, v8;
	v8 =	vadd.f32 v10, v9;
	v9 =	vmul.f32 v19, v19;
	v19 =	vld [tilespmem:s31+$0x10]  }
0xf1: {  	v11 =	vadd.f32 v12, v11;
	v12 =	vmul.f32 v17, v18;
	v18 =	vmul.f32 v18, v18;
	v20 =	vld [tilespmem:s0+$0x20]  }
0xf2: {  	v7 =	vadd.f32 v13, v7;
	v8 =	vadd.f32 v9, v8;
	v9 =	vmul.f32 v17, v17;
	v10 =	vld [tilespmem:s31+$0x20]  }
.Ltmp15:
0xf3: {  	v13 =	vadd.f32 v12, v11;
	v17 =	vmul.f32 v16, v14;
	v14 =	vmul.f32 v14, v14;
	v11 =	vld [tilespmem:s0+$0x30];
	(pc) =	sbr.rel @p2 .LBB2_19-.Ltmp15, $4  }
0xf4: {  	v16 =	vmul.f32 v16, v16;
	s0 =	sadd.s32 $0x80, s0;
	v7 =	vadd.f32 v18, v7;
	v18 =	vadd.f32 v9, v8;
	v12 =	vld [tilespmem:s31+$0x30]  }
0xf5: {  	s31 =	sadd.s32 $0x80, s31;
	v8 =	vld [tilespmem:s0+$0xFFFFFFC0];
	v17 =	vadd.f32 v17, v13;
	v21 =	vmul.f32 v19, v15;
	v13 =	vmul.f32 v15, v15  }
0xf6: {  	v9 =	vld [tilespmem:s31+$0xFFFFFFC0];
	v14 =	vadd.f32 v14, v7;
	v15 =	vadd.f32 v16, v18;
	v16 =	vmul.f32 v19, v19  }
0xf7: {  	s3 =	sadd.s32 $0xFFFFFFFF, s3;
	v18 =	vmul.f32 v20, v20;
	v7 =	vld [tilespmem:s0+$0xFFFFFFD0];
	v17 =	vadd.f32 v21, v17;
	v19 =	vmul.f32 v10, v20  }
.LBB2_20:
0xf8: {  	v13 =	vadd.f32 @p1 v13, v14;
	v14 =	vadd.f32 @p1 v16, v15;
	v40 =	vld [tilespmem:s31+$0xFFFFFFD0];
	v10 =	vmul.f32 @p1 v10, v10  }
0xf9: {  	v16 =	vadd.f32 @p1 v19, v17;
	v17 =	vmul.f32 @p1 v12, v11;
	v11 =	vmul.f32 @p1 v11, v11  }
0xfa: {  	v41 =	vld [tilespmem:s0+$0xFFFFFFE0];
	v12 =	vmul.f32 @p1 v12, v12;
	v13 =	vadd.f32 @p1 v18, v13;
	v10 =	vadd.f32 @p1 v10, v14  }
0xfb: {  	v42 =	vld [tilespmem:s31+$0xFFFFFFE0];
	v14 =	vadd.f32 @p1 v17, v16;
	v43 =	vmul.f32 v9, v8;
	v8 =	vmul.f32 v8, v8  }
0xfc: {  	v44 =	vld [tilespmem:s0+$0xFFFFFFF0];
	v45 =	vmul.f32 v9, v9;
	v11 =	vadd.f32 @p1 v11, v13;
	v10 =	vadd.f32 @p1 v12, v10  }
0xfd: {  	v46 =	vld [tilespmem:s31+$0xFFFFFFF0];
	v6 =	vpsel p1, v14, v6;
	v47 =	vmul.f32 v40, v7;
	v7 =	vmul.f32 v7, v7  }
0xfe: {  	v48 =	vld [tilespmem:s0+$0x0];
	v6 =	vadd.f32 v43, v6;
	v4 =	vpsel p1, v11, v4;
	v5 =	vpsel p1, v10, v5  }
0xff: {  	v49 =	vld [tilespmem:s31+$0x0];
	v4 =	vadd.f32 v8, v4;
	v5 =	vadd.f32 v45, v5;
	v8 =	vmul.f32 v40, v40  }
0x100: {  	v52 =	vld [tilespmem:s0+$0x10];
	v50 =	vmul.f32 v42, v41;
	v51 =	vmul.f32 v41, v41;
	v6 =	vadd.f32 v47, v6  }
0x101: {  	v4 =	vadd.f32 v7, v4;
	v5 =	vadd.f32 v8, v5;
	v7 =	vmul.f32 v42, v42;
	v8 =	vld [tilespmem:s31+$0x10]  }
0x102: {  	v55 =	vld [tilespmem:s0+$0x20];
	v53 =	vmul.f32 v46, v44;
	v54 =	vmul.f32 v44, v44;
	v6 =	vadd.f32 v50, v6  }
0x103: {  	v56 =	vld [tilespmem:s31+$0x20];
	v4 =	vadd.f32 v51, v4;
	v5 =	vadd.f32 v7, v5;
	v7 =	vmul.f32 v46, v46  }
0x104: {  	v59 =	vld [tilespmem:s0+$0x30];
	v57 =	vmul.f32 v49, v48;
	v58 =	vmul.f32 v48, v48;
	v6 =	vadd.f32 v53, v6  }
0x105: {  	v60 =	vld [tilespmem:s31+$0x30];
	v4 =	vadd.f32 v54, v4;
	v5 =	vadd.f32 v7, v5;
	v7 =	vmul.f32 v49, v49  }
0x106: {  	v13 =	vmul.f32 v52, v52;
	v6 =	vadd.f32 v57, v6;
	v61 =	vmul.f32 v8, v52  }
0x107: {  	v4 =	vadd.f32 v58, v4;
	v5 =	vadd.f32 v7, v5;
	v7 =	vmul.f32 v8, v8  }
0x108: {  	v62 =	vmul.f32 v55, v55;
	v8 =	vmul.f32 v56, v55;
	v6 =	vadd.f32 v61, v6  }
0x109: {  	v4 =	vadd.f32 v13, v4;
	v5 =	vadd.f32 v7, v5;
	v7 =	vmul.f32 v56, v56  }
0x10a: {  	v63 =	vmul.f32 v59, v59;
	v6 =	vadd.f32 v8, v6;
	v8 =	vmul.f32 v60, v59  }
0x10b: {  	v4 =	vadd.f32 v62, v4;
	v5 =	vadd.f32 v7, v5;
	v7 =	vmul.f32 v60, v60  }
0x10c: {  	v6 =	vadd.f32 v8, v6  }
0x10d: {  	v4 =	vadd.f32 v63, v4;
	v5 =	vadd.f32 v7, v5  }
.LBB2_21:
0x10e: {  	p1 =	slt.u32 s30, $0x4  }
.Ltmp16:
0x10f: {  	_ = 	snop;
	(pc) =	sbr.rel @p1 .LBB2_23-.Ltmp16, $4  }
0x110: {  	_ = 	snop  }
0x111: {  	[tilespmem:$0x10800] =	vst v6  }
0x112: {  	[tilespmem:$0x10810] =	vst v4  }
0x113: {  	[tilespmem:$0x10820] =	vst v5  }
.Ltmp17:
0x114: {  	(pc) =	sbr.rel .LBB2_24-.Ltmp17, $4  }
0x115: {  	_ = 	snop  }
0x116: {  	[tilespmem:s20], [sflag:$0x3] =	stream.indirect.gather [hbm4b:s1+s12], $0x80, s19, s12, $0xb8;
	[tilespmem:$0x10880] =	vst v63  }
0x117: {  	_ = 	snop  }
0x118: {  	[tilespmem:s21], [sflag:$0x4] =	stream.indirect.gather [hbm4b:s2+s12], $0x80, s19, s12, $0xb8;
	[tilespmem:$0x10880] =	vst v63  }
.LBB2_23:
.Ltmp18:
0x119: {  	(pc) =	sbr.rel @p0 .LBB2_74-.Ltmp18, $1  }
0x11a: {  	_ =	sdelay $0x3  }
.LBB2_24:
0x11b: {  	_ =	swait.ge [sflag:s11], $0x4000  }
0x11c: {  	[sflag:s11] =	ssyncset.done $0x0  }
0x11d: {  	s3 =	sadd.s32 $0xFFFFFF00, s29;
	[sflag:s11] =	ssyncadd.s32 $0xFFFFC000  }
0x11e: {  	p0 =	slt.s32 s3, $0x1;
	_ =	swait.ge [sflag:s15], $0x4000  }
.Ltmp19:
0x11f: {  	[sflag:s15] =	ssyncset.done $0x0;
	(pc) =	sbr.rel @p0 .LBB2_30-.Ltmp19, $4  }
0x120: {  	[sflag:s15] =	ssyncadd.s32 $0xFFFFC000  }
0x121: {  	v6 =	vld [tilespmem:$0x10800]  }
0x122: {  	v4 =	vld [tilespmem:$0x10810]  }
0x123: {  	v5 =	vld [tilespmem:$0x10820]  }
0x124: {  	s3 =	smin.u32 s3, $0x80  }
0x125: {  	p2 =	sne.s32 s3, $0x1  }
.Ltmp20:
0x126: {  	_ = 	snop;
	(pc) =	sbr.rel @!p2 .LBB2_26-.Ltmp20, $4  }
0x127: {  	s0 =	simm.s32 $0x840  }
0x128: {  	s31 =	simm.s32 $0x4840;
	v8 =	vld [tilespmem:s0+$0xFFFFFFC0]  }
0x129: {  	v9 =	vld [tilespmem:s31+$0xFFFFFFC0]  }
0x12a: {  	p0 =	por $0x0, $0x0;
	v7 =	vld [tilespmem:s0+$0xFFFFFFD0];
	s3 =	sadd.s32 $0xFFFFFFFF, s3  }
0x12b: {  	v10 =	vld [tilespmem:s31+$0xFFFFFFD0]  }
0x12c: {  	v11 =	vld [tilespmem:s0+$0xFFFFFFE0]  }
0x12d: {  	v12 =	vld [tilespmem:s31+$0xFFFFFFE0]  }
0x12e: {  	v14 =	vld [tilespmem:s0+$0xFFFFFFF0];
	v13 =	vmul.f32 v9, v8  }
0x12f: {  	v15 =	vld [tilespmem:s31+$0xFFFFFFF0];
	v8 =	vmul.f32 v8, v8;
	v9 =	vmul.f32 v9, v9  }
0x130: {  	v17 =	vld [tilespmem:s0+$0x0];
	v13 =	vadd.f32 v13, v6;
	v16 =	vmul.f32 v10, v7;
	v7 =	vmul.f32 v7, v7  }
0x131: {  	v18 =	vld [tilespmem:s31+$0x0];
	v8 =	vadd.f32 v8, v4;
	v9 =	vadd.f32 v9, v5;
	v10 =	vmul.f32 v10, v10  }
0x132: {  	v19 =	vld [tilespmem:s0+$0x10];
	v13 =	vadd.f32 v16, v13;
	v16 =	vmul.f32 v12, v11;
	v11 =	vmul.f32 v11, v11  }
0x133: {  	v20 =	vld [tilespmem:s31+$0x10];
	v7 =	vadd.f32 v7, v8;
	v8 =	vadd.f32 v10, v9;
	v9 =	vmul.f32 v12, v12  }
0x134: {  	v21 =	vld [tilespmem:s0+$0x20];
	v12 =	vadd.f32 v16, v13;
	v13 =	vmul.f32 v15, v14;
	v14 =	vmul.f32 v14, v14  }
0x135: {  	p2 =	sne.s32 s3, $0x1;
	v10 =	vld [tilespmem:s31+$0x20];
	v7 =	vadd.f32 v11, v7;
	v8 =	vadd.f32 v9, v8;
	v9 =	vmul.f32 v15, v15  }
.Ltmp21:
0x136: {  	v15 =	vmul.f32 v18, v17;
	v16 =	vmul.f32 v17, v17;
	v11 =	vld [tilespmem:s0+$0x30];
	v13 =	vadd.f32 v13, v12;
	(pc) =	sbr.rel @!p2 .LBB2_29-.Ltmp21, $4  }
0x137: {  	v18 =	vmul.f32 v18, v18;
	s0 =	simm.s32 $0x8C0;
	v7 =	vadd.f32 v14, v7;
	v17 =	vadd.f32 v9, v8;
	v12 =	vld [tilespmem:s31+$0x30]  }
0x138: {  	v23 =	vmul.f32 v20, v19;
	v8 =	vld [tilespmem:s0+$0xFFFFFFC0];
	s31 =	simm.s32 $0x48C0;
	v22 =	vadd.f32 v15, v13;
	v13 =	vmul.f32 v19, v19  }
0x139: {  	v9 =	vld [tilespmem:s31+$0xFFFFFFC0];
	v14 =	vadd.f32 v16, v7;
	v15 =	vadd.f32 v18, v17;
	v16 =	vmul.f32 v20, v20  }
0x13a: {  	s3 =	sadd.s32 $0xFFFFFFFF, s3;
	p0 =	por $0x1, $0x1;
	v7 =	vld [tilespmem:s0+$0xFFFFFFD0];
	v19 =	vmul.f32 v10, v21;
	v18 =	vmul.f32 v21, v21;
	v17 =	vadd.f32 v23, v22  }
.LBB2_28:
0x13b: {  	p2 =	sne.s32 s3, $0x1;
	v20 =	vld [tilespmem:s31+$0xFFFFFFD0];
	v13 =	vadd.f32 v13, v14;
	v14 =	vadd.f32 v16, v15;
	v10 =	vmul.f32 v10, v10  }
0x13c: {  	v15 =	vld [tilespmem:s0+$0xFFFFFFE0];
	v16 =	vadd.f32 v19, v17;
	v17 =	vmul.f32 v12, v11;
	v11 =	vmul.f32 v11, v11  }
0x13d: {  	v12 =	vmul.f32 v12, v12;
	v19 =	vld [tilespmem:s31+$0xFFFFFFE0];
	v13 =	vadd.f32 v18, v13;
	v10 =	vadd.f32 v10, v14  }
0x13e: {  	v14 =	vmul.f32 v9, v8;
	v8 =	vmul.f32 v8, v8;
	v18 =	vld [tilespmem:s0+$0xFFFFFFF0];
	v16 =	vadd.f32 v17, v16  }
0x13f: {  	v9 =	vmul.f32 v9, v9;
	v17 =	vld [tilespmem:s31+$0xFFFFFFF0];
	v11 =	vadd.f32 v11, v13;
	v10 =	vadd.f32 v12, v10  }
0x140: {  	v12 =	vadd.f32 v14, v16;
	v13 =	vmul.f32 v20, v7;
	v7 =	vmul.f32 v7, v7;
	v14 =	vld [tilespmem:s0+$0x0]  }
0x141: {  	v8 =	vadd.f32 v8, v11;
	v9 =	vadd.f32 v9, v10;
	v10 =	vmul.f32 v20, v20;
	v16 =	vld [tilespmem:s31+$0x0]  }
0x142: {  	v11 =	vadd.f32 v13, v12;
	v12 =	vmul.f32 v19, v15;
	v13 =	vmul.f32 v15, v15;
	v15 =	vld [tilespmem:s0+$0x10]  }
0x143: {  	v7 =	vadd.f32 v7, v8;
	v8 =	vadd.f32 v10, v9;
	v9 =	vmul.f32 v19, v19;
	v19 =	vld [tilespmem:s31+$0x10]  }
0x144: {  	v11 =	vadd.f32 v12, v11;
	v12 =	vmul.f32 v17, v18;
	v18 =	vmul.f32 v18, v18;
	v20 =	vld [tilespmem:s0+$0x20]  }
0x145: {  	v7 =	vadd.f32 v13, v7;
	v8 =	vadd.f32 v9, v8;
	v9 =	vmul.f32 v17, v17;
	v10 =	vld [tilespmem:s31+$0x20]  }
.Ltmp22:
0x146: {  	v13 =	vadd.f32 v12, v11;
	v17 =	vmul.f32 v16, v14;
	v14 =	vmul.f32 v14, v14;
	v11 =	vld [tilespmem:s0+$0x30];
	(pc) =	sbr.rel @p2 .LBB2_28-.Ltmp22, $4  }
0x147: {  	v16 =	vmul.f32 v16, v16;
	s0 =	sadd.s32 $0x80, s0;
	v7 =	vadd.f32 v18, v7;
	v18 =	vadd.f32 v9, v8;
	v12 =	vld [tilespmem:s31+$0x30]  }
0x148: {  	s31 =	sadd.s32 $0x80, s31;
	v8 =	vld [tilespmem:s0+$0xFFFFFFC0];
	v17 =	vadd.f32 v17, v13;
	v21 =	vmul.f32 v19, v15;
	v13 =	vmul.f32 v15, v15  }
0x149: {  	v9 =	vld [tilespmem:s31+$0xFFFFFFC0];
	v14 =	vadd.f32 v14, v7;
	v15 =	vadd.f32 v16, v18;
	v16 =	vmul.f32 v19, v19  }
0x14a: {  	s3 =	sadd.s32 $0xFFFFFFFF, s3;
	v18 =	vmul.f32 v20, v20;
	v7 =	vld [tilespmem:s0+$0xFFFFFFD0];
	v17 =	vadd.f32 v21, v17;
	v19 =	vmul.f32 v10, v20  }
.LBB2_29:
0x14b: {  	v13 =	vadd.f32 @p0 v13, v14;
	v14 =	vadd.f32 @p0 v16, v15;
	v40 =	vld [tilespmem:s31+$0xFFFFFFD0];
	v10 =	vmul.f32 @p0 v10, v10  }
0x14c: {  	v16 =	vadd.f32 @p0 v19, v17;
	v17 =	vmul.f32 @p0 v12, v11;
	v11 =	vmul.f32 @p0 v11, v11  }
0x14d: {  	v41 =	vld [tilespmem:s0+$0xFFFFFFE0];
	v12 =	vmul.f32 @p0 v12, v12;
	v13 =	vadd.f32 @p0 v18, v13;
	v10 =	vadd.f32 @p0 v10, v14  }
0x14e: {  	v42 =	vld [tilespmem:s31+$0xFFFFFFE0];
	v14 =	vadd.f32 @p0 v17, v16;
	v43 =	vmul.f32 v9, v8;
	v8 =	vmul.f32 v8, v8  }
0x14f: {  	v44 =	vld [tilespmem:s0+$0xFFFFFFF0];
	v45 =	vmul.f32 v9, v9;
	v11 =	vadd.f32 @p0 v11, v13;
	v10 =	vadd.f32 @p0 v12, v10  }
0x150: {  	v46 =	vld [tilespmem:s31+$0xFFFFFFF0];
	v6 =	vpsel p0, v14, v6;
	v47 =	vmul.f32 v40, v7;
	v7 =	vmul.f32 v7, v7  }
0x151: {  	v48 =	vld [tilespmem:s0+$0x0];
	v6 =	vadd.f32 v43, v6;
	v4 =	vpsel p0, v11, v4;
	v5 =	vpsel p0, v10, v5  }
0x152: {  	v49 =	vld [tilespmem:s31+$0x0];
	v4 =	vadd.f32 v8, v4;
	v5 =	vadd.f32 v45, v5;
	v8 =	vmul.f32 v40, v40  }
0x153: {  	v52 =	vld [tilespmem:s0+$0x10];
	v50 =	vmul.f32 v42, v41;
	v51 =	vmul.f32 v41, v41;
	v6 =	vadd.f32 v47, v6  }
0x154: {  	v4 =	vadd.f32 v7, v4;
	v5 =	vadd.f32 v8, v5;
	v7 =	vmul.f32 v42, v42;
	v8 =	vld [tilespmem:s31+$0x10]  }
0x155: {  	v55 =	vld [tilespmem:s0+$0x20];
	v53 =	vmul.f32 v46, v44;
	v54 =	vmul.f32 v44, v44;
	v6 =	vadd.f32 v50, v6  }
0x156: {  	v56 =	vld [tilespmem:s31+$0x20];
	v4 =	vadd.f32 v51, v4;
	v5 =	vadd.f32 v7, v5;
	v7 =	vmul.f32 v46, v46  }
0x157: {  	v59 =	vld [tilespmem:s0+$0x30];
	v57 =	vmul.f32 v49, v48;
	v58 =	vmul.f32 v48, v48;
	v6 =	vadd.f32 v53, v6  }
0x158: {  	v60 =	vld [tilespmem:s31+$0x30];
	v4 =	vadd.f32 v54, v4;
	v5 =	vadd.f32 v7, v5;
	v7 =	vmul.f32 v49, v49  }
0x159: {  	v13 =	vmul.f32 v52, v52;
	v6 =	vadd.f32 v57, v6;
	v61 =	vmul.f32 v8, v52  }
0x15a: {  	v4 =	vadd.f32 v58, v4;
	v5 =	vadd.f32 v7, v5;
	v7 =	vmul.f32 v8, v8  }
0x15b: {  	v62 =	vmul.f32 v55, v55;
	v8 =	vmul.f32 v56, v55;
	v6 =	vadd.f32 v61, v6  }
0x15c: {  	v4 =	vadd.f32 v13, v4;
	v5 =	vadd.f32 v7, v5;
	v7 =	vmul.f32 v56, v56  }
0x15d: {  	v63 =	vmul.f32 v59, v59;
	v6 =	vadd.f32 v8, v6;
	v8 =	vmul.f32 v60, v59  }
0x15e: {  	v4 =	vadd.f32 v62, v4;
	v5 =	vadd.f32 v7, v5;
	v7 =	vmul.f32 v60, v60  }
0x15f: {  	v6 =	vadd.f32 v8, v6  }
0x160: {  	v4 =	vadd.f32 v63, v4;
	v5 =	vadd.f32 v7, v5  }
.LBB2_30:
0x161: {  	p0 =	slt.u32 s30, $0x5  }
.Ltmp23:
0x162: {  	_ = 	snop;
	(pc) =	sbr.rel @p0 .LBB2_32-.Ltmp23, $4  }
0x163: {  	_ = 	snop  }
0x164: {  	[tilespmem:$0x10800] =	vst v6  }
0x165: {  	[tilespmem:$0x10810] =	vst v4  }
0x166: {  	[tilespmem:$0x10820] =	vst v5  }
.Ltmp24:
0x167: {  	(pc) =	sbr.rel .LBB2_33-.Ltmp24, $4  }
0x168: {  	_ = 	snop  }
0x169: {  	[tilespmem:s13], [sflag:$0x1] =	stream.indirect.gather [hbm4b:s1+s12], $0x80, s22, s12, $0xb8;
	[tilespmem:$0x10880] =	vst v63  }
0x16a: {  	_ = 	snop  }
0x16b: {  	[tilespmem:s14], [sflag:$0x2] =	stream.indirect.gather [hbm4b:s2+s12], $0x80, s22, s12, $0xb8;
	[tilespmem:$0x10880] =	vst v63  }
.LBB2_32:
.Ltmp25:
0x16c: {  	(pc) =	sbr.rel @p1 .LBB2_74-.Ltmp25, $1  }
0x16d: {  	_ =	sdelay $0x3  }
.LBB2_33:
0x16e: {  	_ =	swait.ge [sflag:s17], $0x4000  }
0x16f: {  	[sflag:s17] =	ssyncset.done $0x0  }
0x170: {  	s3 =	sadd.s32 $0xFFFFFE80, s29;
	[sflag:s17] =	ssyncadd.s32 $0xFFFFC000  }
0x171: {  	p1 =	slt.s32 s3, $0x1;
	_ =	swait.ge [sflag:s18], $0x4000  }
.Ltmp26:
0x172: {  	[sflag:s18] =	ssyncset.done $0x0;
	(pc) =	sbr.rel @p1 .LBB2_39-.Ltmp26, $4  }
0x173: {  	[sflag:s18] =	ssyncadd.s32 $0xFFFFC000  }
0x174: {  	v6 =	vld [tilespmem:$0x10800]  }
0x175: {  	v4 =	vld [tilespmem:$0x10810]  }
0x176: {  	v5 =	vld [tilespmem:$0x10820]  }
0x177: {  	s3 =	smin.u32 s3, $0x80  }
0x178: {  	p2 =	sne.s32 s3, $0x1  }
.Ltmp27:
0x179: {  	_ = 	snop;
	(pc) =	sbr.rel @!p2 .LBB2_35-.Ltmp27, $4  }
0x17a: {  	s0 =	simm.s32 $0x8840  }
0x17b: {  	s31 =	simm.s32 $0xC840;
	v8 =	vld [tilespmem:s0+$0xFFFFFFC0]  }
0x17c: {  	v9 =	vld [tilespmem:s31+$0xFFFFFFC0]  }
0x17d: {  	p1 =	por $0x0, $0x0;
	v7 =	vld [tilespmem:s0+$0xFFFFFFD0];
	s3 =	sadd.s32 $0xFFFFFFFF, s3  }
0x17e: {  	v10 =	vld [tilespmem:s31+$0xFFFFFFD0]  }
0x17f: {  	v11 =	vld [tilespmem:s0+$0xFFFFFFE0]  }
0x180: {  	v12 =	vld [tilespmem:s31+$0xFFFFFFE0]  }
0x181: {  	v14 =	vld [tilespmem:s0+$0xFFFFFFF0];
	v13 =	vmul.f32 v9, v8  }
0x182: {  	v15 =	vld [tilespmem:s31+$0xFFFFFFF0];
	v8 =	vmul.f32 v8, v8;
	v9 =	vmul.f32 v9, v9  }
0x183: {  	v17 =	vld [tilespmem:s0+$0x0];
	v13 =	vadd.f32 v13, v6;
	v16 =	vmul.f32 v10, v7;
	v7 =	vmul.f32 v7, v7  }
0x184: {  	v18 =	vld [tilespmem:s31+$0x0];
	v8 =	vadd.f32 v8, v4;
	v9 =	vadd.f32 v9, v5;
	v10 =	vmul.f32 v10, v10  }
0x185: {  	v19 =	vld [tilespmem:s0+$0x10];
	v13 =	vadd.f32 v16, v13;
	v16 =	vmul.f32 v12, v11;
	v11 =	vmul.f32 v11, v11  }
0x186: {  	v20 =	vld [tilespmem:s31+$0x10];
	v7 =	vadd.f32 v7, v8;
	v8 =	vadd.f32 v10, v9;
	v9 =	vmul.f32 v12, v12  }
0x187: {  	v21 =	vld [tilespmem:s0+$0x20];
	v12 =	vadd.f32 v16, v13;
	v13 =	vmul.f32 v15, v14;
	v14 =	vmul.f32 v14, v14  }
0x188: {  	p2 =	sne.s32 s3, $0x1;
	v10 =	vld [tilespmem:s31+$0x20];
	v7 =	vadd.f32 v11, v7;
	v8 =	vadd.f32 v9, v8;
	v9 =	vmul.f32 v15, v15  }
.Ltmp28:
0x189: {  	v15 =	vmul.f32 v18, v17;
	v16 =	vmul.f32 v17, v17;
	v11 =	vld [tilespmem:s0+$0x30];
	v13 =	vadd.f32 v13, v12;
	(pc) =	sbr.rel @!p2 .LBB2_38-.Ltmp28, $4  }
0x18a: {  	v18 =	vmul.f32 v18, v18;
	s0 =	simm.s32 $0x88C0;
	v7 =	vadd.f32 v14, v7;
	v17 =	vadd.f32 v9, v8;
	v12 =	vld [tilespmem:s31+$0x30]  }
0x18b: {  	v23 =	vmul.f32 v20, v19;
	v8 =	vld [tilespmem:s0+$0xFFFFFFC0];
	s31 =	simm.s32 $0xC8C0;
	v22 =	vadd.f32 v15, v13;
	v13 =	vmul.f32 v19, v19  }
0x18c: {  	v9 =	vld [tilespmem:s31+$0xFFFFFFC0];
	v14 =	vadd.f32 v16, v7;
	v15 =	vadd.f32 v18, v17;
	v16 =	vmul.f32 v20, v20  }
0x18d: {  	s3 =	sadd.s32 $0xFFFFFFFF, s3;
	p1 =	por $0x1, $0x1;
	v7 =	vld [tilespmem:s0+$0xFFFFFFD0];
	v19 =	vmul.f32 v10, v21;
	v18 =	vmul.f32 v21, v21;
	v17 =	vadd.f32 v23, v22  }
.LBB2_37:
0x18e: {  	p2 =	sne.s32 s3, $0x1;
	v20 =	vld [tilespmem:s31+$0xFFFFFFD0];
	v13 =	vadd.f32 v13, v14;
	v14 =	vadd.f32 v16, v15;
	v10 =	vmul.f32 v10, v10  }
0x18f: {  	v15 =	vld [tilespmem:s0+$0xFFFFFFE0];
	v16 =	vadd.f32 v19, v17;
	v17 =	vmul.f32 v12, v11;
	v11 =	vmul.f32 v11, v11  }
0x190: {  	v12 =	vmul.f32 v12, v12;
	v19 =	vld [tilespmem:s31+$0xFFFFFFE0];
	v13 =	vadd.f32 v18, v13;
	v10 =	vadd.f32 v10, v14  }
0x191: {  	v14 =	vmul.f32 v9, v8;
	v8 =	vmul.f32 v8, v8;
	v18 =	vld [tilespmem:s0+$0xFFFFFFF0];
	v16 =	vadd.f32 v17, v16  }
0x192: {  	v9 =	vmul.f32 v9, v9;
	v17 =	vld [tilespmem:s31+$0xFFFFFFF0];
	v11 =	vadd.f32 v11, v13;
	v10 =	vadd.f32 v12, v10  }
0x193: {  	v12 =	vadd.f32 v14, v16;
	v13 =	vmul.f32 v20, v7;
	v7 =	vmul.f32 v7, v7;
	v14 =	vld [tilespmem:s0+$0x0]  }
0x194: {  	v8 =	vadd.f32 v8, v11;
	v9 =	vadd.f32 v9, v10;
	v10 =	vmul.f32 v20, v20;
	v16 =	vld [tilespmem:s31+$0x0]  }
0x195: {  	v11 =	vadd.f32 v13, v12;
	v12 =	vmul.f32 v19, v15;
	v13 =	vmul.f32 v15, v15;
	v15 =	vld [tilespmem:s0+$0x10]  }
0x196: {  	v7 =	vadd.f32 v7, v8;
	v8 =	vadd.f32 v10, v9;
	v9 =	vmul.f32 v19, v19;
	v19 =	vld [tilespmem:s31+$0x10]  }
0x197: {  	v11 =	vadd.f32 v12, v11;
	v12 =	vmul.f32 v17, v18;
	v18 =	vmul.f32 v18, v18;
	v20 =	vld [tilespmem:s0+$0x20]  }
0x198: {  	v7 =	vadd.f32 v13, v7;
	v8 =	vadd.f32 v9, v8;
	v9 =	vmul.f32 v17, v17;
	v10 =	vld [tilespmem:s31+$0x20]  }
.Ltmp29:
0x199: {  	v13 =	vadd.f32 v12, v11;
	v17 =	vmul.f32 v16, v14;
	v14 =	vmul.f32 v14, v14;
	v11 =	vld [tilespmem:s0+$0x30];
	(pc) =	sbr.rel @p2 .LBB2_37-.Ltmp29, $4  }
0x19a: {  	v16 =	vmul.f32 v16, v16;
	s0 =	sadd.s32 $0x80, s0;
	v7 =	vadd.f32 v18, v7;
	v18 =	vadd.f32 v9, v8;
	v12 =	vld [tilespmem:s31+$0x30]  }
0x19b: {  	s31 =	sadd.s32 $0x80, s31;
	v8 =	vld [tilespmem:s0+$0xFFFFFFC0];
	v17 =	vadd.f32 v17, v13;
	v21 =	vmul.f32 v19, v15;
	v13 =	vmul.f32 v15, v15  }
0x19c: {  	v9 =	vld [tilespmem:s31+$0xFFFFFFC0];
	v14 =	vadd.f32 v14, v7;
	v15 =	vadd.f32 v16, v18;
	v16 =	vmul.f32 v19, v19  }
0x19d: {  	s3 =	sadd.s32 $0xFFFFFFFF, s3;
	v18 =	vmul.f32 v20, v20;
	v7 =	vld [tilespmem:s0+$0xFFFFFFD0];
	v17 =	vadd.f32 v21, v17;
	v19 =	vmul.f32 v10, v20  }
.LBB2_38:
0x19e: {  	v13 =	vadd.f32 @p1 v13, v14;
	v14 =	vadd.f32 @p1 v16, v15;
	v40 =	vld [tilespmem:s31+$0xFFFFFFD0];
	v10 =	vmul.f32 @p1 v10, v10  }
0x19f: {  	v16 =	vadd.f32 @p1 v19, v17;
	v17 =	vmul.f32 @p1 v12, v11;
	v11 =	vmul.f32 @p1 v11, v11  }
0x1a0: {  	v41 =	vld [tilespmem:s0+$0xFFFFFFE0];
	v12 =	vmul.f32 @p1 v12, v12;
	v13 =	vadd.f32 @p1 v18, v13;
	v10 =	vadd.f32 @p1 v10, v14  }
0x1a1: {  	v42 =	vld [tilespmem:s31+$0xFFFFFFE0];
	v14 =	vadd.f32 @p1 v17, v16;
	v43 =	vmul.f32 v9, v8;
	v8 =	vmul.f32 v8, v8  }
0x1a2: {  	v44 =	vld [tilespmem:s0+$0xFFFFFFF0];
	v45 =	vmul.f32 v9, v9;
	v11 =	vadd.f32 @p1 v11, v13;
	v10 =	vadd.f32 @p1 v12, v10  }
0x1a3: {  	v46 =	vld [tilespmem:s31+$0xFFFFFFF0];
	v6 =	vpsel p1, v14, v6;
	v47 =	vmul.f32 v40, v7;
	v7 =	vmul.f32 v7, v7  }
0x1a4: {  	v48 =	vld [tilespmem:s0+$0x0];
	v6 =	vadd.f32 v43, v6;
	v4 =	vpsel p1, v11, v4;
	v5 =	vpsel p1, v10, v5  }
0x1a5: {  	v49 =	vld [tilespmem:s31+$0x0];
	v4 =	vadd.f32 v8, v4;
	v5 =	vadd.f32 v45, v5;
	v8 =	vmul.f32 v40, v40  }
0x1a6: {  	v52 =	vld [tilespmem:s0+$0x10];
	v50 =	vmul.f32 v42, v41;
	v51 =	vmul.f32 v41, v41;
	v6 =	vadd.f32 v47, v6  }
0x1a7: {  	v4 =	vadd.f32 v7, v4;
	v5 =	vadd.f32 v8, v5;
	v7 =	vmul.f32 v42, v42;
	v8 =	vld [tilespmem:s31+$0x10]  }
0x1a8: {  	v55 =	vld [tilespmem:s0+$0x20];
	v53 =	vmul.f32 v46, v44;
	v54 =	vmul.f32 v44, v44;
	v6 =	vadd.f32 v50, v6  }
0x1a9: {  	v56 =	vld [tilespmem:s31+$0x20];
	v4 =	vadd.f32 v51, v4;
	v5 =	vadd.f32 v7, v5;
	v7 =	vmul.f32 v46, v46  }
0x1aa: {  	v59 =	vld [tilespmem:s0+$0x30];
	v57 =	vmul.f32 v49, v48;
	v58 =	vmul.f32 v48, v48;
	v6 =	vadd.f32 v53, v6  }
0x1ab: {  	v60 =	vld [tilespmem:s31+$0x30];
	v4 =	vadd.f32 v54, v4;
	v5 =	vadd.f32 v7, v5;
	v7 =	vmul.f32 v49, v49  }
0x1ac: {  	v13 =	vmul.f32 v52, v52;
	v6 =	vadd.f32 v57, v6;
	v61 =	vmul.f32 v8, v52  }
0x1ad: {  	v4 =	vadd.f32 v58, v4;
	v5 =	vadd.f32 v7, v5;
	v7 =	vmul.f32 v8, v8  }
0x1ae: {  	v62 =	vmul.f32 v55, v55;
	v8 =	vmul.f32 v56, v55;
	v6 =	vadd.f32 v61, v6  }
0x1af: {  	v4 =	vadd.f32 v13, v4;
	v5 =	vadd.f32 v7, v5;
	v7 =	vmul.f32 v56, v56  }
0x1b0: {  	v63 =	vmul.f32 v59, v59;
	v6 =	vadd.f32 v8, v6;
	v8 =	vmul.f32 v60, v59  }
0x1b1: {  	v4 =	vadd.f32 v62, v4;
	v5 =	vadd.f32 v7, v5;
	v7 =	vmul.f32 v60, v60  }
0x1b2: {  	v6 =	vadd.f32 v8, v6  }
0x1b3: {  	v4 =	vadd.f32 v63, v4;
	v5 =	vadd.f32 v7, v5  }
.LBB2_39:
0x1b4: {  	p1 =	slt.u32 s30, $0x6  }
.Ltmp30:
0x1b5: {  	_ = 	snop;
	(pc) =	sbr.rel @p1 .LBB2_41-.Ltmp30, $4  }
0x1b6: {  	_ = 	snop  }
0x1b7: {  	[tilespmem:$0x10800] =	vst v6  }
0x1b8: {  	[tilespmem:$0x10810] =	vst v4  }
0x1b9: {  	[tilespmem:$0x10820] =	vst v5  }
.Ltmp31:
0x1ba: {  	(pc) =	sbr.rel .LBB2_42-.Ltmp31, $4  }
0x1bb: {  	_ = 	snop  }
0x1bc: {  	[tilespmem:s20], [sflag:$0x3] =	stream.indirect.gather [hbm4b:s1+s12], $0x80, s23, s12, $0xb8;
	[tilespmem:$0x10880] =	vst v63  }
0x1bd: {  	_ = 	snop  }
0x1be: {  	[tilespmem:s21], [sflag:$0x4] =	stream.indirect.gather [hbm4b:s2+s12], $0x80, s23, s12, $0xb8;
	[tilespmem:$0x10880] =	vst v63  }
.LBB2_41:
.Ltmp32:
0x1bf: {  	(pc) =	sbr.rel @p0 .LBB2_74-.Ltmp32, $1  }
0x1c0: {  	_ =	sdelay $0x3  }
.LBB2_42:
0x1c1: {  	_ =	swait.ge [sflag:s11], $0x4000  }
0x1c2: {  	[sflag:s11] =	ssyncset.done $0x0  }
0x1c3: {  	s3 =	sadd.s32 $0xFFFFFE00, s29;
	[sflag:s11] =	ssyncadd.s32 $0xFFFFC000  }
0x1c4: {  	p0 =	slt.s32 s3, $0x1;
	_ =	swait.ge [sflag:s15], $0x4000  }
.Ltmp33:
0x1c5: {  	[sflag:s15] =	ssyncset.done $0x0;
	(pc) =	sbr.rel @p0 .LBB2_48-.Ltmp33, $4  }
0x1c6: {  	[sflag:s15] =	ssyncadd.s32 $0xFFFFC000  }
0x1c7: {  	v6 =	vld [tilespmem:$0x10800]  }
0x1c8: {  	v4 =	vld [tilespmem:$0x10810]  }
0x1c9: {  	v5 =	vld [tilespmem:$0x10820]  }
0x1ca: {  	s3 =	smin.u32 s3, $0x80  }
0x1cb: {  	p2 =	sne.s32 s3, $0x1  }
.Ltmp34:
0x1cc: {  	_ = 	snop;
	(pc) =	sbr.rel @!p2 .LBB2_44-.Ltmp34, $4  }
0x1cd: {  	s0 =	simm.s32 $0x840  }
0x1ce: {  	s31 =	simm.s32 $0x4840;
	v8 =	vld [tilespmem:s0+$0xFFFFFFC0]  }
0x1cf: {  	v9 =	vld [tilespmem:s31+$0xFFFFFFC0]  }
0x1d0: {  	p0 =	por $0x0, $0x0;
	v7 =	vld [tilespmem:s0+$0xFFFFFFD0];
	s3 =	sadd.s32 $0xFFFFFFFF, s3  }
0x1d1: {  	v10 =	vld [tilespmem:s31+$0xFFFFFFD0]  }
0x1d2: {  	v11 =	vld [tilespmem:s0+$0xFFFFFFE0]  }
0x1d3: {  	v12 =	vld [tilespmem:s31+$0xFFFFFFE0]  }
0x1d4: {  	v14 =	vld [tilespmem:s0+$0xFFFFFFF0];
	v13 =	vmul.f32 v9, v8  }
0x1d5: {  	v15 =	vld [tilespmem:s31+$0xFFFFFFF0];
	v8 =	vmul.f32 v8, v8;
	v9 =	vmul.f32 v9, v9  }
0x1d6: {  	v17 =	vld [tilespmem:s0+$0x0];
	v13 =	vadd.f32 v13, v6;
	v16 =	vmul.f32 v10, v7;
	v7 =	vmul.f32 v7, v7  }
0x1d7: {  	v18 =	vld [tilespmem:s31+$0x0];
	v8 =	vadd.f32 v8, v4;
	v9 =	vadd.f32 v9, v5;
	v10 =	vmul.f32 v10, v10  }
0x1d8: {  	v19 =	vld [tilespmem:s0+$0x10];
	v13 =	vadd.f32 v16, v13;
	v16 =	vmul.f32 v12, v11;
	v11 =	vmul.f32 v11, v11  }
0x1d9: {  	v20 =	vld [tilespmem:s31+$0x10];
	v7 =	vadd.f32 v7, v8;
	v8 =	vadd.f32 v10, v9;
	v9 =	vmul.f32 v12, v12  }
0x1da: {  	v21 =	vld [tilespmem:s0+$0x20];
	v12 =	vadd.f32 v16, v13;
	v13 =	vmul.f32 v15, v14;
	v14 =	vmul.f32 v14, v14  }
0x1db: {  	p2 =	sne.s32 s3, $0x1;
	v10 =	vld [tilespmem:s31+$0x20];
	v7 =	vadd.f32 v11, v7;
	v8 =	vadd.f32 v9, v8;
	v9 =	vmul.f32 v15, v15  }
.Ltmp35:
0x1dc: {  	v15 =	vmul.f32 v18, v17;
	v16 =	vmul.f32 v17, v17;
	v11 =	vld [tilespmem:s0+$0x30];
	v13 =	vadd.f32 v13, v12;
	(pc) =	sbr.rel @!p2 .LBB2_47-.Ltmp35, $4  }
0x1dd: {  	v18 =	vmul.f32 v18, v18;
	s0 =	simm.s32 $0x8C0;
	v7 =	vadd.f32 v14, v7;
	v17 =	vadd.f32 v9, v8;
	v12 =	vld [tilespmem:s31+$0x30]  }
0x1de: {  	v23 =	vmul.f32 v20, v19;
	v8 =	vld [tilespmem:s0+$0xFFFFFFC0];
	s31 =	simm.s32 $0x48C0;
	v22 =	vadd.f32 v15, v13;
	v13 =	vmul.f32 v19, v19  }
0x1df: {  	v9 =	vld [tilespmem:s31+$0xFFFFFFC0];
	v14 =	vadd.f32 v16, v7;
	v15 =	vadd.f32 v18, v17;
	v16 =	vmul.f32 v20, v20  }
0x1e0: {  	s3 =	sadd.s32 $0xFFFFFFFF, s3;
	p0 =	por $0x1, $0x1;
	v7 =	vld [tilespmem:s0+$0xFFFFFFD0];
	v19 =	vmul.f32 v10, v21;
	v18 =	vmul.f32 v21, v21;
	v17 =	vadd.f32 v23, v22  }
.LBB2_46:
0x1e1: {  	p2 =	sne.s32 s3, $0x1;
	v20 =	vld [tilespmem:s31+$0xFFFFFFD0];
	v13 =	vadd.f32 v13, v14;
	v14 =	vadd.f32 v16, v15;
	v10 =	vmul.f32 v10, v10  }
0x1e2: {  	v15 =	vld [tilespmem:s0+$0xFFFFFFE0];
	v16 =	vadd.f32 v19, v17;
	v17 =	vmul.f32 v12, v11;
	v11 =	vmul.f32 v11, v11  }
0x1e3: {  	v12 =	vmul.f32 v12, v12;
	v19 =	vld [tilespmem:s31+$0xFFFFFFE0];
	v13 =	vadd.f32 v18, v13;
	v10 =	vadd.f32 v10, v14  }
0x1e4: {  	v14 =	vmul.f32 v9, v8;
	v8 =	vmul.f32 v8, v8;
	v18 =	vld [tilespmem:s0+$0xFFFFFFF0];
	v16 =	vadd.f32 v17, v16  }
0x1e5: {  	v9 =	vmul.f32 v9, v9;
	v17 =	vld [tilespmem:s31+$0xFFFFFFF0];
	v11 =	vadd.f32 v11, v13;
	v10 =	vadd.f32 v12, v10  }
0x1e6: {  	v12 =	vadd.f32 v14, v16;
	v13 =	vmul.f32 v20, v7;
	v7 =	vmul.f32 v7, v7;
	v14 =	vld [tilespmem:s0+$0x0]  }
0x1e7: {  	v8 =	vadd.f32 v8, v11;
	v9 =	vadd.f32 v9, v10;
	v10 =	vmul.f32 v20, v20;
	v16 =	vld [tilespmem:s31+$0x0]  }
0x1e8: {  	v11 =	vadd.f32 v13, v12;
	v12 =	vmul.f32 v19, v15;
	v13 =	vmul.f32 v15, v15;
	v15 =	vld [tilespmem:s0+$0x10]  }
0x1e9: {  	v7 =	vadd.f32 v7, v8;
	v8 =	vadd.f32 v10, v9;
	v9 =	vmul.f32 v19, v19;
	v19 =	vld [tilespmem:s31+$0x10]  }
0x1ea: {  	v11 =	vadd.f32 v12, v11;
	v12 =	vmul.f32 v17, v18;
	v18 =	vmul.f32 v18, v18;
	v20 =	vld [tilespmem:s0+$0x20]  }
0x1eb: {  	v7 =	vadd.f32 v13, v7;
	v8 =	vadd.f32 v9, v8;
	v9 =	vmul.f32 v17, v17;
	v10 =	vld [tilespmem:s31+$0x20]  }
.Ltmp36:
0x1ec: {  	v13 =	vadd.f32 v12, v11;
	v17 =	vmul.f32 v16, v14;
	v14 =	vmul.f32 v14, v14;
	v11 =	vld [tilespmem:s0+$0x30];
	(pc) =	sbr.rel @p2 .LBB2_46-.Ltmp36, $4  }
0x1ed: {  	v16 =	vmul.f32 v16, v16;
	s0 =	sadd.s32 $0x80, s0;
	v7 =	vadd.f32 v18, v7;
	v18 =	vadd.f32 v9, v8;
	v12 =	vld [tilespmem:s31+$0x30]  }
0x1ee: {  	s31 =	sadd.s32 $0x80, s31;
	v8 =	vld [tilespmem:s0+$0xFFFFFFC0];
	v17 =	vadd.f32 v17, v13;
	v21 =	vmul.f32 v19, v15;
	v13 =	vmul.f32 v15, v15  }
0x1ef: {  	v9 =	vld [tilespmem:s31+$0xFFFFFFC0];
	v14 =	vadd.f32 v14, v7;
	v15 =	vadd.f32 v16, v18;
	v16 =	vmul.f32 v19, v19  }
0x1f0: {  	s3 =	sadd.s32 $0xFFFFFFFF, s3;
	v18 =	vmul.f32 v20, v20;
	v7 =	vld [tilespmem:s0+$0xFFFFFFD0];
	v17 =	vadd.f32 v21, v17;
	v19 =	vmul.f32 v10, v20  }
.LBB2_47:
0x1f1: {  	v13 =	vadd.f32 @p0 v13, v14;
	v14 =	vadd.f32 @p0 v16, v15;
	v40 =	vld [tilespmem:s31+$0xFFFFFFD0];
	v10 =	vmul.f32 @p0 v10, v10  }
0x1f2: {  	v16 =	vadd.f32 @p0 v19, v17;
	v17 =	vmul.f32 @p0 v12, v11;
	v11 =	vmul.f32 @p0 v11, v11  }
0x1f3: {  	v41 =	vld [tilespmem:s0+$0xFFFFFFE0];
	v12 =	vmul.f32 @p0 v12, v12;
	v13 =	vadd.f32 @p0 v18, v13;
	v10 =	vadd.f32 @p0 v10, v14  }
0x1f4: {  	v42 =	vld [tilespmem:s31+$0xFFFFFFE0];
	v14 =	vadd.f32 @p0 v17, v16;
	v43 =	vmul.f32 v9, v8;
	v8 =	vmul.f32 v8, v8  }
0x1f5: {  	v44 =	vld [tilespmem:s0+$0xFFFFFFF0];
	v45 =	vmul.f32 v9, v9;
	v11 =	vadd.f32 @p0 v11, v13;
	v10 =	vadd.f32 @p0 v12, v10  }
0x1f6: {  	v46 =	vld [tilespmem:s31+$0xFFFFFFF0];
	v6 =	vpsel p0, v14, v6;
	v47 =	vmul.f32 v40, v7;
	v7 =	vmul.f32 v7, v7  }
0x1f7: {  	v48 =	vld [tilespmem:s0+$0x0];
	v6 =	vadd.f32 v43, v6;
	v4 =	vpsel p0, v11, v4;
	v5 =	vpsel p0, v10, v5  }
0x1f8: {  	v49 =	vld [tilespmem:s31+$0x0];
	v4 =	vadd.f32 v8, v4;
	v5 =	vadd.f32 v45, v5;
	v8 =	vmul.f32 v40, v40  }
0x1f9: {  	v52 =	vld [tilespmem:s0+$0x10];
	v50 =	vmul.f32 v42, v41;
	v51 =	vmul.f32 v41, v41;
	v6 =	vadd.f32 v47, v6  }
0x1fa: {  	v4 =	vadd.f32 v7, v4;
	v5 =	vadd.f32 v8, v5;
	v7 =	vmul.f32 v42, v42;
	v8 =	vld [tilespmem:s31+$0x10]  }
0x1fb: {  	v55 =	vld [tilespmem:s0+$0x20];
	v53 =	vmul.f32 v46, v44;
	v54 =	vmul.f32 v44, v44;
	v6 =	vadd.f32 v50, v6  }
0x1fc: {  	v56 =	vld [tilespmem:s31+$0x20];
	v4 =	vadd.f32 v51, v4;
	v5 =	vadd.f32 v7, v5;
	v7 =	vmul.f32 v46, v46  }
0x1fd: {  	v59 =	vld [tilespmem:s0+$0x30];
	v57 =	vmul.f32 v49, v48;
	v58 =	vmul.f32 v48, v48;
	v6 =	vadd.f32 v53, v6  }
0x1fe: {  	v60 =	vld [tilespmem:s31+$0x30];
	v4 =	vadd.f32 v54, v4;
	v5 =	vadd.f32 v7, v5;
	v7 =	vmul.f32 v49, v49  }
0x1ff: {  	v13 =	vmul.f32 v52, v52;
	v6 =	vadd.f32 v57, v6;
	v61 =	vmul.f32 v8, v52  }
0x200: {  	v4 =	vadd.f32 v58, v4;
	v5 =	vadd.f32 v7, v5;
	v7 =	vmul.f32 v8, v8  }
0x201: {  	v62 =	vmul.f32 v55, v55;
	v8 =	vmul.f32 v56, v55;
	v6 =	vadd.f32 v61, v6  }
0x202: {  	v4 =	vadd.f32 v13, v4;
	v5 =	vadd.f32 v7, v5;
	v7 =	vmul.f32 v56, v56  }
0x203: {  	v63 =	vmul.f32 v59, v59;
	v6 =	vadd.f32 v8, v6;
	v8 =	vmul.f32 v60, v59  }
0x204: {  	v4 =	vadd.f32 v62, v4;
	v5 =	vadd.f32 v7, v5;
	v7 =	vmul.f32 v60, v60  }
0x205: {  	v6 =	vadd.f32 v8, v6  }
0x206: {  	v4 =	vadd.f32 v63, v4;
	v5 =	vadd.f32 v7, v5  }
.LBB2_48:
0x207: {  	p0 =	slt.u32 s30, $0x7  }
.Ltmp37:
0x208: {  	_ = 	snop;
	(pc) =	sbr.rel @p0 .LBB2_50-.Ltmp37, $4  }
0x209: {  	_ = 	snop  }
0x20a: {  	[tilespmem:$0x10800] =	vst v6  }
0x20b: {  	[tilespmem:$0x10810] =	vst v4  }
0x20c: {  	[tilespmem:$0x10820] =	vst v5  }
.Ltmp38:
0x20d: {  	(pc) =	sbr.rel .LBB2_51-.Ltmp38, $4  }
0x20e: {  	_ = 	snop  }
0x20f: {  	[tilespmem:s13], [sflag:$0x1] =	stream.indirect.gather [hbm4b:s1+s12], $0x80, s24, s12, $0xb8;
	[tilespmem:$0x10880] =	vst v63  }
0x210: {  	_ = 	snop  }
0x211: {  	[tilespmem:s14], [sflag:$0x2] =	stream.indirect.gather [hbm4b:s2+s12], $0x80, s24, s12, $0xb8;
	[tilespmem:$0x10880] =	vst v63  }
.LBB2_50:
.Ltmp39:
0x212: {  	(pc) =	sbr.rel @p1 .LBB2_74-.Ltmp39, $1  }
0x213: {  	_ =	sdelay $0x3  }
.LBB2_51:
0x214: {  	_ =	swait.ge [sflag:s17], $0x4000  }
0x215: {  	[sflag:s17] =	ssyncset.done $0x0  }
0x216: {  	s3 =	sadd.s32 $0xFFFFFD80, s29;
	[sflag:s17] =	ssyncadd.s32 $0xFFFFC000  }
0x217: {  	p1 =	slt.s32 s3, $0x1;
	_ =	swait.ge [sflag:s18], $0x4000  }
.Ltmp40:
0x218: {  	[sflag:s18] =	ssyncset.done $0x0;
	(pc) =	sbr.rel @p1 .LBB2_57-.Ltmp40, $4  }
0x219: {  	[sflag:s18] =	ssyncadd.s32 $0xFFFFC000  }
0x21a: {  	v6 =	vld [tilespmem:$0x10800]  }
0x21b: {  	v4 =	vld [tilespmem:$0x10810]  }
0x21c: {  	v5 =	vld [tilespmem:$0x10820]  }
0x21d: {  	s3 =	smin.u32 s3, $0x80  }
0x21e: {  	p2 =	sne.s32 s3, $0x1  }
.Ltmp41:
0x21f: {  	_ = 	snop;
	(pc) =	sbr.rel @!p2 .LBB2_53-.Ltmp41, $4  }
0x220: {  	s0 =	simm.s32 $0x8840  }
0x221: {  	s31 =	simm.s32 $0xC840;
	v8 =	vld [tilespmem:s0+$0xFFFFFFC0]  }
0x222: {  	v9 =	vld [tilespmem:s31+$0xFFFFFFC0]  }
0x223: {  	p1 =	por $0x0, $0x0;
	v7 =	vld [tilespmem:s0+$0xFFFFFFD0];
	s3 =	sadd.s32 $0xFFFFFFFF, s3  }
0x224: {  	v10 =	vld [tilespmem:s31+$0xFFFFFFD0]  }
0x225: {  	v11 =	vld [tilespmem:s0+$0xFFFFFFE0]  }
0x226: {  	v12 =	vld [tilespmem:s31+$0xFFFFFFE0]  }
0x227: {  	v14 =	vld [tilespmem:s0+$0xFFFFFFF0];
	v13 =	vmul.f32 v9, v8  }
0x228: {  	v15 =	vld [tilespmem:s31+$0xFFFFFFF0];
	v8 =	vmul.f32 v8, v8;
	v9 =	vmul.f32 v9, v9  }
0x229: {  	v17 =	vld [tilespmem:s0+$0x0];
	v13 =	vadd.f32 v13, v6;
	v16 =	vmul.f32 v10, v7;
	v7 =	vmul.f32 v7, v7  }
0x22a: {  	v18 =	vld [tilespmem:s31+$0x0];
	v8 =	vadd.f32 v8, v4;
	v9 =	vadd.f32 v9, v5;
	v10 =	vmul.f32 v10, v10  }
0x22b: {  	v19 =	vld [tilespmem:s0+$0x10];
	v13 =	vadd.f32 v16, v13;
	v16 =	vmul.f32 v12, v11;
	v11 =	vmul.f32 v11, v11  }
0x22c: {  	v20 =	vld [tilespmem:s31+$0x10];
	v7 =	vadd.f32 v7, v8;
	v8 =	vadd.f32 v10, v9;
	v9 =	vmul.f32 v12, v12  }
0x22d: {  	v21 =	vld [tilespmem:s0+$0x20];
	v12 =	vadd.f32 v16, v13;
	v13 =	vmul.f32 v15, v14;
	v14 =	vmul.f32 v14, v14  }
0x22e: {  	p2 =	sne.s32 s3, $0x1;
	v10 =	vld [tilespmem:s31+$0x20];
	v7 =	vadd.f32 v11, v7;
	v8 =	vadd.f32 v9, v8;
	v9 =	vmul.f32 v15, v15  }
.Ltmp42:
0x22f: {  	v15 =	vmul.f32 v18, v17;
	v16 =	vmul.f32 v17, v17;
	v11 =	vld [tilespmem:s0+$0x30];
	v13 =	vadd.f32 v13, v12;
	(pc) =	sbr.rel @!p2 .LBB2_56-.Ltmp42, $4  }
0x230: {  	v18 =	vmul.f32 v18, v18;
	s0 =	simm.s32 $0x88C0;
	v7 =	vadd.f32 v14, v7;
	v17 =	vadd.f32 v9, v8;
	v12 =	vld [tilespmem:s31+$0x30]  }
0x231: {  	v23 =	vmul.f32 v20, v19;
	v8 =	vld [tilespmem:s0+$0xFFFFFFC0];
	s31 =	simm.s32 $0xC8C0;
	v22 =	vadd.f32 v15, v13;
	v13 =	vmul.f32 v19, v19  }
0x232: {  	v9 =	vld [tilespmem:s31+$0xFFFFFFC0];
	v14 =	vadd.f32 v16, v7;
	v15 =	vadd.f32 v18, v17;
	v16 =	vmul.f32 v20, v20  }
0x233: {  	s3 =	sadd.s32 $0xFFFFFFFF, s3;
	p1 =	por $0x1, $0x1;
	v7 =	vld [tilespmem:s0+$0xFFFFFFD0];
	v19 =	vmul.f32 v10, v21;
	v18 =	vmul.f32 v21, v21;
	v17 =	vadd.f32 v23, v22  }
.LBB2_55:
0x234: {  	p2 =	sne.s32 s3, $0x1;
	v20 =	vld [tilespmem:s31+$0xFFFFFFD0];
	v13 =	vadd.f32 v13, v14;
	v14 =	vadd.f32 v16, v15;
	v10 =	vmul.f32 v10, v10  }
0x235: {  	v15 =	vld [tilespmem:s0+$0xFFFFFFE0];
	v16 =	vadd.f32 v19, v17;
	v17 =	vmul.f32 v12, v11;
	v11 =	vmul.f32 v11, v11  }
0x236: {  	v12 =	vmul.f32 v12, v12;
	v19 =	vld [tilespmem:s31+$0xFFFFFFE0];
	v13 =	vadd.f32 v18, v13;
	v10 =	vadd.f32 v10, v14  }
0x237: {  	v14 =	vmul.f32 v9, v8;
	v8 =	vmul.f32 v8, v8;
	v18 =	vld [tilespmem:s0+$0xFFFFFFF0];
	v16 =	vadd.f32 v17, v16  }
0x238: {  	v9 =	vmul.f32 v9, v9;
	v17 =	vld [tilespmem:s31+$0xFFFFFFF0];
	v11 =	vadd.f32 v11, v13;
	v10 =	vadd.f32 v12, v10  }
0x239: {  	v12 =	vadd.f32 v14, v16;
	v13 =	vmul.f32 v20, v7;
	v7 =	vmul.f32 v7, v7;
	v14 =	vld [tilespmem:s0+$0x0]  }
0x23a: {  	v8 =	vadd.f32 v8, v11;
	v9 =	vadd.f32 v9, v10;
	v10 =	vmul.f32 v20, v20;
	v16 =	vld [tilespmem:s31+$0x0]  }
0x23b: {  	v11 =	vadd.f32 v13, v12;
	v12 =	vmul.f32 v19, v15;
	v13 =	vmul.f32 v15, v15;
	v15 =	vld [tilespmem:s0+$0x10]  }
0x23c: {  	v7 =	vadd.f32 v7, v8;
	v8 =	vadd.f32 v10, v9;
	v9 =	vmul.f32 v19, v19;
	v19 =	vld [tilespmem:s31+$0x10]  }
0x23d: {  	v11 =	vadd.f32 v12, v11;
	v12 =	vmul.f32 v17, v18;
	v18 =	vmul.f32 v18, v18;
	v20 =	vld [tilespmem:s0+$0x20]  }
0x23e: {  	v7 =	vadd.f32 v13, v7;
	v8 =	vadd.f32 v9, v8;
	v9 =	vmul.f32 v17, v17;
	v10 =	vld [tilespmem:s31+$0x20]  }
.Ltmp43:
0x23f: {  	v13 =	vadd.f32 v12, v11;
	v17 =	vmul.f32 v16, v14;
	v14 =	vmul.f32 v14, v14;
	v11 =	vld [tilespmem:s0+$0x30];
	(pc) =	sbr.rel @p2 .LBB2_55-.Ltmp43, $4  }
0x240: {  	v16 =	vmul.f32 v16, v16;
	s0 =	sadd.s32 $0x80, s0;
	v7 =	vadd.f32 v18, v7;
	v18 =	vadd.f32 v9, v8;
	v12 =	vld [tilespmem:s31+$0x30]  }
0x241: {  	s31 =	sadd.s32 $0x80, s31;
	v8 =	vld [tilespmem:s0+$0xFFFFFFC0];
	v17 =	vadd.f32 v17, v13;
	v21 =	vmul.f32 v19, v15;
	v13 =	vmul.f32 v15, v15  }
0x242: {  	v9 =	vld [tilespmem:s31+$0xFFFFFFC0];
	v14 =	vadd.f32 v14, v7;
	v15 =	vadd.f32 v16, v18;
	v16 =	vmul.f32 v19, v19  }
0x243: {  	s3 =	sadd.s32 $0xFFFFFFFF, s3;
	v18 =	vmul.f32 v20, v20;
	v7 =	vld [tilespmem:s0+$0xFFFFFFD0];
	v17 =	vadd.f32 v21, v17;
	v19 =	vmul.f32 v10, v20  }
.LBB2_56:
0x244: {  	v13 =	vadd.f32 @p1 v13, v14;
	v14 =	vadd.f32 @p1 v16, v15;
	v40 =	vld [tilespmem:s31+$0xFFFFFFD0];
	v10 =	vmul.f32 @p1 v10, v10  }
0x245: {  	v16 =	vadd.f32 @p1 v19, v17;
	v17 =	vmul.f32 @p1 v12, v11;
	v11 =	vmul.f32 @p1 v11, v11  }
0x246: {  	v41 =	vld [tilespmem:s0+$0xFFFFFFE0];
	v12 =	vmul.f32 @p1 v12, v12;
	v13 =	vadd.f32 @p1 v18, v13;
	v10 =	vadd.f32 @p1 v10, v14  }
0x247: {  	v42 =	vld [tilespmem:s31+$0xFFFFFFE0];
	v14 =	vadd.f32 @p1 v17, v16;
	v43 =	vmul.f32 v9, v8;
	v8 =	vmul.f32 v8, v8  }
0x248: {  	v44 =	vld [tilespmem:s0+$0xFFFFFFF0];
	v45 =	vmul.f32 v9, v9;
	v11 =	vadd.f32 @p1 v11, v13;
	v10 =	vadd.f32 @p1 v12, v10  }
0x249: {  	v46 =	vld [tilespmem:s31+$0xFFFFFFF0];
	v6 =	vpsel p1, v14, v6;
	v47 =	vmul.f32 v40, v7;
	v7 =	vmul.f32 v7, v7  }
0x24a: {  	v48 =	vld [tilespmem:s0+$0x0];
	v6 =	vadd.f32 v43, v6;
	v4 =	vpsel p1, v11, v4;
	v5 =	vpsel p1, v10, v5  }
0x24b: {  	v49 =	vld [tilespmem:s31+$0x0];
	v4 =	vadd.f32 v8, v4;
	v5 =	vadd.f32 v45, v5;
	v8 =	vmul.f32 v40, v40  }
0x24c: {  	v52 =	vld [tilespmem:s0+$0x10];
	v50 =	vmul.f32 v42, v41;
	v51 =	vmul.f32 v41, v41;
	v6 =	vadd.f32 v47, v6  }
0x24d: {  	v4 =	vadd.f32 v7, v4;
	v5 =	vadd.f32 v8, v5;
	v7 =	vmul.f32 v42, v42;
	v8 =	vld [tilespmem:s31+$0x10]  }
0x24e: {  	v55 =	vld [tilespmem:s0+$0x20];
	v53 =	vmul.f32 v46, v44;
	v54 =	vmul.f32 v44, v44;
	v6 =	vadd.f32 v50, v6  }
0x24f: {  	v56 =	vld [tilespmem:s31+$0x20];
	v4 =	vadd.f32 v51, v4;
	v5 =	vadd.f32 v7, v5;
	v7 =	vmul.f32 v46, v46  }
0x250: {  	v59 =	vld [tilespmem:s0+$0x30];
	v57 =	vmul.f32 v49, v48;
	v58 =	vmul.f32 v48, v48;
	v6 =	vadd.f32 v53, v6  }
0x251: {  	v60 =	vld [tilespmem:s31+$0x30];
	v4 =	vadd.f32 v54, v4;
	v5 =	vadd.f32 v7, v5;
	v7 =	vmul.f32 v49, v49  }
0x252: {  	v13 =	vmul.f32 v52, v52;
	v6 =	vadd.f32 v57, v6;
	v61 =	vmul.f32 v8, v52  }
0x253: {  	v4 =	vadd.f32 v58, v4;
	v5 =	vadd.f32 v7, v5;
	v7 =	vmul.f32 v8, v8  }
0x254: {  	v62 =	vmul.f32 v55, v55;
	v8 =	vmul.f32 v56, v55;
	v6 =	vadd.f32 v61, v6  }
0x255: {  	v4 =	vadd.f32 v13, v4;
	v5 =	vadd.f32 v7, v5;
	v7 =	vmul.f32 v56, v56  }
0x256: {  	v63 =	vmul.f32 v59, v59;
	v6 =	vadd.f32 v8, v6;
	v8 =	vmul.f32 v60, v59  }
0x257: {  	v4 =	vadd.f32 v62, v4;
	v5 =	vadd.f32 v7, v5;
	v7 =	vmul.f32 v60, v60  }
0x258: {  	v6 =	vadd.f32 v8, v6  }
0x259: {  	v4 =	vadd.f32 v63, v4;
	v5 =	vadd.f32 v7, v5  }
.LBB2_57:
0x25a: {  	p1 =	slt.u32 s30, $0x8  }
.Ltmp44:
0x25b: {  	_ = 	snop;
	(pc) =	sbr.rel @p1 .LBB2_59-.Ltmp44, $4  }
0x25c: {  	_ = 	snop  }
0x25d: {  	[tilespmem:$0x10800] =	vst v6  }
0x25e: {  	[tilespmem:$0x10810] =	vst v4  }
0x25f: {  	[tilespmem:$0x10820] =	vst v5  }
.Ltmp45:
0x260: {  	(pc) =	sbr.rel .LBB2_60-.Ltmp45, $4  }
0x261: {  	_ = 	snop  }
0x262: {  	[tilespmem:s20], [sflag:$0x3] =	stream.indirect.gather [hbm4b:s1+s12], $0x80, s25, s12, $0xb8;
	[tilespmem:$0x10880] =	vst v63  }
0x263: {  	_ = 	snop  }
0x264: {  	[tilespmem:s21], [sflag:$0x4] =	stream.indirect.gather [hbm4b:s2+s12], $0x80, s25, s12, $0xb8;
	[tilespmem:$0x10880] =	vst v63  }
.LBB2_59:
.Ltmp46:
0x265: {  	(pc) =	sbr.rel @p0 .LBB2_74-.Ltmp46, $1  }
0x266: {  	_ =	sdelay $0x3  }
.LBB2_60:
0x267: {  	_ =	swait.ge [sflag:s11], $0x4000  }
0x268: {  	[sflag:s11] =	ssyncset.done $0x0  }
0x269: {  	s3 =	sadd.s32 $0xFFFFFD00, s29;
	[sflag:s11] =	ssyncadd.s32 $0xFFFFC000  }
0x26a: {  	p0 =	slt.s32 s3, $0x1;
	_ =	swait.ge [sflag:s15], $0x4000  }
.Ltmp47:
0x26b: {  	[sflag:s15] =	ssyncset.done $0x0;
	(pc) =	sbr.rel @p0 .LBB2_66-.Ltmp47, $4  }
0x26c: {  	[sflag:s15] =	ssyncadd.s32 $0xFFFFC000  }
0x26d: {  	v6 =	vld [tilespmem:$0x10800]  }
0x26e: {  	v4 =	vld [tilespmem:$0x10810]  }
0x26f: {  	v5 =	vld [tilespmem:$0x10820]  }
0x270: {  	s3 =	smin.u32 s3, $0x80  }
0x271: {  	p2 =	sne.s32 s3, $0x1  }
.Ltmp48:
0x272: {  	_ = 	snop;
	(pc) =	sbr.rel @!p2 .LBB2_62-.Ltmp48, $4  }
0x273: {  	s0 =	simm.s32 $0x840  }
0x274: {  	s30 =	simm.s32 $0x4840;
	v8 =	vld [tilespmem:s0+$0xFFFFFFC0]  }
0x275: {  	v9 =	vld [tilespmem:s30+$0xFFFFFFC0]  }
0x276: {  	p0 =	por $0x0, $0x0;
	v7 =	vld [tilespmem:s0+$0xFFFFFFD0];
	s3 =	sadd.s32 $0xFFFFFFFF, s3  }
0x277: {  	v10 =	vld [tilespmem:s30+$0xFFFFFFD0]  }
0x278: {  	v11 =	vld [tilespmem:s0+$0xFFFFFFE0]  }
0x279: {  	v12 =	vld [tilespmem:s30+$0xFFFFFFE0]  }
0x27a: {  	v14 =	vld [tilespmem:s0+$0xFFFFFFF0];
	v13 =	vmul.f32 v9, v8  }
0x27b: {  	v15 =	vld [tilespmem:s30+$0xFFFFFFF0];
	v8 =	vmul.f32 v8, v8;
	v9 =	vmul.f32 v9, v9  }
0x27c: {  	v17 =	vld [tilespmem:s0+$0x0];
	v13 =	vadd.f32 v13, v6;
	v16 =	vmul.f32 v10, v7;
	v7 =	vmul.f32 v7, v7  }
0x27d: {  	v18 =	vld [tilespmem:s30+$0x0];
	v8 =	vadd.f32 v8, v4;
	v9 =	vadd.f32 v9, v5;
	v10 =	vmul.f32 v10, v10  }
0x27e: {  	v19 =	vld [tilespmem:s0+$0x10];
	v13 =	vadd.f32 v16, v13;
	v16 =	vmul.f32 v12, v11;
	v11 =	vmul.f32 v11, v11  }
0x27f: {  	v20 =	vld [tilespmem:s30+$0x10];
	v7 =	vadd.f32 v7, v8;
	v8 =	vadd.f32 v10, v9;
	v9 =	vmul.f32 v12, v12  }
0x280: {  	v21 =	vld [tilespmem:s0+$0x20];
	v12 =	vadd.f32 v16, v13;
	v13 =	vmul.f32 v15, v14;
	v14 =	vmul.f32 v14, v14  }
0x281: {  	p2 =	sne.s32 s3, $0x1;
	v10 =	vld [tilespmem:s30+$0x20];
	v7 =	vadd.f32 v11, v7;
	v8 =	vadd.f32 v9, v8;
	v9 =	vmul.f32 v15, v15  }
.Ltmp49:
0x282: {  	v15 =	vmul.f32 v18, v17;
	v16 =	vmul.f32 v17, v17;
	v11 =	vld [tilespmem:s0+$0x30];
	v13 =	vadd.f32 v13, v12;
	(pc) =	sbr.rel @!p2 .LBB2_65-.Ltmp49, $4  }
0x283: {  	v18 =	vmul.f32 v18, v18;
	s0 =	simm.s32 $0x8C0;
	v7 =	vadd.f32 v14, v7;
	v17 =	vadd.f32 v9, v8;
	v12 =	vld [tilespmem:s30+$0x30]  }
0x284: {  	v23 =	vmul.f32 v20, v19;
	v8 =	vld [tilespmem:s0+$0xFFFFFFC0];
	s30 =	simm.s32 $0x48C0;
	v22 =	vadd.f32 v15, v13;
	v13 =	vmul.f32 v19, v19  }
0x285: {  	v9 =	vld [tilespmem:s30+$0xFFFFFFC0];
	v14 =	vadd.f32 v16, v7;
	v15 =	vadd.f32 v18, v17;
	v16 =	vmul.f32 v20, v20  }
0x286: {  	s3 =	sadd.s32 $0xFFFFFFFF, s3;
	p0 =	por $0x1, $0x1;
	v7 =	vld [tilespmem:s0+$0xFFFFFFD0];
	v19 =	vmul.f32 v10, v21;
	v18 =	vmul.f32 v21, v21;
	v17 =	vadd.f32 v23, v22  }
.LBB2_64:
0x287: {  	p2 =	sne.s32 s3, $0x1;
	v20 =	vld [tilespmem:s30+$0xFFFFFFD0];
	v13 =	vadd.f32 v13, v14;
	v14 =	vadd.f32 v16, v15;
	v10 =	vmul.f32 v10, v10  }
0x288: {  	v15 =	vld [tilespmem:s0+$0xFFFFFFE0];
	v16 =	vadd.f32 v19, v17;
	v17 =	vmul.f32 v12, v11;
	v11 =	vmul.f32 v11, v11  }
0x289: {  	v12 =	vmul.f32 v12, v12;
	v19 =	vld [tilespmem:s30+$0xFFFFFFE0];
	v13 =	vadd.f32 v18, v13;
	v10 =	vadd.f32 v10, v14  }
0x28a: {  	v14 =	vmul.f32 v9, v8;
	v8 =	vmul.f32 v8, v8;
	v18 =	vld [tilespmem:s0+$0xFFFFFFF0];
	v16 =	vadd.f32 v17, v16  }
0x28b: {  	v9 =	vmul.f32 v9, v9;
	v17 =	vld [tilespmem:s30+$0xFFFFFFF0];
	v11 =	vadd.f32 v11, v13;
	v10 =	vadd.f32 v12, v10  }
0x28c: {  	v12 =	vadd.f32 v14, v16;
	v13 =	vmul.f32 v20, v7;
	v7 =	vmul.f32 v7, v7;
	v14 =	vld [tilespmem:s0+$0x0]  }
0x28d: {  	v8 =	vadd.f32 v8, v11;
	v9 =	vadd.f32 v9, v10;
	v10 =	vmul.f32 v20, v20;
	v16 =	vld [tilespmem:s30+$0x0]  }
0x28e: {  	v11 =	vadd.f32 v13, v12;
	v12 =	vmul.f32 v19, v15;
	v13 =	vmul.f32 v15, v15;
	v15 =	vld [tilespmem:s0+$0x10]  }
0x28f: {  	v7 =	vadd.f32 v7, v8;
	v8 =	vadd.f32 v10, v9;
	v9 =	vmul.f32 v19, v19;
	v19 =	vld [tilespmem:s30+$0x10]  }
0x290: {  	v11 =	vadd.f32 v12, v11;
	v12 =	vmul.f32 v17, v18;
	v18 =	vmul.f32 v18, v18;
	v20 =	vld [tilespmem:s0+$0x20]  }
0x291: {  	v7 =	vadd.f32 v13, v7;
	v8 =	vadd.f32 v9, v8;
	v9 =	vmul.f32 v17, v17;
	v10 =	vld [tilespmem:s30+$0x20]  }
.Ltmp50:
0x292: {  	v13 =	vadd.f32 v12, v11;
	v17 =	vmul.f32 v16, v14;
	v14 =	vmul.f32 v14, v14;
	v11 =	vld [tilespmem:s0+$0x30];
	(pc) =	sbr.rel @p2 .LBB2_64-.Ltmp50, $4  }
0x293: {  	v16 =	vmul.f32 v16, v16;
	s0 =	sadd.s32 $0x80, s0;
	v7 =	vadd.f32 v18, v7;
	v18 =	vadd.f32 v9, v8;
	v12 =	vld [tilespmem:s30+$0x30]  }
0x294: {  	s30 =	sadd.s32 $0x80, s30;
	v8 =	vld [tilespmem:s0+$0xFFFFFFC0];
	v17 =	vadd.f32 v17, v13;
	v21 =	vmul.f32 v19, v15;
	v13 =	vmul.f32 v15, v15  }
0x295: {  	v9 =	vld [tilespmem:s30+$0xFFFFFFC0];
	v14 =	vadd.f32 v14, v7;
	v15 =	vadd.f32 v16, v18;
	v16 =	vmul.f32 v19, v19  }
0x296: {  	s3 =	sadd.s32 $0xFFFFFFFF, s3;
	v18 =	vmul.f32 v20, v20;
	v7 =	vld [tilespmem:s0+$0xFFFFFFD0];
	v17 =	vadd.f32 v21, v17;
	v19 =	vmul.f32 v10, v20  }
.LBB2_65:
0x297: {  	v13 =	vadd.f32 @p0 v13, v14;
	v14 =	vadd.f32 @p0 v16, v15;
	v40 =	vld [tilespmem:s30+$0xFFFFFFD0];
	v10 =	vmul.f32 @p0 v10, v10  }
0x298: {  	v16 =	vadd.f32 @p0 v19, v17;
	v17 =	vmul.f32 @p0 v12, v11;
	v11 =	vmul.f32 @p0 v11, v11  }
0x299: {  	v41 =	vld [tilespmem:s0+$0xFFFFFFE0];
	v12 =	vmul.f32 @p0 v12, v12;
	v13 =	vadd.f32 @p0 v18, v13;
	v10 =	vadd.f32 @p0 v10, v14  }
0x29a: {  	v42 =	vld [tilespmem:s30+$0xFFFFFFE0];
	v14 =	vadd.f32 @p0 v17, v16;
	v43 =	vmul.f32 v9, v8;
	v8 =	vmul.f32 v8, v8  }
0x29b: {  	v44 =	vld [tilespmem:s0+$0xFFFFFFF0];
	v45 =	vmul.f32 v9, v9;
	v11 =	vadd.f32 @p0 v11, v13;
	v10 =	vadd.f32 @p0 v12, v10  }
0x29c: {  	v46 =	vld [tilespmem:s30+$0xFFFFFFF0];
	v6 =	vpsel p0, v14, v6;
	v47 =	vmul.f32 v40, v7;
	v7 =	vmul.f32 v7, v7  }
0x29d: {  	v48 =	vld [tilespmem:s0+$0x0];
	v6 =	vadd.f32 v43, v6;
	v4 =	vpsel p0, v11, v4;
	v5 =	vpsel p0, v10, v5  }
0x29e: {  	v49 =	vld [tilespmem:s30+$0x0];
	v4 =	vadd.f32 v8, v4;
	v5 =	vadd.f32 v45, v5;
	v8 =	vmul.f32 v40, v40  }
0x29f: {  	v52 =	vld [tilespmem:s0+$0x10];
	v50 =	vmul.f32 v42, v41;
	v51 =	vmul.f32 v41, v41;
	v6 =	vadd.f32 v47, v6  }
0x2a0: {  	v4 =	vadd.f32 v7, v4;
	v5 =	vadd.f32 v8, v5;
	v7 =	vmul.f32 v42, v42;
	v8 =	vld [tilespmem:s30+$0x10]  }
0x2a1: {  	v55 =	vld [tilespmem:s0+$0x20];
	v53 =	vmul.f32 v46, v44;
	v54 =	vmul.f32 v44, v44;
	v6 =	vadd.f32 v50, v6  }
0x2a2: {  	v56 =	vld [tilespmem:s30+$0x20];
	v4 =	vadd.f32 v51, v4;
	v5 =	vadd.f32 v7, v5;
	v7 =	vmul.f32 v46, v46  }
0x2a3: {  	v59 =	vld [tilespmem:s0+$0x30];
	v57 =	vmul.f32 v49, v48;
	v58 =	vmul.f32 v48, v48;
	v6 =	vadd.f32 v53, v6  }
0x2a4: {  	v60 =	vld [tilespmem:s30+$0x30];
	v4 =	vadd.f32 v54, v4;
	v5 =	vadd.f32 v7, v5;
	v7 =	vmul.f32 v49, v49  }
0x2a5: {  	v13 =	vmul.f32 v52, v52;
	v6 =	vadd.f32 v57, v6;
	v61 =	vmul.f32 v8, v52  }
0x2a6: {  	v4 =	vadd.f32 v58, v4;
	v5 =	vadd.f32 v7, v5;
	v7 =	vmul.f32 v8, v8  }
0x2a7: {  	v62 =	vmul.f32 v55, v55;
	v8 =	vmul.f32 v56, v55;
	v6 =	vadd.f32 v61, v6  }
0x2a8: {  	v4 =	vadd.f32 v13, v4;
	v5 =	vadd.f32 v7, v5;
	v7 =	vmul.f32 v56, v56  }
0x2a9: {  	v63 =	vmul.f32 v59, v59;
	v6 =	vadd.f32 v8, v6;
	v8 =	vmul.f32 v60, v59  }
0x2aa: {  	v4 =	vadd.f32 v62, v4;
	v5 =	vadd.f32 v7, v5;
	v7 =	vmul.f32 v60, v60  }
0x2ab: {  	v6 =	vadd.f32 v8, v6  }
0x2ac: {  	v4 =	vadd.f32 v63, v4;
	v5 =	vadd.f32 v7, v5  }
.LBB2_66:
.Ltmp51:
0x2ad: {  	_ = 	snop;
	(pc) =	sbr.rel @p1 .LBB2_74-.Ltmp51, $4  }
0x2ae: {  	_ = 	snop  }
0x2af: {  	[tilespmem:$0x10800] =	vst v6  }
0x2b0: {  	[tilespmem:$0x10810] =	vst v4  }
0x2b1: {  	[tilespmem:$0x10820] =	vst v5  }
0x2b2: {  	s3 =	sadd.s32 $0xFFFFFC80, s29  }
0x2b3: {  	_ =	swait.ge [sflag:s17], $0x4000;
	p0 =	slt.s32 s3, $0x1  }
.Ltmp52:
0x2b4: {  	[sflag:s17] =	ssyncset.done $0x0;
	(pc) =	sbr.rel @p0 .LBB2_73-.Ltmp52, $4  }
0x2b5: {  	[sflag:s17] =	ssyncadd.s32 $0xFFFFC000  }
0x2b6: {  	_ =	swait.ge [sflag:s18], $0x4000  }
0x2b7: {  	[sflag:s18] =	ssyncset.done $0x0  }
0x2b8: {  	[sflag:s18] =	ssyncadd.s32 $0xFFFFC000  }
0x2b9: {  	s3 =	smin.u32 s3, $0x80  }
0x2ba: {  	p1 =	sne.s32 s3, $0x1  }
.Ltmp53:
0x2bb: {  	_ = 	snop;
	(pc) =	sbr.rel @!p1 .LBB2_69-.Ltmp53, $4  }
0x2bc: {  	s0 =	simm.s32 $0x8840  }
0x2bd: {  	s30 =	simm.s32 $0xC840;
	v8 =	vld [tilespmem:s0+$0xFFFFFFC0]  }
0x2be: {  	v9 =	vld [tilespmem:s30+$0xFFFFFFC0]  }
0x2bf: {  	p0 =	por $0x0, $0x0;
	v7 =	vld [tilespmem:s0+$0xFFFFFFD0];
	s3 =	sadd.s32 $0xFFFFFFFF, s3  }
0x2c0: {  	v10 =	vld [tilespmem:s30+$0xFFFFFFD0]  }
0x2c1: {  	v11 =	vld [tilespmem:s0+$0xFFFFFFE0]  }
0x2c2: {  	v12 =	vld [tilespmem:s30+$0xFFFFFFE0]  }
0x2c3: {  	v14 =	vld [tilespmem:s0+$0xFFFFFFF0];
	v13 =	vmul.f32 v9, v8  }
0x2c4: {  	v15 =	vld [tilespmem:s30+$0xFFFFFFF0];
	v8 =	vmul.f32 v8, v8;
	v9 =	vmul.f32 v9, v9  }
0x2c5: {  	v17 =	vld [tilespmem:s0+$0x0];
	v13 =	vadd.f32 v13, v6;
	v16 =	vmul.f32 v10, v7;
	v7 =	vmul.f32 v7, v7  }
0x2c6: {  	v18 =	vld [tilespmem:s30+$0x0];
	v8 =	vadd.f32 v8, v4;
	v9 =	vadd.f32 v9, v5;
	v10 =	vmul.f32 v10, v10  }
0x2c7: {  	v19 =	vld [tilespmem:s0+$0x10];
	v13 =	vadd.f32 v16, v13;
	v16 =	vmul.f32 v12, v11;
	v11 =	vmul.f32 v11, v11  }
0x2c8: {  	v20 =	vld [tilespmem:s30+$0x10];
	v7 =	vadd.f32 v7, v8;
	v8 =	vadd.f32 v10, v9;
	v9 =	vmul.f32 v12, v12  }
0x2c9: {  	v21 =	vld [tilespmem:s0+$0x20];
	v12 =	vadd.f32 v16, v13;
	v13 =	vmul.f32 v15, v14;
	v14 =	vmul.f32 v14, v14  }
0x2ca: {  	p1 =	sne.s32 s3, $0x1;
	v10 =	vld [tilespmem:s30+$0x20];
	v7 =	vadd.f32 v11, v7;
	v8 =	vadd.f32 v9, v8;
	v9 =	vmul.f32 v15, v15  }
.Ltmp54:
0x2cb: {  	v15 =	vmul.f32 v18, v17;
	v16 =	vmul.f32 v17, v17;
	v11 =	vld [tilespmem:s0+$0x30];
	v13 =	vadd.f32 v13, v12;
	(pc) =	sbr.rel @!p1 .LBB2_72-.Ltmp54, $4  }
0x2cc: {  	v18 =	vmul.f32 v18, v18;
	s0 =	simm.s32 $0x88C0;
	v7 =	vadd.f32 v14, v7;
	v17 =	vadd.f32 v9, v8;
	v12 =	vld [tilespmem:s30+$0x30]  }
0x2cd: {  	v23 =	vmul.f32 v20, v19;
	v8 =	vld [tilespmem:s0+$0xFFFFFFC0];
	s30 =	simm.s32 $0xC8C0;
	v22 =	vadd.f32 v15, v13;
	v13 =	vmul.f32 v19, v19  }
0x2ce: {  	v9 =	vld [tilespmem:s30+$0xFFFFFFC0];
	v14 =	vadd.f32 v16, v7;
	v15 =	vadd.f32 v18, v17;
	v16 =	vmul.f32 v20, v20  }
0x2cf: {  	s3 =	sadd.s32 $0xFFFFFFFF, s3;
	p0 =	por $0x1, $0x1;
	v7 =	vld [tilespmem:s0+$0xFFFFFFD0];
	v19 =	vmul.f32 v10, v21;
	v18 =	vmul.f32 v21, v21;
	v17 =	vadd.f32 v23, v22  }
.LBB2_71:
0x2d0: {  	p1 =	sne.s32 s3, $0x1;
	v20 =	vld [tilespmem:s30+$0xFFFFFFD0];
	v13 =	vadd.f32 v13, v14;
	v14 =	vadd.f32 v16, v15;
	v10 =	vmul.f32 v10, v10  }
0x2d1: {  	v16 =	vadd.f32 v19, v17;
	v17 =	vmul.f32 v12, v11;
	v11 =	vmul.f32 v11, v11;
	v15 =	vld [tilespmem:s0+$0xFFFFFFE0]  }
0x2d2: {  	v12 =	vmul.f32 v12, v12;
	v19 =	vld [tilespmem:s30+$0xFFFFFFE0];
	v13 =	vadd.f32 v18, v13;
	v10 =	vadd.f32 v10, v14  }
0x2d3: {  	v14 =	vmul.f32 v9, v8;
	v8 =	vmul.f32 v8, v8;
	v16 =	vadd.f32 v17, v16;
	v18 =	vld [tilespmem:s0+$0xFFFFFFF0]  }
0x2d4: {  	v9 =	vmul.f32 v9, v9;
	v17 =	vld [tilespmem:s30+$0xFFFFFFF0];
	v11 =	vadd.f32 v11, v13;
	v10 =	vadd.f32 v12, v10  }
0x2d5: {  	v12 =	vadd.f32 v14, v16;
	v13 =	vmul.f32 v20, v7;
	v7 =	vmul.f32 v7, v7;
	v14 =	vld [tilespmem:s0+$0x0]  }
0x2d6: {  	v8 =	vadd.f32 v8, v11;
	v9 =	vadd.f32 v9, v10;
	v10 =	vmul.f32 v20, v20;
	v16 =	vld [tilespmem:s30+$0x0]  }
0x2d7: {  	v11 =	vadd.f32 v13, v12;
	v12 =	vmul.f32 v19, v15;
	v13 =	vmul.f32 v15, v15;
	v15 =	vld [tilespmem:s0+$0x10]  }
0x2d8: {  	v7 =	vadd.f32 v7, v8;
	v8 =	vadd.f32 v10, v9;
	v9 =	vmul.f32 v19, v19;
	v19 =	vld [tilespmem:s30+$0x10]  }
0x2d9: {  	v11 =	vadd.f32 v12, v11;
	v12 =	vmul.f32 v17, v18;
	v18 =	vmul.f32 v18, v18;
	v20 =	vld [tilespmem:s0+$0x20]  }
0x2da: {  	v7 =	vadd.f32 v13, v7;
	v8 =	vadd.f32 v9, v8;
	v9 =	vmul.f32 v17, v17;
	v10 =	vld [tilespmem:s30+$0x20]  }
.Ltmp55:
0x2db: {  	v13 =	vadd.f32 v12, v11;
	v17 =	vmul.f32 v16, v14;
	v14 =	vmul.f32 v14, v14;
	v11 =	vld [tilespmem:s0+$0x30];
	(pc) =	sbr.rel @p1 .LBB2_71-.Ltmp55, $4  }
0x2dc: {  	v16 =	vmul.f32 v16, v16;
	s0 =	sadd.s32 $0x80, s0;
	v7 =	vadd.f32 v18, v7;
	v18 =	vadd.f32 v9, v8;
	v12 =	vld [tilespmem:s30+$0x30]  }
0x2dd: {  	s30 =	sadd.s32 $0x80, s30;
	v8 =	vld [tilespmem:s0+$0xFFFFFFC0];
	v17 =	vadd.f32 v17, v13;
	v21 =	vmul.f32 v19, v15;
	v13 =	vmul.f32 v15, v15  }
0x2de: {  	v9 =	vld [tilespmem:s30+$0xFFFFFFC0];
	v14 =	vadd.f32 v14, v7;
	v15 =	vadd.f32 v16, v18;
	v16 =	vmul.f32 v19, v19  }
0x2df: {  	s3 =	sadd.s32 $0xFFFFFFFF, s3;
	v18 =	vmul.f32 v20, v20;
	v7 =	vld [tilespmem:s0+$0xFFFFFFD0];
	v17 =	vadd.f32 v21, v17;
	v19 =	vmul.f32 v10, v20  }
.Ltmp56:
0x2e0: {  	_ = 	snop;
	(pc) =	sbr.rel .LBB2_72-.Ltmp56, $1  }
0x2e1: {  	_ =	sdelay $0x3  }
.LBB2_8:
.Ltmp57:
0x2e2: {  	(pc) =	sbr.rel .LBB2_11-.Ltmp57, $2  }
0x2e3: {  	_ =	sdelay $0x2  }
0x2e4: {  	_ = 	snop  }
.LBB2_17:
.Ltmp58:
0x2e5: {  	(pc) =	sbr.rel .LBB2_20-.Ltmp58, $2  }
0x2e6: {  	_ =	sdelay $0x2  }
0x2e7: {  	_ = 	snop  }
.LBB2_26:
.Ltmp59:
0x2e8: {  	(pc) =	sbr.rel .LBB2_29-.Ltmp59, $2  }
0x2e9: {  	_ =	sdelay $0x2  }
0x2ea: {  	_ = 	snop  }
.LBB2_35:
.Ltmp60:
0x2eb: {  	(pc) =	sbr.rel .LBB2_38-.Ltmp60, $2  }
0x2ec: {  	_ =	sdelay $0x2  }
0x2ed: {  	_ = 	snop  }
.LBB2_44:
.Ltmp61:
0x2ee: {  	(pc) =	sbr.rel .LBB2_47-.Ltmp61, $2  }
0x2ef: {  	_ =	sdelay $0x2  }
0x2f0: {  	_ = 	snop  }
.LBB2_53:
.Ltmp62:
0x2f1: {  	(pc) =	sbr.rel .LBB2_56-.Ltmp62, $2  }
0x2f2: {  	_ =	sdelay $0x2  }
0x2f3: {  	_ = 	snop  }
.LBB2_62:
.Ltmp63:
0x2f4: {  	(pc) =	sbr.rel .LBB2_65-.Ltmp63, $2  }
0x2f5: {  	_ =	sdelay $0x2  }
0x2f6: {  	_ = 	snop  }
.LBB2_75:
0x2f7: {  	_ =	sfence.sel $0x180000  }
0x2f8: {  	[bflag:$0x0] =	sbarrier.arrive $0xFFFF  }
0x2f9: {  	_ =	strace $0x90000047  }
0x2fa: {  	s0 =	stileid.u32;
	[bflag:$0x2] =	sbarrier.arrive $0xFFFF  }
0x2fb: {  	p0 =	sne.s32 s0, $0x0;
	s0 =	rddreg [dreg:$0x4]  }
0x2fc: {  	s0 =	sadd.s32 @!p0 $0x100000, s0  }
0x2fd: {  	[sflag:s0] =	ssyncadd.tile.s32 @!p0 $0x1;
	_ =	shalt  }
.Lfunc_end2:
_tile_overlayer_lowered:
.L_overlay_start_2:
0x2fe: {  	(tag) =	ssettag $0x2  }
0x2ff: {  	s0 =	rddreg [dreg:$0x0];
	s2 =	stileid.u32  }
0x300: {  	s1 =	rddreg [dreg:$0x1];
	p0 =	sne.s32 s2, $0x0  }
0x301: {  	s3 =	rddreg [dreg:$0x2];
	[bflag:$0x3] =	sbarrier.arrive $0xFFFF;
	s2 =	simm.s32 @!p0 $0x1C05  }
0x302: {  	[timem:s3], [sflag:s2] =	dma.local @!p0 [hbm:s0], s1  }
0x303: {  	s0 =	simm.s32 @!p0 $0x5  }
0x304: {  	_ =	swait.ge @!p0 [sflag:s0], s1  }
0x305: {  	s1 =	ssub.s32 @!p0 $0x0, s1;
	[sflag:s0] =	ssyncset.done @!p0 $0x0  }
0x306: {  	[sflag:s0] =	ssyncadd.s32 @!p0 s1  }
0x307: {  	[bflag:$0x3] =	sbarrier.arrive $0xFFFF  }
0x308: {  	_ =	shalt  }

</sc_bundles>
